<compile_context>
chip_gen: v7x
topology: tpu7x:2x2x1
jax: 0.10.2.dev20260603
libtpu: 0.0.44.dev20260713+nightly
codegen_flags: <defaults>
</compile_context>

<pallas_src>
import functools

import jax
import jax.numpy as jnp
from jax import lax
from jax.experimental import pallas as pl
from jax.experimental.pallas import tpu as pltpu
from jax.experimental.pallas import tpu_sc as plsc

VOCAB = 1000000
DIM = 64
SEQ_LEN = 200
BATCH = 4096

NUM_CORES = 2
NUM_SUBCORES = 16
NW = NUM_CORES * NUM_SUBCORES
HALF = 245 * 2048
BC = 256
CHUNKS_PER_S = BATCH // BC
UNITS = SEQ_LEN * CHUNKS_PER_S
UNITS_PER_W = UNITS // NW
PAIRS = UNITS_PER_W // 2
LANES = 16
GROUPS = BC // LANES


def _pos_encoding():
    even_i = jnp.arange(0, DIM, 2).astype(jnp.float32)
    denominator = jnp.power(10000.0, even_i / DIM)
    position = jnp.arange(SEQ_LEN).reshape(SEQ_LEN, 1).astype(jnp.float32)
    even_pe = jnp.sin(position / denominator)
    odd_pe = jnp.cos(position / denominator)
    return jnp.stack([even_pe, odd_pe], axis=2).reshape(SEQ_LEN, DIM)


def _prep_body(lo_ref, hi_ref, out_ref):
    eye = (lax.broadcasted_iota(jnp.int32, (DIM, DIM), 0) ==
           lax.broadcasted_iota(jnp.int32, (DIM, DIM), 1)).astype(jnp.float32)
    dn = (((0,), (0,)), ((), ()))
    lo = lax.dot_general(lo_ref[...], eye, dn,
                         preferred_element_type=jnp.float32)
    hi = lax.dot_general(hi_ref[...], eye, dn,
                         preferred_element_type=jnp.float32)
    out_ref[...] = jnp.concatenate([lo, hi], axis=1)


_prep_call = pl.pallas_call(
    _prep_body,
    grid=(245,),
    in_specs=[
        pl.BlockSpec((64, 2048), lambda i: (0, i)),
        pl.BlockSpec((64, 2048), lambda i: (0, jnp.minimum(i + 245, 488))),
    ],
    out_specs=pl.BlockSpec((2048, 2 * DIM), lambda i: (i, 0)),
    out_shape=jax.ShapeDtypeStruct((HALF, 2 * DIM), jnp.float32),
)


def _body(gidx_hbm, tab_hbm, pe_hbm, out_hbm,
          idx0, idx1, g0, g1, pe_v,
          gsem0, gsem1, wsem0, wsem1):
    wid = lax.axis_index("s") * NUM_CORES + lax.axis_index("c")
    pltpu.sync_copy(pe_hbm, pe_v)
    u0 = wid * UNITS_PER_W

    def unit_su(u):
        s = lax.shift_right_logical(u, 4)
        b0 = lax.mul(lax.bitwise_and(u, CHUNKS_PER_S - 1), BC)
        return s, b0

    def stage(u, idx_v):
        s, b0 = unit_su(u)
        for j in range(BC // 128):
            pltpu.sync_copy(gidx_hbm.at[s, pl.ds(b0 + j * 128, 128)],
                            idx_v.at[j])

    def fire_gathers(idx_v, g_v, gsem):
        for j in range(BC // 128):
            pltpu.make_async_copy(
                tab_hbm.at[idx_v.at[j]],
                g_v.at[pl.ds(j * 128, 128)],
                gsem,
            ).start()

    def wait_gathers(idx_v, g_v, gsem):
        for j in range(BC // 128):
            pltpu.make_async_copy(
                tab_hbm.at[idx_v.at[j]],
                g_v.at[pl.ds(j * 128, 128)],
                gsem,
            ).wait()

    def add_pe(u, g_v):
        s, _ = unit_su(u)
        pe = [pe_v[s, pl.ds(dd * LANES, LANES)] for dd in range(DIM // LANES)]

        def g_body(g, carry):
            base = g * LANES
            for j in range(LANES):
                r = base + j
                for dd in range(DIM // LANES):
                    sl = pl.ds(dd * LANES, LANES)
                    g_v[r, sl] = g_v[r, sl] + pe[dd]
            return carry

        lax.fori_loop(0, GROUPS, g_body, 0)

    def fire_wb(u, g_v, wsem):
        s, b0 = unit_su(u)
        pltpu.make_async_copy(
            g_v, out_hbm.at[s, pl.ds(b0, BC)], wsem
        ).start()

    def drain_wb(g_v, wsem):
        pltpu.make_async_copy(
            g_v, out_hbm.at[0, pl.ds(0, BC)], wsem
        ).wait()

    stage(u0, idx0)
    fire_gathers(idx0, g0, gsem0)

    def pair_body(k, carry):
        u = u0 + 2 * k
        stage(u + 1, idx1)

        @pl.when(k >= 1)
        def _():
            drain_wb(g1, wsem1)
        fire_gathers(idx1, g1, gsem1)
        wait_gathers(idx0, g0, gsem0)
        add_pe(u, g0)
        fire_wb(u, g0, wsem0)

        @pl.when(k < PAIRS - 1)
        def _():
            stage(u + 2, idx0)
            drain_wb(g0, wsem0)
            fire_gathers(idx0, g0, gsem0)
        wait_gathers(idx1, g1, gsem1)
        add_pe(u + 1, g1)
        fire_wb(u + 1, g1, wsem1)
        return carry

    lax.fori_loop(0, PAIRS, pair_body, 0)
    drain_wb(g0, wsem0)
    drain_wb(g1, wsem1)


_emb_call = functools.partial(
    pl.kernel,
    mesh=plsc.VectorSubcoreMesh(core_axis_name="c", subcore_axis_name="s"),
    out_type=jax.ShapeDtypeStruct((SEQ_LEN, BATCH, DIM), jnp.float32),
    scratch_types=[
        pltpu.VMEM((BC // 128, 128), jnp.int32),
        pltpu.VMEM((BC // 128, 128), jnp.int32),
        pltpu.VMEM((BC, DIM), jnp.float32),
        pltpu.VMEM((BC, DIM), jnp.float32),
        pltpu.VMEM((SEQ_LEN, DIM), jnp.float32),
        pltpu.SemaphoreType.DMA,
        pltpu.SemaphoreType.DMA,
        pltpu.SemaphoreType.DMA,
        pltpu.SemaphoreType.DMA,
    ],
    compiler_params=pltpu.CompilerParams(
        use_tc_tiling_on_sc=False, needs_layout_passes=False),
)(_body)


@jax.jit
def kernel(inputs, word_embedding):
    idx_t = inputs.astype(jnp.int32).T
    hi = idx_t >= HALF
    gidx = jnp.where(hi, 2 * (idx_t - HALF) + 1, 2 * idx_t)
    wbt = word_embedding.T
    packed = _prep_call(wbt, wbt)
    tab = packed.reshape(2 * HALF, DIM)
    pe = _pos_encoding()
    out_sbd = _emb_call(gidx, tab, pe)
    return jnp.transpose(out_sbd, (1, 0, 2))

# --- scband reference (transcript-rebuilt; emitter-appended) ---
"""Pipeline reference for scband-position-embedding-fixed-weights-38311108280896 (READ-ONLY COPY).

The authoritative reference and input builder live on the scoring server;
editing this copy changes nothing except your own understanding.
"""

import jax, jax.numpy as jnp
import numpy as np

VOCAB = 1000000
DIM = 64
SEQ_LEN = 200
BATCH = 4096


def get_position_encoding(seq_len, d_model):
    even_i = jnp.arange(0, d_model, 2).astype(jnp.float32)
    denominator = jnp.power(10000.0, even_i / d_model)
    position = jnp.arange(seq_len).reshape(seq_len, 1).astype(jnp.float32)
    even_PE = jnp.sin(position / denominator)
    odd_PE = jnp.cos(position / denominator)
    stacked = jnp.stack([even_PE, odd_PE], axis=2)
    PE = stacked.reshape(seq_len, d_model)
    return PE


def setup_inputs(seed: int = 0) -> dict:
    key = jax.random.key(seed)
    k_idx, k_tab = jax.random.split(key)
    inputs = jax.random.randint(k_idx, (BATCH, SEQ_LEN), 0, VOCAB, dtype=jnp.int64) if jax.config.jax_enable_x64 else jax.random.randint(k_idx, (BATCH, SEQ_LEN), 0, VOCAB, dtype=jnp.int32)
    word_embedding = jax.random.normal(k_tab, (VOCAB, DIM), dtype=jnp.float32)
    return {"inputs": inputs, "word_embedding": word_embedding}


def reference(inputs, word_embedding):
    # fixed (non-learned) sinusoidal position encoding
    pe = get_position_encoding(SEQ_LEN, DIM)
    position_indices = jnp.arange(SEQ_LEN)
    embedded_words = jnp.take(word_embedding, inputs, axis=0)
    embedded_indices = pe[position_indices]
    return embedded_words + embedded_indices

if __name__ == "__main__":
    import jax
    _d = setup_inputs()
    print(jax.jit(kernel)(*tuple(_d.values())))

</pallas_src>

<mosaic_0001>
#map = affine_map<(d0, d1) -> (0, 0)>
#map1 = affine_map<(d0, d1) -> (0, 0, 0)>
module attributes {stable_mosaic.version = 14 : i64} {
  func.func @_body(%arg0: i32, %arg1: i32, %arg2: memref<200x4096xi32, #tpu.memory_space<hbm>>, %arg3: memref<1003520x64xf32, #tpu.memory_space<hbm>>, %arg4: memref<200x64xf32, #tpu.memory_space<hbm>>, %arg5: memref<200x4096x64xf32, #tpu.memory_space<hbm>>, %arg6: memref<2x128xi32, #tpu.memory_space<vmem>>, %arg7: memref<2x128xi32, #tpu.memory_space<vmem>>, %arg8: memref<256x64xf32, #tpu.memory_space<vmem>>, %arg9: memref<256x64xf32, #tpu.memory_space<vmem>>, %arg10: memref<200x64xf32, #tpu.memory_space<vmem>>, %arg11: memref<!tpu.dma_semaphore, #tpu.memory_space<semaphore_mem>>, %arg12: memref<!tpu.dma_semaphore, #tpu.memory_space<semaphore_mem>>, %arg13: memref<!tpu.dma_semaphore, #tpu.memory_space<semaphore_mem>>, %arg14: memref<!tpu.dma_semaphore, #tpu.memory_space<semaphore_mem>>) attributes {dimension_semantics = [#tpu.dimension_semantics<core_parallel>, #tpu.dimension_semantics<subcore_parallel>], iteration_bounds = array<i64: 2, 16>, scalar_prefetch = 0 : i64, scratch_operands = 9 : i64, tpu.core_type = #tpu.core_type<sc_vector_subcore>, window_params = [{transform_indices = #map}, {transform_indices = #map}, {transform_indices = #map}, {transform_indices = #map1}]} {
    %mul3A = arith.constant 2 : i32
    %mul3A_0 = arith.muli %arg1, %mul3A : i32
    %add3A = arith.addi %mul3A_0, %arg0 : i32
    "tpu.region"() ({
      %run_scoped3A_53 = tpu.sem_alloc : memref<!tpu.dma_semaphore, #tpu.memory_space<semaphore_mem>>
      tpu.enqueue_dma source(%arg4 : memref<200x64xf32, #tpu.memory_space<hbm>>) target(%arg10 : memref<200x64xf32, #tpu.memory_space<vmem>>) target_semaphore(%run_scoped3A_53 : memref<!tpu.dma_semaphore, #tpu.memory_space<semaphore_mem>>)
      tpu.wait_dma2 semaphore(%run_scoped3A_53 : memref<!tpu.dma_semaphore, #tpu.memory_space<semaphore_mem>>) src(%arg4 : memref<200x64xf32, #tpu.memory_space<hbm>>) dst(%arg10 : memref<200x64xf32, #tpu.memory_space<vmem>>)
      tpu.yield
    }) : () -> ()
    %mul3A_1 = arith.constant 100 : i32
    %mul3A_2 = arith.muli %add3A, %mul3A_1 : i32
    %shift_right_logical3A = arith.constant 4 : i32
    %shift_right_logical3A_3 = arith.shrui %mul3A_2, %shift_right_logical3A : i32
    %and3A = arith.constant 15 : i32
    %and3A_4 = arith.andi %mul3A_2, %and3A : i32
    %mul3A_5 = arith.constant 256 : i32
    %mul3A_6 = arith.muli %and3A_4, %mul3A_5 : i32
    %add3A_7 = arith.constant 0 : i32
    %add3A_8 = arith.addi %mul3A_6, %add3A_7 : i32
    %run_scoped3A = arith.constant 0 : i32
    "tpu.region"() ({
      %run_scoped3A_53 = tpu.sem_alloc : memref<!tpu.dma_semaphore, #tpu.memory_space<semaphore_mem>>
      %dma_start3A_54 = arith.constant 0 : i32
      %dma_start3A_55 = tpu.memref_slice %arg6[%run_scoped3A, %dma_start3A_54] : memref<2x128xi32, #tpu.memory_space<vmem>> -> memref<1x128xi32, #tpu.memory_space<vmem>>
      %dma_start3A_56 = tpu.memref_squeeze %dma_start3A_55 : memref<1x128xi32, #tpu.memory_space<vmem>> -> memref<128xi32, #tpu.memory_space<vmem>>
      %dma_start3A_57 = tpu.memref_slice %arg2[%shift_right_logical3A_3, %add3A_8] : memref<200x4096xi32, #tpu.memory_space<hbm>> -> memref<1x128xi32, #tpu.memory_space<hbm>>
      %dma_start3A_58 = tpu.memref_squeeze %dma_start3A_57 : memref<1x128xi32, #tpu.memory_space<hbm>> -> memref<128xi32, #tpu.memory_space<hbm>>
      %dma_start3A_59 = arith.constant 0 : i32
      %dma_start3A_60 = tpu.memref_slice %arg6[%run_scoped3A, %dma_start3A_59] : memref<2x128xi32, #tpu.memory_space<vmem>> -> memref<1x128xi32, #tpu.memory_space<vmem>>
      %dma_start3A_61 = tpu.memref_squeeze %dma_start3A_60 : memref<1x128xi32, #tpu.memory_space<vmem>> -> memref<128xi32, #tpu.memory_space<vmem>>
      %dma_start3A_62 = tpu.memref_slice %arg2[%shift_right_logical3A_3, %add3A_8] : memref<200x4096xi32, #tpu.memory_space<hbm>> -> memref<1x128xi32, #tpu.memory_space<hbm>>
      %dma_start3A_63 = tpu.memref_squeeze %dma_start3A_62 : memref<1x128xi32, #tpu.memory_space<hbm>> -> memref<128xi32, #tpu.memory_space<hbm>>
      tpu.enqueue_dma source(%dma_start3A_63 : memref<128xi32, #tpu.memory_space<hbm>>) target(%dma_start3A_61 : memref<128xi32, #tpu.memory_space<vmem>>) target_semaphore(%run_scoped3A_53 : memref<!tpu.dma_semaphore, #tpu.memory_space<semaphore_mem>>)
      %dma_wait3A_64 = arith.constant 0 : i32
      %dma_wait3A_65 = tpu.memref_slice %arg6[%run_scoped3A, %dma_wait3A_64] : memref<2x128xi32, #tpu.memory_space<vmem>> -> memref<1x128xi32, #tpu.memory_space<vmem>>
      %dma_wait3A_66 = tpu.memref_squeeze %dma_wait3A_65 : memref<1x128xi32, #tpu.memory_space<vmem>> -> memref<128xi32, #tpu.memory_space<vmem>>
      %dma_wait3A_67 = tpu.memref_slice %arg2[%shift_right_logical3A_3, %add3A_8] : memref<200x4096xi32, #tpu.memory_space<hbm>> -> memref<1x128xi32, #tpu.memory_space<hbm>>
      %dma_wait3A_68 = tpu.memref_squeeze %dma_wait3A_67 : memref<1x128xi32, #tpu.memory_space<hbm>> -> memref<128xi32, #tpu.memory_space<hbm>>
      %dma_wait3A_69 = arith.constant 0 : i32
      %dma_wait3A_70 = tpu.memref_slice %arg6[%run_scoped3A, %dma_wait3A_69] : memref<2x128xi32, #tpu.memory_space<vmem>> -> memref<1x128xi32, #tpu.memory_space<vmem>>
      %dma_wait3A_71 = tpu.memref_squeeze %dma_wait3A_70 : memref<1x128xi32, #tpu.memory_space<vmem>> -> memref<128xi32, #tpu.memory_space<vmem>>
      %dma_wait3A_72 = tpu.memref_slice %arg2[%shift_right_logical3A_3, %add3A_8] : memref<200x4096xi32, #tpu.memory_space<hbm>> -> memref<1x128xi32, #tpu.memory_space<hbm>>
      %dma_wait3A_73 = tpu.memref_squeeze %dma_wait3A_72 : memref<1x128xi32, #tpu.memory_space<hbm>> -> memref<128xi32, #tpu.memory_space<hbm>>
      tpu.wait_dma2 semaphore(%run_scoped3A_53 : memref<!tpu.dma_semaphore, #tpu.memory_space<semaphore_mem>>) src(%dma_wait3A_73 : memref<128xi32, #tpu.memory_space<hbm>>) dst(%dma_wait3A_71 : memref<128xi32, #tpu.memory_space<vmem>>)
      tpu.yield
    }) : () -> ()
    %add3A_9 = arith.constant 128 : i32
    %add3A_10 = arith.addi %mul3A_6, %add3A_9 : i32
    %run_scoped3A_11 = arith.constant 1 : i32
    "tpu.region"() ({
      %run_scoped3A_53 = tpu.sem_alloc : memref<!tpu.dma_semaphore, #tpu.memory_space<semaphore_mem>>
      %dma_start3A_54 = arith.constant 0 : i32
      %dma_start3A_55 = tpu.memref_slice %arg6[%run_scoped3A_11, %dma_start3A_54] : memref<2x128xi32, #tpu.memory_space<vmem>> -> memref<1x128xi32, #tpu.memory_space<vmem>>
      %dma_start3A_56 = tpu.memref_squeeze %dma_start3A_55 : memref<1x128xi32, #tpu.memory_space<vmem>> -> memref<128xi32, #tpu.memory_space<vmem>>
      %dma_start3A_57 = tpu.memref_slice %arg2[%shift_right_logical3A_3, %add3A_10] : memref<200x4096xi32, #tpu.memory_space<hbm>> -> memref<1x128xi32, #tpu.memory_space<hbm>>
      %dma_start3A_58 = tpu.memref_squeeze %dma_start3A_57 : memref<1x128xi32, #tpu.memory_space<hbm>> -> memref<128xi32, #tpu.memory_space<hbm>>
      %dma_start3A_59 = arith.constant 0 : i32
      %dma_start3A_60 = tpu.memref_slice %arg6[%run_scoped3A_11, %dma_start3A_59] : memref<2x128xi32, #tpu.memory_space<vmem>> -> memref<1x128xi32, #tpu.memory_space<vmem>>
      %dma_start3A_61 = tpu.memref_squeeze %dma_start3A_60 : memref<1x128xi32, #tpu.memory_space<vmem>> -> memref<128xi32, #tpu.memory_space<vmem>>
      %dma_start3A_62 = tpu.memref_slice %arg2[%shift_right_logical3A_3, %add3A_10] : memref<200x4096xi32, #tpu.memory_space<hbm>> -> memref<1x128xi32, #tpu.memory_space<hbm>>
      %dma_start3A_63 = tpu.memref_squeeze %dma_start3A_62 : memref<1x128xi32, #tpu.memory_space<hbm>> -> memref<128xi32, #tpu.memory_space<hbm>>
      tpu.enqueue_dma source(%dma_start3A_63 : memref<128xi32, #tpu.memory_space<hbm>>) target(%dma_start3A_61 : memref<128xi32, #tpu.memory_space<vmem>>) target_semaphore(%run_scoped3A_53 : memref<!tpu.dma_semaphore, #tpu.memory_space<semaphore_mem>>)
      %dma_wait3A_64 = arith.constant 0 : i32
      %dma_wait3A_65 = tpu.memref_slice %arg6[%run_scoped3A_11, %dma_wait3A_64] : memref<2x128xi32, #tpu.memory_space<vmem>> -> memref<1x128xi32, #tpu.memory_space<vmem>>
      %dma_wait3A_66 = tpu.memref_squeeze %dma_wait3A_65 : memref<1x128xi32, #tpu.memory_space<vmem>> -> memref<128xi32, #tpu.memory_space<vmem>>
      %dma_wait3A_67 = tpu.memref_slice %arg2[%shift_right_logical3A_3, %add3A_10] : memref<200x4096xi32, #tpu.memory_space<hbm>> -> memref<1x128xi32, #tpu.memory_space<hbm>>
      %dma_wait3A_68 = tpu.memref_squeeze %dma_wait3A_67 : memref<1x128xi32, #tpu.memory_space<hbm>> -> memref<128xi32, #tpu.memory_space<hbm>>
      %dma_wait3A_69 = arith.constant 0 : i32
      %dma_wait3A_70 = tpu.memref_slice %arg6[%run_scoped3A_11, %dma_wait3A_69] : memref<2x128xi32, #tpu.memory_space<vmem>> -> memref<1x128xi32, #tpu.memory_space<vmem>>
      %dma_wait3A_71 = tpu.memref_squeeze %dma_wait3A_70 : memref<1x128xi32, #tpu.memory_space<vmem>> -> memref<128xi32, #tpu.memory_space<vmem>>
      %dma_wait3A_72 = tpu.memref_slice %arg2[%shift_right_logical3A_3, %add3A_10] : memref<200x4096xi32, #tpu.memory_space<hbm>> -> memref<1x128xi32, #tpu.memory_space<hbm>>
      %dma_wait3A_73 = tpu.memref_squeeze %dma_wait3A_72 : memref<1x128xi32, #tpu.memory_space<hbm>> -> memref<128xi32, #tpu.memory_space<hbm>>
      tpu.wait_dma2 semaphore(%run_scoped3A_53 : memref<!tpu.dma_semaphore, #tpu.memory_space<semaphore_mem>>) src(%dma_wait3A_73 : memref<128xi32, #tpu.memory_space<hbm>>) dst(%dma_wait3A_71 : memref<128xi32, #tpu.memory_space<vmem>>)
      tpu.yield
    }) : () -> ()
    %dma_start3A = arith.constant 0 : i32
    %dma_start3A_12 = arith.constant 0 : i32
    %dma_start3A_13 = arith.constant 0 : i32
    %dma_start3A_14 = tpu.memref_slice %arg8[%dma_start3A_12, %dma_start3A_13] : memref<256x64xf32, #tpu.memory_space<vmem>> -> memref<128x64xf32, #tpu.memory_space<vmem>>
    %dma_start3A_15 = arith.constant 0 : i32
    %dma_start3A_16 = tpu.memref_slice %arg6[%dma_start3A, %dma_start3A_15] : memref<2x128xi32, #tpu.memory_space<vmem>> -> memref<1x128xi32, #tpu.memory_space<vmem>>
    %dma_start3A_17 = tpu.memref_squeeze %dma_start3A_16 : memref<1x128xi32, #tpu.memory_space<vmem>> -> memref<128xi32, #tpu.memory_space<vmem>>
    %dma_start3A_18 = arith.constant 0 : i32
    %dma_start3A_19 = arith.constant 0 : i32
    %dma_start3A_20 = tpu.memref_slice %arg3[%dma_start3A_18, %dma_start3A_19] : memref<1003520x64xf32, #tpu.memory_space<hbm>> -> memref<1003520x64xf32, #tpu.memory_space<hbm>>
    tpu.enqueue_indirect_dma source(%dma_start3A_20 : memref<1003520x64xf32, #tpu.memory_space<hbm>>) target(%dma_start3A_14 : memref<128x64xf32, #tpu.memory_space<vmem>>) offsets(%dma_start3A_17 : memref<128xi32, #tpu.memory_space<vmem>>) semaphore(%arg11 : memref<!tpu.dma_semaphore, #tpu.memory_space<semaphore_mem>>)
    %dma_start3A_21 = arith.constant 1 : i32
    %dma_start3A_22 = arith.constant 128 : i32
    %dma_start3A_23 = arith.constant 0 : i32
    %dma_start3A_24 = tpu.memref_slice %arg8[%dma_start3A_22, %dma_start3A_23] : memref<256x64xf32, #tpu.memory_space<vmem>> -> memref<128x64xf32, #tpu.memory_space<vmem>>
    %dma_start3A_25 = arith.constant 0 : i32
    %dma_start3A_26 = tpu.memref_slice %arg6[%dma_start3A_21, %dma_start3A_25] : memref<2x128xi32, #tpu.memory_space<vmem>> -> memref<1x128xi32, #tpu.memory_space<vmem>>
    %dma_start3A_27 = tpu.memref_squeeze %dma_start3A_26 : memref<1x128xi32, #tpu.memory_space<vmem>> -> memref<128xi32, #tpu.memory_space<vmem>>
    %dma_start3A_28 = arith.constant 0 : i32
    %dma_start3A_29 = arith.constant 0 : i32
    %dma_start3A_30 = tpu.memref_slice %arg3[%dma_start3A_28, %dma_start3A_29] : memref<1003520x64xf32, #tpu.memory_space<hbm>> -> memref<1003520x64xf32, #tpu.memory_space<hbm>>
    tpu.enqueue_indirect_dma source(%dma_start3A_30 : memref<1003520x64xf32, #tpu.memory_space<hbm>>) target(%dma_start3A_24 : memref<128x64xf32, #tpu.memory_space<vmem>>) offsets(%dma_start3A_27 : memref<128xi32, #tpu.memory_space<vmem>>) semaphore(%arg11 : memref<!tpu.dma_semaphore, #tpu.memory_space<semaphore_mem>>)
    %scan3A = arith.constant 0 : i32
    %scan3A_31 = arith.constant 0 : i32
    %scan3A_32 = arith.constant 50 : i32
    %scan3A_33 = arith.addi %scan3A_31, %scan3A_32 : i32
    %scan3A_34 = arith.constant 1 : i32
    scf.for %scan3A_53 = %scan3A_31 to %scan3A_33 step %scan3A_34  : i32 {
      %mul3A_54 = arith.constant 2 : i32
      %mul3A_55 = arith.muli %mul3A_54, %scan3A_53 : i32
      %add3A_56 = arith.addi %mul3A_2, %mul3A_55 : i32
      %add3A_57 = arith.constant 1 : i32
      %add3A_58 = arith.addi %add3A_56, %add3A_57 : i32
      %shift_right_logical3A_59 = arith.constant 4 : i32
      %shift_right_logical3A_60 = arith.shrui %add3A_58, %shift_right_logical3A_59 : i32
      %and3A_61 = arith.constant 15 : i32
      %and3A_62 = arith.andi %add3A_58, %and3A_61 : i32
      %mul3A_63 = arith.constant 256 : i32
      %mul3A_64 = arith.muli %and3A_62, %mul3A_63 : i32
      %add3A_65 = arith.constant 0 : i32
      %add3A_66 = arith.addi %mul3A_64, %add3A_65 : i32
      %run_scoped3A_67 = arith.constant 0 : i32
      "tpu.region"() ({
        %run_scoped3A_212 = tpu.sem_alloc : memref<!tpu.dma_semaphore, #tpu.memory_space<semaphore_mem>>
        %dma_start3A_213 = arith.constant 0 : i32
        %dma_start3A_214 = tpu.memref_slice %arg7[%run_scoped3A_67, %dma_start3A_213] : memref<2x128xi32, #tpu.memory_space<vmem>> -> memref<1x128xi32, #tpu.memory_space<vmem>>
        %dma_start3A_215 = tpu.memref_squeeze %dma_start3A_214 : memref<1x128xi32, #tpu.memory_space<vmem>> -> memref<128xi32, #tpu.memory_space<vmem>>
        %dma_start3A_216 = tpu.memref_slice %arg2[%shift_right_logical3A_60, %add3A_66] : memref<200x4096xi32, #tpu.memory_space<hbm>> -> memref<1x128xi32, #tpu.memory_space<hbm>>
        %dma_start3A_217 = tpu.memref_squeeze %dma_start3A_216 : memref<1x128xi32, #tpu.memory_space<hbm>> -> memref<128xi32, #tpu.memory_space<hbm>>
        %dma_start3A_218 = arith.constant 0 : i32
        %dma_start3A_219 = tpu.memref_slice %arg7[%run_scoped3A_67, %dma_start3A_218] : memref<2x128xi32, #tpu.memory_space<vmem>> -> memref<1x128xi32, #tpu.memory_space<vmem>>
        %dma_start3A_220 = tpu.memref_squeeze %dma_start3A_219 : memref<1x128xi32, #tpu.memory_space<vmem>> -> memref<128xi32, #tpu.memory_space<vmem>>
        %dma_start3A_221 = tpu.memref_slice %arg2[%shift_right_logical3A_60, %add3A_66] : memref<200x4096xi32, #tpu.memory_space<hbm>> -> memref<1x128xi32, #tpu.memory_space<hbm>>
        %dma_start3A_222 = tpu.memref_squeeze %dma_start3A_221 : memref<1x128xi32, #tpu.memory_space<hbm>> -> memref<128xi32, #tpu.memory_space<hbm>>
        tpu.enqueue_dma source(%dma_start3A_222 : memref<128xi32, #tpu.memory_space<hbm>>) target(%dma_start3A_220 : memref<128xi32, #tpu.memory_space<vmem>>) target_semaphore(%run_scoped3A_212 : memref<!tpu.dma_semaphore, #tpu.memory_space<semaphore_mem>>)
        %dma_wait3A_223 = arith.constant 0 : i32
        %dma_wait3A_224 = tpu.memref_slice %arg7[%run_scoped3A_67, %dma_wait3A_223] : memref<2x128xi32, #tpu.memory_space<vmem>> -> memref<1x128xi32, #tpu.memory_space<vmem>>
        %dma_wait3A_225 = tpu.memref_squeeze %dma_wait3A_224 : memref<1x128xi32, #tpu.memory_space<vmem>> -> memref<128xi32, #tpu.memory_space<vmem>>
        %dma_wait3A_226 = tpu.memref_slice %arg2[%shift_right_logical3A_60, %add3A_66] : memref<200x4096xi32, #tpu.memory_space<hbm>> -> memref<1x128xi32, #tpu.memory_space<hbm>>
        %dma_wait3A_227 = tpu.memref_squeeze %dma_wait3A_226 : memref<1x128xi32, #tpu.memory_space<hbm>> -> memref<128xi32, #tpu.memory_space<hbm>>
        %dma_wait3A_228 = arith.constant 0 : i32
        %dma_wait3A_229 = tpu.memref_slice %arg7[%run_scoped3A_67, %dma_wait3A_228] : memref<2x128xi32, #tpu.memory_space<vmem>> -> memref<1x128xi32, #tpu.memory_space<vmem>>
        %dma_wait3A_230 = tpu.memref_squeeze %dma_wait3A_229 : memref<1x128xi32, #tpu.memory_space<vmem>> -> memref<128xi32, #tpu.memory_space<vmem>>
        %dma_wait3A_231 = tpu.memref_slice %arg2[%shift_right_logical3A_60, %add3A_66] : memref<200x4096xi32, #tpu.memory_space<hbm>> -> memref<1x128xi32, #tpu.memory_space<hbm>>
        %dma_wait3A_232 = tpu.memref_squeeze %dma_wait3A_231 : memref<1x128xi32, #tpu.memory_space<hbm>> -> memref<128xi32, #tpu.memory_space<hbm>>
        tpu.wait_dma2 semaphore(%run_scoped3A_212 : memref<!tpu.dma_semaphore, #tpu.memory_space<semaphore_mem>>) src(%dma_wait3A_232 : memref<128xi32, #tpu.memory_space<hbm>>) dst(%dma_wait3A_230 : memref<128xi32, #tpu.memory_space<vmem>>)
        tpu.yield
      }) : () -> ()
      %add3A_68 = arith.constant 128 : i32
      %add3A_69 = arith.addi %mul3A_64, %add3A_68 : i32
      %run_scoped3A_70 = arith.constant 1 : i32
      "tpu.region"() ({
        %run_scoped3A_212 = tpu.sem_alloc : memref<!tpu.dma_semaphore, #tpu.memory_space<semaphore_mem>>
        %dma_start3A_213 = arith.constant 0 : i32
        %dma_start3A_214 = tpu.memref_slice %arg7[%run_scoped3A_70, %dma_start3A_213] : memref<2x128xi32, #tpu.memory_space<vmem>> -> memref<1x128xi32, #tpu.memory_space<vmem>>
        %dma_start3A_215 = tpu.memref_squeeze %dma_start3A_214 : memref<1x128xi32, #tpu.memory_space<vmem>> -> memref<128xi32, #tpu.memory_space<vmem>>
        %dma_start3A_216 = tpu.memref_slice %arg2[%shift_right_logical3A_60, %add3A_69] : memref<200x4096xi32, #tpu.memory_space<hbm>> -> memref<1x128xi32, #tpu.memory_space<hbm>>
        %dma_start3A_217 = tpu.memref_squeeze %dma_start3A_216 : memref<1x128xi32, #tpu.memory_space<hbm>> -> memref<128xi32, #tpu.memory_space<hbm>>
        %dma_start3A_218 = arith.constant 0 : i32
        %dma_start3A_219 = tpu.memref_slice %arg7[%run_scoped3A_70, %dma_start3A_218] : memref<2x128xi32, #tpu.memory_space<vmem>> -> memref<1x128xi32, #tpu.memory_space<vmem>>
        %dma_start3A_220 = tpu.memref_squeeze %dma_start3A_219 : memref<1x128xi32, #tpu.memory_space<vmem>> -> memref<128xi32, #tpu.memory_space<vmem>>
        %dma_start3A_221 = tpu.memref_slice %arg2[%shift_right_logical3A_60, %add3A_69] : memref<200x4096xi32, #tpu.memory_space<hbm>> -> memref<1x128xi32, #tpu.memory_space<hbm>>
        %dma_start3A_222 = tpu.memref_squeeze %dma_start3A_221 : memref<1x128xi32, #tpu.memory_space<hbm>> -> memref<128xi32, #tpu.memory_space<hbm>>
        tpu.enqueue_dma source(%dma_start3A_222 : memref<128xi32, #tpu.memory_space<hbm>>) target(%dma_start3A_220 : memref<128xi32, #tpu.memory_space<vmem>>) target_semaphore(%run_scoped3A_212 : memref<!tpu.dma_semaphore, #tpu.memory_space<semaphore_mem>>)
        %dma_wait3A_223 = arith.constant 0 : i32
        %dma_wait3A_224 = tpu.memref_slice %arg7[%run_scoped3A_70, %dma_wait3A_223] : memref<2x128xi32, #tpu.memory_space<vmem>> -> memref<1x128xi32, #tpu.memory_space<vmem>>
        %dma_wait3A_225 = tpu.memref_squeeze %dma_wait3A_224 : memref<1x128xi32, #tpu.memory_space<vmem>> -> memref<128xi32, #tpu.memory_space<vmem>>
        %dma_wait3A_226 = tpu.memref_slice %arg2[%shift_right_logical3A_60, %add3A_69] : memref<200x4096xi32, #tpu.memory_space<hbm>> -> memref<1x128xi32, #tpu.memory_space<hbm>>
        %dma_wait3A_227 = tpu.memref_squeeze %dma_wait3A_226 : memref<1x128xi32, #tpu.memory_space<hbm>> -> memref<128xi32, #tpu.memory_space<hbm>>
        %dma_wait3A_228 = arith.constant 0 : i32
        %dma_wait3A_229 = tpu.memref_slice %arg7[%run_scoped3A_70, %dma_wait3A_228] : memref<2x128xi32, #tpu.memory_space<vmem>> -> memref<1x128xi32, #tpu.memory_space<vmem>>
        %dma_wait3A_230 = tpu.memref_squeeze %dma_wait3A_229 : memref<1x128xi32, #tpu.memory_space<vmem>> -> memref<128xi32, #tpu.memory_space<vmem>>
        %dma_wait3A_231 = tpu.memref_slice %arg2[%shift_right_logical3A_60, %add3A_69] : memref<200x4096xi32, #tpu.memory_space<hbm>> -> memref<1x128xi32, #tpu.memory_space<hbm>>
        %dma_wait3A_232 = tpu.memref_squeeze %dma_wait3A_231 : memref<1x128xi32, #tpu.memory_space<hbm>> -> memref<128xi32, #tpu.memory_space<hbm>>
        tpu.wait_dma2 semaphore(%run_scoped3A_212 : memref<!tpu.dma_semaphore, #tpu.memory_space<semaphore_mem>>) src(%dma_wait3A_232 : memref<128xi32, #tpu.memory_space<hbm>>) dst(%dma_wait3A_230 : memref<128xi32, #tpu.memory_space<vmem>>)
        tpu.yield
      }) : () -> ()
      %ge3A = arith.constant 1 : i32
      %ge3A_71 = arith.cmpi sge, %scan3A_53, %ge3A : i32
      %convert_element_type3A = arith.extui %ge3A_71 : i1 to i32
      %cond3A = arith.constant 0 : i32
      %cond3A_72 = arith.cmpi ne, %convert_element_type3A, %cond3A : i32
      scf.if %cond3A_72 {
        %dma_wait3A_212 = arith.constant 0 : i32
        %dma_wait3A_213 = arith.constant 0 : i32
        %dma_wait3A_214 = arith.constant 0 : i32
        %dma_wait3A_215 = tpu.memref_slice %arg5[%dma_wait3A_212, %dma_wait3A_213, %dma_wait3A_214] : memref<200x4096x64xf32, #tpu.memory_space<hbm>> -> memref<1x256x64xf32, #tpu.memory_space<hbm>>
        %dma_wait3A_216 = tpu.memref_squeeze %dma_wait3A_215 : memref<1x256x64xf32, #tpu.memory_space<hbm>> -> memref<256x64xf32, #tpu.memory_space<hbm>>
        %dma_wait3A_217 = arith.constant 0 : i32
        %dma_wait3A_218 = arith.constant 0 : i32
        %dma_wait3A_219 = tpu.memref_slice %arg5[%dma_wait3A_212, %dma_wait3A_217, %dma_wait3A_218] : memref<200x4096x64xf32, #tpu.memory_space<hbm>> -> memref<1x256x64xf32, #tpu.memory_space<hbm>>
        %dma_wait3A_220 = tpu.memref_squeeze %dma_wait3A_219 : memref<1x256x64xf32, #tpu.memory_space<hbm>> -> memref<256x64xf32, #tpu.memory_space<hbm>>
        tpu.wait_dma2 semaphore(%arg14 : memref<!tpu.dma_semaphore, #tpu.memory_space<semaphore_mem>>) src(%arg9 : memref<256x64xf32, #tpu.memory_space<vmem>>) dst(%dma_wait3A_220 : memref<256x64xf32, #tpu.memory_space<hbm>>)
      } else {
      }
      %dma_start3A_73 = arith.constant 0 : i32
      %dma_start3A_74 = arith.constant 0 : i32
      %dma_start3A_75 = arith.constant 0 : i32
      %dma_start3A_76 = tpu.memref_slice %arg9[%dma_start3A_74, %dma_start3A_75] : memref<256x64xf32, #tpu.memory_space<vmem>> -> memref<128x64xf32, #tpu.memory_space<vmem>>
      %dma_start3A_77 = arith.constant 0 : i32
      %dma_start3A_78 = tpu.memref_slice %arg7[%dma_start3A_73, %dma_start3A_77] : memref<2x128xi32, #tpu.memory_space<vmem>> -> memref<1x128xi32, #tpu.memory_space<vmem>>
      %dma_start3A_79 = tpu.memref_squeeze %dma_start3A_78 : memref<1x128xi32, #tpu.memory_space<vmem>> -> memref<128xi32, #tpu.memory_space<vmem>>
      %dma_start3A_80 = arith.constant 0 : i32
      %dma_start3A_81 = arith.constant 0 : i32
      %dma_start3A_82 = tpu.memref_slice %arg3[%dma_start3A_80, %dma_start3A_81] : memref<1003520x64xf32, #tpu.memory_space<hbm>> -> memref<1003520x64xf32, #tpu.memory_space<hbm>>
      tpu.enqueue_indirect_dma source(%dma_start3A_82 : memref<1003520x64xf32, #tpu.memory_space<hbm>>) target(%dma_start3A_76 : memref<128x64xf32, #tpu.memory_space<vmem>>) offsets(%dma_start3A_79 : memref<128xi32, #tpu.memory_space<vmem>>) semaphore(%arg12 : memref<!tpu.dma_semaphore, #tpu.memory_space<semaphore_mem>>)
      %dma_start3A_83 = arith.constant 1 : i32
      %dma_start3A_84 = arith.constant 128 : i32
      %dma_start3A_85 = arith.constant 0 : i32
      %dma_start3A_86 = tpu.memref_slice %arg9[%dma_start3A_84, %dma_start3A_85] : memref<256x64xf32, #tpu.memory_space<vmem>> -> memref<128x64xf32, #tpu.memory_space<vmem>>
      %dma_start3A_87 = arith.constant 0 : i32
      %dma_start3A_88 = tpu.memref_slice %arg7[%dma_start3A_83, %dma_start3A_87] : memref<2x128xi32, #tpu.memory_space<vmem>> -> memref<1x128xi32, #tpu.memory_space<vmem>>
      %dma_start3A_89 = tpu.memref_squeeze %dma_start3A_88 : memref<1x128xi32, #tpu.memory_space<vmem>> -> memref<128xi32, #tpu.memory_space<vmem>>
      %dma_start3A_90 = arith.constant 0 : i32
      %dma_start3A_91 = arith.constant 0 : i32
      %dma_start3A_92 = tpu.memref_slice %arg3[%dma_start3A_90, %dma_start3A_91] : memref<1003520x64xf32, #tpu.memory_space<hbm>> -> memref<1003520x64xf32, #tpu.memory_space<hbm>>
      tpu.enqueue_indirect_dma source(%dma_start3A_92 : memref<1003520x64xf32, #tpu.memory_space<hbm>>) target(%dma_start3A_86 : memref<128x64xf32, #tpu.memory_space<vmem>>) offsets(%dma_start3A_89 : memref<128xi32, #tpu.memory_space<vmem>>) semaphore(%arg12 : memref<!tpu.dma_semaphore, #tpu.memory_space<semaphore_mem>>)
      %dma_wait3A_93 = arith.constant 0 : i32
      %dma_wait3A_94 = arith.constant 0 : i32
      %dma_wait3A_95 = arith.constant 0 : i32
      %dma_wait3A_96 = tpu.memref_slice %arg8[%dma_wait3A_94, %dma_wait3A_95] : memref<256x64xf32, #tpu.memory_space<vmem>> -> memref<128x64xf32, #tpu.memory_space<vmem>>
      %dma_wait3A_97 = arith.constant 0 : i32
      %dma_wait3A_98 = tpu.memref_slice %arg6[%dma_wait3A_93, %dma_wait3A_97] : memref<2x128xi32, #tpu.memory_space<vmem>> -> memref<1x128xi32, #tpu.memory_space<vmem>>
      %dma_wait3A_99 = tpu.memref_squeeze %dma_wait3A_98 : memref<1x128xi32, #tpu.memory_space<vmem>> -> memref<128xi32, #tpu.memory_space<vmem>>
      %dma_wait3A_100 = arith.constant 0 : i32
      %dma_wait3A_101 = arith.constant 0 : i32
      %dma_wait3A_102 = tpu.memref_slice %arg3[%dma_wait3A_100, %dma_wait3A_101] : memref<1003520x64xf32, #tpu.memory_space<hbm>> -> memref<1003520x64xf32, #tpu.memory_space<hbm>>
      tpu.wait_indirect_dma semaphore(%arg11 : memref<!tpu.dma_semaphore, #tpu.memory_space<semaphore_mem>>) src(%dma_wait3A_102 : memref<1003520x64xf32, #tpu.memory_space<hbm>>) dst(%dma_wait3A_96 : memref<128x64xf32, #tpu.memory_space<vmem>>)
      %dma_wait3A_103 = arith.constant 1 : i32
      %dma_wait3A_104 = arith.constant 128 : i32
      %dma_wait3A_105 = arith.constant 0 : i32
      %dma_wait3A_106 = tpu.memref_slice %arg8[%dma_wait3A_104, %dma_wait3A_105] : memref<256x64xf32, #tpu.memory_space<vmem>> -> memref<128x64xf32, #tpu.memory_space<vmem>>
      %dma_wait3A_107 = arith.constant 0 : i32
      %dma_wait3A_108 = tpu.memref_slice %arg6[%dma_wait3A_103, %dma_wait3A_107] : memref<2x128xi32, #tpu.memory_space<vmem>> -> memref<1x128xi32, #tpu.memory_space<vmem>>
      %dma_wait3A_109 = tpu.memref_squeeze %dma_wait3A_108 : memref<1x128xi32, #tpu.memory_space<vmem>> -> memref<128xi32, #tpu.memory_space<vmem>>
      %dma_wait3A_110 = arith.constant 0 : i32
      %dma_wait3A_111 = arith.constant 0 : i32
      %dma_wait3A_112 = tpu.memref_slice %arg3[%dma_wait3A_110, %dma_wait3A_111] : memref<1003520x64xf32, #tpu.memory_space<hbm>> -> memref<1003520x64xf32, #tpu.memory_space<hbm>>
      tpu.wait_indirect_dma semaphore(%arg11 : memref<!tpu.dma_semaphore, #tpu.memory_space<semaphore_mem>>) src(%dma_wait3A_112 : memref<1003520x64xf32, #tpu.memory_space<hbm>>) dst(%dma_wait3A_106 : memref<128x64xf32, #tpu.memory_space<vmem>>)
      %shift_right_logical3A_113 = arith.constant 4 : i32
      %shift_right_logical3A_114 = arith.shrui %add3A_56, %shift_right_logical3A_113 : i32
      %and3A_115 = arith.constant 15 : i32
      %and3A_116 = arith.andi %add3A_56, %and3A_115 : i32
      %mul3A_117 = arith.constant 256 : i32
      %mul3A_118 = arith.muli %and3A_116, %mul3A_117 : i32
      %get3A = arith.index_cast %shift_right_logical3A_114 : i32 to index
      %get3A_119 = arith.constant 0 : index
      %get3A_120 = tpu.vector_load %arg10[%get3A, %get3A_119] {strides = array<i32>} : memref<200x64xf32, #tpu.memory_space<vmem>>, vector<16xf32>,
      %get3A_121 = arith.index_cast %shift_right_logical3A_114 : i32 to index
      %get3A_122 = arith.constant 16 : index
      %get3A_123 = tpu.vector_load %arg10[%get3A_121, %get3A_122] {strides = array<i32>} : memref<200x64xf32, #tpu.memory_space<vmem>>, vector<16xf32>,
      %get3A_124 = arith.index_cast %shift_right_logical3A_114 : i32 to index
      %get3A_125 = arith.constant 32 : index
      %get3A_126 = tpu.vector_load %arg10[%get3A_124, %get3A_125] {strides = array<i32>} : memref<200x64xf32, #tpu.memory_space<vmem>>, vector<16xf32>,
      %get3A_127 = arith.index_cast %shift_right_logical3A_114 : i32 to index
      %get3A_128 = arith.constant 48 : index
      %get3A_129 = tpu.vector_load %arg10[%get3A_127, %get3A_128] {strides = array<i32>} : memref<200x64xf32, #tpu.memory_space<vmem>>, vector<16xf32>,
      %scan3A_130 = arith.constant 0 : i32
      %scan3A_131 = arith.constant 0 : i32
      %scan3A_132 = arith.constant 16 : i32
      %scan3A_133 = arith.addi %scan3A_131, %scan3A_132 : i32
      %scan3A_134 = arith.constant 1 : i32
      scf.for %scan3A_212 = %scan3A_131 to %scan3A_133 step %scan3A_134  : i32 {
        %mul3A_213 = arith.constant 16 : i32
        %mul3A_214 = arith.muli %scan3A_212, %mul3A_213 : i32
        %add3A_215 = arith.constant 0 : i32
        %add3A_216 = arith.addi %mul3A_214, %add3A_215 : i32
        %get3A_217 = arith.index_cast %add3A_216 : i32 to index
        %get3A_218 = arith.constant 0 : index
        %get3A_219 = tpu.vector_load %arg8[%get3A_217, %get3A_218] {strides = array<i32>} : memref<256x64xf32, #tpu.memory_space<vmem>>, vector<16xf32>,
        %add3A_220 = arith.addf %get3A_219, %get3A_120 : vector<16xf32>
        %swap3A = arith.index_cast %add3A_216 : i32 to index
        %swap3A_221 = arith.constant 0 : index
        %swap3A_222 = tpu.vector_load %arg8[%swap3A, %swap3A_221] {strides = array<i32>} : memref<256x64xf32, #tpu.memory_space<vmem>>, vector<16xf32>,
        tpu.vector_store %arg8[%swap3A, %swap3A_221], %add3A_220 {strides = array<i32>} : memref<256x64xf32, #tpu.memory_space<vmem>>, vector<16xf32>,
        %get3A_223 = arith.index_cast %add3A_216 : i32 to index
        %get3A_224 = arith.constant 16 : index
        %get3A_225 = tpu.vector_load %arg8[%get3A_223, %get3A_224] {strides = array<i32>} : memref<256x64xf32, #tpu.memory_space<vmem>>, vector<16xf32>,
        %add3A_226 = arith.addf %get3A_225, %get3A_123 : vector<16xf32>
        %swap3A_227 = arith.index_cast %add3A_216 : i32 to index
        %swap3A_228 = arith.constant 16 : index
        %swap3A_229 = tpu.vector_load %arg8[%swap3A_227, %swap3A_228] {strides = array<i32>} : memref<256x64xf32, #tpu.memory_space<vmem>>, vector<16xf32>,
        tpu.vector_store %arg8[%swap3A_227, %swap3A_228], %add3A_226 {strides = array<i32>} : memref<256x64xf32, #tpu.memory_space<vmem>>, vector<16xf32>,
        %get3A_230 = arith.index_cast %add3A_216 : i32 to index
        %get3A_231 = arith.constant 32 : index
        %get3A_232 = tpu.vector_load %arg8[%get3A_230, %get3A_231] {strides = array<i32>} : memref<256x64xf32, #tpu.memory_space<vmem>>, vector<16xf32>,
        %add3A_233 = arith.addf %get3A_232, %get3A_126 : vector<16xf32>
        %swap3A_234 = arith.index_cast %add3A_216 : i32 to index
        %swap3A_235 = arith.constant 32 : index
        %swap3A_236 = tpu.vector_load %arg8[%swap3A_234, %swap3A_235] {strides = array<i32>} : memref<256x64xf32, #tpu.memory_space<vmem>>, vector<16xf32>,
        tpu.vector_store %arg8[%swap3A_234, %swap3A_235], %add3A_233 {strides = array<i32>} : memref<256x64xf32, #tpu.memory_space<vmem>>, vector<16xf32>,
        %get3A_237 = arith.index_cast %add3A_216 : i32 to index
        %get3A_238 = arith.constant 48 : index
        %get3A_239 = tpu.vector_load %arg8[%get3A_237, %get3A_238] {strides = array<i32>} : memref<256x64xf32, #tpu.memory_space<vmem>>, vector<16xf32>,
        %add3A_240 = arith.addf %get3A_239, %get3A_129 : vector<16xf32>
        %swap3A_241 = arith.index_cast %add3A_216 : i32 to index
        %swap3A_242 = arith.constant 48 : index
        %swap3A_243 = tpu.vector_load %arg8[%swap3A_241, %swap3A_242] {strides = array<i32>} : memref<256x64xf32, #tpu.memory_space<vmem>>, vector<16xf32>,
        tpu.vector_store %arg8[%swap3A_241, %swap3A_242], %add3A_240 {strides = array<i32>} : memref<256x64xf32, #tpu.memory_space<vmem>>, vector<16xf32>,
        %add3A_244 = arith.constant 1 : i32
        %add3A_245 = arith.addi %mul3A_214, %add3A_244 : i32
        %get3A_246 = arith.index_cast %add3A_245 : i32 to index
        %get3A_247 = arith.constant 0 : index
        %get3A_248 = tpu.vector_load %arg8[%get3A_246, %get3A_247] {strides = array<i32>} : memref<256x64xf32, #tpu.memory_space<vmem>>, vector<16xf32>,
        %add3A_249 = arith.addf %get3A_248, %get3A_120 : vector<16xf32>
        %swap3A_250 = arith.index_cast %add3A_245 : i32 to index
        %swap3A_251 = arith.constant 0 : index
        %swap3A_252 = tpu.vector_load %arg8[%swap3A_250, %swap3A_251] {strides = array<i32>} : memref<256x64xf32, #tpu.memory_space<vmem>>, vector<16xf32>,
        tpu.vector_store %arg8[%swap3A_250, %swap3A_251], %add3A_249 {strides = array<i32>} : memref<256x64xf32, #tpu.memory_space<vmem>>, vector<16xf32>,
        %get3A_253 = arith.index_cast %add3A_245 : i32 to index
        %get3A_254 = arith.constant 16 : index
        %get3A_255 = tpu.vector_load %arg8[%get3A_253, %get3A_254] {strides = array<i32>} : memref<256x64xf32, #tpu.memory_space<vmem>>, vector<16xf32>,
        %add3A_256 = arith.addf %get3A_255, %get3A_123 : vector<16xf32>
        %swap3A_257 = arith.index_cast %add3A_245 : i32 to index
        %swap3A_258 = arith.constant 16 : index
        %swap3A_259 = tpu.vector_load %arg8[%swap3A_257, %swap3A_258] {strides = array<i32>} : memref<256x64xf32, #tpu.memory_space<vmem>>, vector<16xf32>,
        tpu.vector_store %arg8[%swap3A_257, %swap3A_258], %add3A_256 {strides = array<i32>} : memref<256x64xf32, #tpu.memory_space<vmem>>, vector<16xf32>,
        %get3A_260 = arith.index_cast %add3A_245 : i32 to index
        %get3A_261 = arith.constant 32 : index
        %get3A_262 = tpu.vector_load %arg8[%get3A_260, %get3A_261] {strides = array<i32>} : memref<256x64xf32, #tpu.memory_space<vmem>>, vector<16xf32>,
        %add3A_263 = arith.addf %get3A_262, %get3A_126 : vector<16xf32>
        %swap3A_264 = arith.index_cast %add3A_245 : i32 to index
        %swap3A_265 = arith.constant 32 : index
        %swap3A_266 = tpu.vector_load %arg8[%swap3A_264, %swap3A_265] {strides = array<i32>} : memref<256x64xf32, #tpu.memory_space<vmem>>, vector<16xf32>,
        tpu.vector_store %arg8[%swap3A_264, %swap3A_265], %add3A_263 {strides = array<i32>} : memref<256x64xf32, #tpu.memory_space<vmem>>, vector<16xf32>,
        %get3A_267 = arith.index_cast %add3A_245 : i32 to index
        %get3A_268 = arith.constant 48 : index
        %get3A_269 = tpu.vector_load %arg8[%get3A_267, %get3A_268] {strides = array<i32>} : memref<256x64xf32, #tpu.memory_space<vmem>>, vector<16xf32>,
        %add3A_270 = arith.addf %get3A_269, %get3A_129 : vector<16xf32>
        %swap3A_271 = arith.index_cast %add3A_245 : i32 to index
        %swap3A_272 = arith.constant 48 : index
        %swap3A_273 = tpu.vector_load %arg8[%swap3A_271, %swap3A_272] {strides = array<i32>} : memref<256x64xf32, #tpu.memory_space<vmem>>, vector<16xf32>,
        tpu.vector_store %arg8[%swap3A_271, %swap3A_272], %add3A_270 {strides = array<i32>} : memref<256x64xf32, #tpu.memory_space<vmem>>, vector<16xf32>,
        %add3A_274 = arith.constant 2 : i32
        %add3A_275 = arith.addi %mul3A_214, %add3A_274 : i32
        %get3A_276 = arith.index_cast %add3A_275 : i32 to index
        %get3A_277 = arith.constant 0 : index
        %get3A_278 = tpu.vector_load %arg8[%get3A_276, %get3A_277] {strides = array<i32>} : memref<256x64xf32, #tpu.memory_space<vmem>>, vector<16xf32>,
        %add3A_279 = arith.addf %get3A_278, %get3A_120 : vector<16xf32>
        %swap3A_280 = arith.index_cast %add3A_275 : i32 to index
        %swap3A_281 = arith.constant 0 : index
        %swap3A_282 = tpu.vector_load %arg8[%swap3A_280, %swap3A_281] {strides = array<i32>} : memref<256x64xf32, #tpu.memory_space<vmem>>, vector<16xf32>,
        tpu.vector_store %arg8[%swap3A_280, %swap3A_281], %add3A_279 {strides = array<i32>} : memref<256x64xf32, #tpu.memory_space<vmem>>, vector<16xf32>,
        %get3A_283 = arith.index_cast %add3A_275 : i32 to index
        %get3A_284 = arith.constant 16 : index
        %get3A_285 = tpu.vector_load %arg8[%get3A_283, %get3A_284] {strides = array<i32>} : memref<256x64xf32, #tpu.memory_space<vmem>>, vector<16xf32>,
        %add3A_286 = arith.addf %get3A_285, %get3A_123 : vector<16xf32>
        %swap3A_287 = arith.index_cast %add3A_275 : i32 to index
        %swap3A_288 = arith.constant 16 : index
        %swap3A_289 = tpu.vector_load %arg8[%swap3A_287, %swap3A_288] {strides = array<i32>} : memref<256x64xf32, #tpu.memory_space<vmem>>, vector<16xf32>,
        tpu.vector_store %arg8[%swap3A_287, %swap3A_288], %add3A_286 {strides = array<i32>} : memref<256x64xf32, #tpu.memory_space<vmem>>, vector<16xf32>,
        %get3A_290 = arith.index_cast %add3A_275 : i32 to index
        %get3A_291 = arith.constant 32 : index
        %get3A_292 = tpu.vector_load %arg8[%get3A_290, %get3A_291] {strides = array<i32>} : memref<256x64xf32, #tpu.memory_space<vmem>>, vector<16xf32>,
        %add3A_293 = arith.addf %get3A_292, %get3A_126 : vector<16xf32>
        %swap3A_294 = arith.index_cast %add3A_275 : i32 to index
        %swap3A_295 = arith.constant 32 : index
        %swap3A_296 = tpu.vector_load %arg8[%swap3A_294, %swap3A_295] {strides = array<i32>} : memref<256x64xf32, #tpu.memory_space<vmem>>, vector<16xf32>,
        tpu.vector_store %arg8[%swap3A_294, %swap3A_295], %add3A_293 {strides = array<i32>} : memref<256x64xf32, #tpu.memory_space<vmem>>, vector<16xf32>,
        %get3A_297 = arith.index_cast %add3A_275 : i32 to index
        %get3A_298 = arith.constant 48 : index
        %get3A_299 = tpu.vector_load %arg8[%get3A_297, %get3A_298] {strides = array<i32>} : memref<256x64xf32, #tpu.memory_space<vmem>>, vector<16xf32>,
        %add3A_300 = arith.addf %get3A_299, %get3A_129 : vector<16xf32>
        %swap3A_301 = arith.index_cast %add3A_275 : i32 to index
        %swap3A_302 = arith.constant 48 : index
        %swap3A_303 = tpu.vector_load %arg8[%swap3A_301, %swap3A_302] {strides = array<i32>} : memref<256x64xf32, #tpu.memory_space<vmem>>, vector<16xf32>,
        tpu.vector_store %arg8[%swap3A_301, %swap3A_302], %add3A_300 {strides = array<i32>} : memref<256x64xf32, #tpu.memory_space<vmem>>, vector<16xf32>,
        %add3A_304 = arith.constant 3 : i32
        %add3A_305 = arith.addi %mul3A_214, %add3A_304 : i32
        %get3A_306 = arith.index_cast %add3A_305 : i32 to index
        %get3A_307 = arith.constant 0 : index
        %get3A_308 = tpu.vector_load %arg8[%get3A_306, %get3A_307] {strides = array<i32>} : memref<256x64xf32, #tpu.memory_space<vmem>>, vector<16xf32>,
        %add3A_309 = arith.addf %get3A_308, %get3A_120 : vector<16xf32>
        %swap3A_310 = arith.index_cast %add3A_305 : i32 to index
        %swap3A_311 = arith.constant 0 : index
        %swap3A_312 = tpu.vector_load %arg8[%swap3A_310, %swap3A_311] {strides = array<i32>} : memref<256x64xf32, #tpu.memory_space<vmem>>, vector<16xf32>,
        tpu.vector_store %arg8[%swap3A_310, %swap3A_311], %add3A_309 {strides = array<i32>} : memref<256x64xf32, #tpu.memory_space<vmem>>, vector<16xf32>,
        %get3A_313 = arith.index_cast %add3A_305 : i32 to index
        %get3A_314 = arith.constant 16 : index
        %get3A_315 = tpu.vector_load %arg8[%get3A_313, %get3A_314] {strides = array<i32>} : memref<256x64xf32, #tpu.memory_space<vmem>>, vector<16xf32>,
        %add3A_316 = arith.addf %get3A_315, %get3A_123 : vector<16xf32>
        %swap3A_317 = arith.index_cast %add3A_305 : i32 to index
        %swap3A_318 = arith.constant 16 : index
        %swap3A_319 = tpu.vector_load %arg8[%swap3A_317, %swap3A_318] {strides = array<i32>} : memref<256x64xf32, #tpu.memory_space<vmem>>, vector<16xf32>,
        tpu.vector_store %arg8[%swap3A_317, %swap3A_318], %add3A_316 {strides = array<i32>} : memref<256x64xf32, #tpu.memory_space<vmem>>, vector<16xf32>,
        %get3A_320 = arith.index_cast %add3A_305 : i32 to index
        %get3A_321 = arith.constant 32 : index
        %get3A_322 = tpu.vector_load %arg8[%get3A_320, %get3A_321] {strides = array<i32>} : memref<256x64xf32, #tpu.memory_space<vmem>>, vector<16xf32>,
        %add3A_323 = arith.addf %get3A_322, %get3A_126 : vector<16xf32>
        %swap3A_324 = arith.index_cast %add3A_305 : i32 to index
        %swap3A_325 = arith.constant 32 : index
        %swap3A_326 = tpu.vector_load %arg8[%swap3A_324, %swap3A_325] {strides = array<i32>} : memref<256x64xf32, #tpu.memory_space<vmem>>, vector<16xf32>,
        tpu.vector_store %arg8[%swap3A_324, %swap3A_325], %add3A_323 {strides = array<i32>} : memref<256x64xf32, #tpu.memory_space<vmem>>, vector<16xf32>,
        %get3A_327 = arith.index_cast %add3A_305 : i32 to index
        %get3A_328 = arith.constant 48 : index
        %get3A_329 = tpu.vector_load %arg8[%get3A_327, %get3A_328] {strides = array<i32>} : memref<256x64xf32, #tpu.memory_space<vmem>>, vector<16xf32>,
        %add3A_330 = arith.addf %get3A_329, %get3A_129 : vector<16xf32>
        %swap3A_331 = arith.index_cast %add3A_305 : i32 to index
        %swap3A_332 = arith.constant 48 : index
        %swap3A_333 = tpu.vector_load %arg8[%swap3A_331, %swap3A_332] {strides = array<i32>} : memref<256x64xf32, #tpu.memory_space<vmem>>, vector<16xf32>,
        tpu.vector_store %arg8[%swap3A_331, %swap3A_332], %add3A_330 {strides = array<i32>} : memref<256x64xf32, #tpu.memory_space<vmem>>, vector<16xf32>,
        %add3A_334 = arith.constant 4 : i32
        %add3A_335 = arith.addi %mul3A_214, %add3A_334 : i32
        %get3A_336 = arith.index_cast %add3A_335 : i32 to index
        %get3A_337 = arith.constant 0 : index
        %get3A_338 = tpu.vector_load %arg8[%get3A_336, %get3A_337] {strides = array<i32>} : memref<256x64xf32, #tpu.memory_space<vmem>>, vector<16xf32>,
        %add3A_339 = arith.addf %get3A_338, %get3A_120 : vector<16xf32>
        %swap3A_340 = arith.index_cast %add3A_335 : i32 to index
        %swap3A_341 = arith.constant 0 : index
        %swap3A_342 = tpu.vector_load %arg8[%swap3A_340, %swap3A_341] {strides = array<i32>} : memref<256x64xf32, #tpu.memory_space<vmem>>, vector<16xf32>,
        tpu.vector_store %arg8[%swap3A_340, %swap3A_341], %add3A_339 {strides = array<i32>} : memref<256x64xf32, #tpu.memory_space<vmem>>, vector<16xf32>,
        %get3A_343 = arith.index_cast %add3A_335 : i32 to index
        %get3A_344 = arith.constant 16 : index
        %get3A_345 = tpu.vector_load %arg8[%get3A_343, %get3A_344] {strides = array<i32>} : memref<256x64xf32, #tpu.memory_space<vmem>>, vector<16xf32>,
        %add3A_346 = arith.addf %get3A_345, %get3A_123 : vector<16xf32>
        %swap3A_347 = arith.index_cast %add3A_335 : i32 to index
        %swap3A_348 = arith.constant 16 : index
        %swap3A_349 = tpu.vector_load %arg8[%swap3A_347, %swap3A_348] {strides = array<i32>} : memref<256x64xf32, #tpu.memory_space<vmem>>, vector<16xf32>,
        tpu.vector_store %arg8[%swap3A_347, %swap3A_348], %add3A_346 {strides = array<i32>} : memref<256x64xf32, #tpu.memory_space<vmem>>, vector<16xf32>,
        %get3A_350 = arith.index_cast %add3A_335 : i32 to index
        %get3A_351 = arith.constant 32 : index
        %get3A_352 = tpu.vector_load %arg8[%get3A_350, %get3A_351] {strides = array<i32>} : memref<256x64xf32, #tpu.memory_space<vmem>>, vector<16xf32>,
        %add3A_353 = arith.addf %get3A_352, %get3A_126 : vector<16xf32>
        %swap3A_354 = arith.index_cast %add3A_335 : i32 to index
        %swap3A_355 = arith.constant 32 : index
        %swap3A_356 = tpu.vector_load %arg8[%swap3A_354, %swap3A_355] {strides = array<i32>} : memref<256x64xf32, #tpu.memory_space<vmem>>, vector<16xf32>,
        tpu.vector_store %arg8[%swap3A_354, %swap3A_355], %add3A_353 {strides = array<i32>} : memref<256x64xf32, #tpu.memory_space<vmem>>, vector<16xf32>,
        %get3A_357 = arith.index_cast %add3A_335 : i32 to index
        %get3A_358 = arith.constant 48 : index
        %get3A_359 = tpu.vector_load %arg8[%get3A_357, %get3A_358] {strides = array<i32>} : memref<256x64xf32, #tpu.memory_space<vmem>>, vector<16xf32>,
        %add3A_360 = arith.addf %get3A_359, %get3A_129 : vector<16xf32>
        %swap3A_361 = arith.index_cast %add3A_335 : i32 to index
        %swap3A_362 = arith.constant 48 : index
        %swap3A_363 = tpu.vector_load %arg8[%swap3A_361, %swap3A_362] {strides = array<i32>} : memref<256x64xf32, #tpu.memory_space<vmem>>, vector<16xf32>,
        tpu.vector_store %arg8[%swap3A_361, %swap3A_362], %add3A_360 {strides = array<i32>} : memref<256x64xf32, #tpu.memory_space<vmem>>, vector<16xf32>,
        %add3A_364 = arith.constant 5 : i32
        %add3A_365 = arith.addi %mul3A_214, %add3A_364 : i32
        %get3A_366 = arith.index_cast %add3A_365 : i32 to index
        %get3A_367 = arith.constant 0 : index
        %get3A_368 = tpu.vector_load %arg8[%get3A_366, %get3A_367] {strides = array<i32>} : memref<256x64xf32, #tpu.memory_space<vmem>>, vector<16xf32>,
        %add3A_369 = arith.addf %get3A_368, %get3A_120 : vector<16xf32>
        %swap3A_370 = arith.index_cast %add3A_365 : i32 to index
        %swap3A_371 = arith.constant 0 : index
        %swap3A_372 = tpu.vector_load %arg8[%swap3A_370, %swap3A_371] {strides = array<i32>} : memref<256x64xf32, #tpu.memory_space<vmem>>, vector<16xf32>,
        tpu.vector_store %arg8[%swap3A_370, %swap3A_371], %add3A_369 {strides = array<i32>} : memref<256x64xf32, #tpu.memory_space<vmem>>, vector<16xf32>,
        %get3A_373 = arith.index_cast %add3A_365 : i32 to index
        %get3A_374 = arith.constant 16 : index
        %get3A_375 = tpu.vector_load %arg8[%get3A_373, %get3A_374] {strides = array<i32>} : memref<256x64xf32, #tpu.memory_space<vmem>>, vector<16xf32>,
        %add3A_376 = arith.addf %get3A_375, %get3A_123 : vector<16xf32>
        %swap3A_377 = arith.index_cast %add3A_365 : i32 to index
        %swap3A_378 = arith.constant 16 : index
        %swap3A_379 = tpu.vector_load %arg8[%swap3A_377, %swap3A_378] {strides = array<i32>} : memref<256x64xf32, #tpu.memory_space<vmem>>, vector<16xf32>,
        tpu.vector_store %arg8[%swap3A_377, %swap3A_378], %add3A_376 {strides = array<i32>} : memref<256x64xf32, #tpu.memory_space<vmem>>, vector<16xf32>,
        %get3A_380 = arith.index_cast %add3A_365 : i32 to index
        %get3A_381 = arith.constant 32 : index
        %get3A_382 = tpu.vector_load %arg8[%get3A_380, %get3A_381] {strides = array<i32>} : memref<256x64xf32, #tpu.memory_space<vmem>>, vector<16xf32>,
        %add3A_383 = arith.addf %get3A_382, %get3A_126 : vector<16xf32>
        %swap3A_384 = arith.index_cast %add3A_365 : i32 to index
        %swap3A_385 = arith.constant 32 : index
        %swap3A_386 = tpu.vector_load %arg8[%swap3A_384, %swap3A_385] {strides = array<i32>} : memref<256x64xf32, #tpu.memory_space<vmem>>, vector<16xf32>,
        tpu.vector_store %arg8[%swap3A_384, %swap3A_385], %add3A_383 {strides = array<i32>} : memref<256x64xf32, #tpu.memory_space<vmem>>, vector<16xf32>,
        %get3A_387 = arith.index_cast %add3A_365 : i32 to index
        %get3A_388 = arith.constant 48 : index
        %get3A_389 = tpu.vector_load %arg8[%get3A_387, %get3A_388] {strides = array<i32>} : memref<256x64xf32, #tpu.memory_space<vmem>>, vector<16xf32>,
        %add3A_390 = arith.addf %get3A_389, %get3A_129 : vector<16xf32>
        %swap3A_391 = arith.index_cast %add3A_365 : i32 to index
        %swap3A_392 = arith.constant 48 : index
        %swap3A_393 = tpu.vector_load %arg8[%swap3A_391, %swap3A_392] {strides = array<i32>} : memref<256x64xf32, #tpu.memory_space<vmem>>, vector<16xf32>,
        tpu.vector_store %arg8[%swap3A_391, %swap3A_392], %add3A_390 {strides = array<i32>} : memref<256x64xf32, #tpu.memory_space<vmem>>, vector<16xf32>,
        %add3A_394 = arith.constant 6 : i32
        %add3A_395 = arith.addi %mul3A_214, %add3A_394 : i32
        %get3A_396 = arith.index_cast %add3A_395 : i32 to index
        %get3A_397 = arith.constant 0 : index
        %get3A_398 = tpu.vector_load %arg8[%get3A_396, %get3A_397] {strides = array<i32>} : memref<256x64xf32, #tpu.memory_space<vmem>>, vector<16xf32>,
        %add3A_399 = arith.addf %get3A_398, %get3A_120 : vector<16xf32>
        %swap3A_400 = arith.index_cast %add3A_395 : i32 to index
        %swap3A_401 = arith.constant 0 : index
        %swap3A_402 = tpu.vector_load %arg8[%swap3A_400, %swap3A_401] {strides = array<i32>} : memref<256x64xf32, #tpu.memory_space<vmem>>, vector<16xf32>,
        tpu.vector_store %arg8[%swap3A_400, %swap3A_401], %add3A_399 {strides = array<i32>} : memref<256x64xf32, #tpu.memory_space<vmem>>, vector<16xf32>,
        %get3A_403 = arith.index_cast %add3A_395 : i32 to index
        %get3A_404 = arith.constant 16 : index
        %get3A_405 = tpu.vector_load %arg8[%get3A_403, %get3A_404] {strides = array<i32>} : memref<256x64xf32, #tpu.memory_space<vmem>>, vector<16xf32>,
        %add3A_406 = arith.addf %get3A_405, %get3A_123 : vector<16xf32>
        %swap3A_407 = arith.index_cast %add3A_395 : i32 to index
        %swap3A_408 = arith.constant 16 : index
        %swap3A_409 = tpu.vector_load %arg8[%swap3A_407, %swap3A_408] {strides = array<i32>} : memref<256x64xf32, #tpu.memory_space<vmem>>, vector<16xf32>,
        tpu.vector_store %arg8[%swap3A_407, %swap3A_408], %add3A_406 {strides = array<i32>} : memref<256x64xf32, #tpu.memory_space<vmem>>, vector<16xf32>,
        %get3A_410 = arith.index_cast %add3A_395 : i32 to index
        %get3A_411 = arith.constant 32 : index
        %get3A_412 = tpu.vector_load %arg8[%get3A_410, %get3A_411] {strides = array<i32>} : memref<256x64xf32, #tpu.memory_space<vmem>>, vector<16xf32>,
        %add3A_413 = arith.addf %get3A_412, %get3A_126 : vector<16xf32>
        %swap3A_414 = arith.index_cast %add3A_395 : i32 to index
        %swap3A_415 = arith.constant 32 : index
        %swap3A_416 = tpu.vector_load %arg8[%swap3A_414, %swap3A_415] {strides = array<i32>} : memref<256x64xf32, #tpu.memory_space<vmem>>, vector<16xf32>,
        tpu.vector_store %arg8[%swap3A_414, %swap3A_415], %add3A_413 {strides = array<i32>} : memref<256x64xf32, #tpu.memory_space<vmem>>, vector<16xf32>,
        %get3A_417 = arith.index_cast %add3A_395 : i32 to index
        %get3A_418 = arith.constant 48 : index
        %get3A_419 = tpu.vector_load %arg8[%get3A_417, %get3A_418] {strides = array<i32>} : memref<256x64xf32, #tpu.memory_space<vmem>>, vector<16xf32>,
        %add3A_420 = arith.addf %get3A_419, %get3A_129 : vector<16xf32>
        %swap3A_421 = arith.index_cast %add3A_395 : i32 to index
        %swap3A_422 = arith.constant 48 : index
        %swap3A_423 = tpu.vector_load %arg8[%swap3A_421, %swap3A_422] {strides = array<i32>} : memref<256x64xf32, #tpu.memory_space<vmem>>, vector<16xf32>,
        tpu.vector_store %arg8[%swap3A_421, %swap3A_422], %add3A_420 {strides = array<i32>} : memref<256x64xf32, #tpu.memory_space<vmem>>, vector<16xf32>,
        %add3A_424 = arith.constant 7 : i32
        %add3A_425 = arith.addi %mul3A_214, %add3A_424 : i32
        %get3A_426 = arith.index_cast %add3A_425 : i32 to index
        %get3A_427 = arith.constant 0 : index
        %get3A_428 = tpu.vector_load %arg8[%get3A_426, %get3A_427] {strides = array<i32>} : memref<256x64xf32, #tpu.memory_space<vmem>>, vector<16xf32>,
        %add3A_429 = arith.addf %get3A_428, %get3A_120 : vector<16xf32>
        %swap3A_430 = arith.index_cast %add3A_425 : i32 to index
        %swap3A_431 = arith.constant 0 : index
        %swap3A_432 = tpu.vector_load %arg8[%swap3A_430, %swap3A_431] {strides = array<i32>} : memref<256x64xf32, #tpu.memory_space<vmem>>, vector<16xf32>,
        tpu.vector_store %arg8[%swap3A_430, %swap3A_431], %add3A_429 {strides = array<i32>} : memref<256x64xf32, #tpu.memory_space<vmem>>, vector<16xf32>,
        %get3A_433 = arith.index_cast %add3A_425 : i32 to index
        %get3A_434 = arith.constant 16 : index
        %get3A_435 = tpu.vector_load %arg8[%get3A_433, %get3A_434] {strides = array<i32>} : memref<256x64xf32, #tpu.memory_space<vmem>>, vector<16xf32>,
        %add3A_436 = arith.addf %get3A_435, %get3A_123 : vector<16xf32>
        %swap3A_437 = arith.index_cast %add3A_425 : i32 to index
        %swap3A_438 = arith.constant 16 : index
        %swap3A_439 = tpu.vector_load %arg8[%swap3A_437, %swap3A_438] {strides = array<i32>} : memref<256x64xf32, #tpu.memory_space<vmem>>, vector<16xf32>,
        tpu.vector_store %arg8[%swap3A_437, %swap3A_438], %add3A_436 {strides = array<i32>} : memref<256x64xf32, #tpu.memory_space<vmem>>, vector<16xf32>,
        %get3A_440 = arith.index_cast %add3A_425 : i32 to index
        %get3A_441 = arith.constant 32 : index
        %get3A_442 = tpu.vector_load %arg8[%get3A_440, %get3A_441] {strides = array<i32>} : memref<256x64xf32, #tpu.memory_space<vmem>>, vector<16xf32>,
        %add3A_443 = arith.addf %get3A_442, %get3A_126 : vector<16xf32>
        %swap3A_444 = arith.index_cast %add3A_425 : i32 to index
        %swap3A_445 = arith.constant 32 : index
        %swap3A_446 = tpu.vector_load %arg8[%swap3A_444, %swap3A_445] {strides = array<i32>} : memref<256x64xf32, #tpu.memory_space<vmem>>, vector<16xf32>,
        tpu.vector_store %arg8[%swap3A_444, %swap3A_445], %add3A_443 {strides = array<i32>} : memref<256x64xf32, #tpu.memory_space<vmem>>, vector<16xf32>,
        %get3A_447 = arith.index_cast %add3A_425 : i32 to index
        %get3A_448 = arith.constant 48 : index
        %get3A_449 = tpu.vector_load %arg8[%get3A_447, %get3A_448] {strides = array<i32>} : memref<256x64xf32, #tpu.memory_space<vmem>>, vector<16xf32>,
        %add3A_450 = arith.addf %get3A_449, %get3A_129 : vector<16xf32>
        %swap3A_451 = arith.index_cast %add3A_425 : i32 to index
        %swap3A_452 = arith.constant 48 : index
        %swap3A_453 = tpu.vector_load %arg8[%swap3A_451, %swap3A_452] {strides = array<i32>} : memref<256x64xf32, #tpu.memory_space<vmem>>, vector<16xf32>,
        tpu.vector_store %arg8[%swap3A_451, %swap3A_452], %add3A_450 {strides = array<i32>} : memref<256x64xf32, #tpu.memory_space<vmem>>, vector<16xf32>,
        %add3A_454 = arith.constant 8 : i32
        %add3A_455 = arith.addi %mul3A_214, %add3A_454 : i32
        %get3A_456 = arith.index_cast %add3A_455 : i32 to index
        %get3A_457 = arith.constant 0 : index
        %get3A_458 = tpu.vector_load %arg8[%get3A_456, %get3A_457] {strides = array<i32>} : memref<256x64xf32, #tpu.memory_space<vmem>>, vector<16xf32>,
        %add3A_459 = arith.addf %get3A_458, %get3A_120 : vector<16xf32>
        %swap3A_460 = arith.index_cast %add3A_455 : i32 to index
        %swap3A_461 = arith.constant 0 : index
        %swap3A_462 = tpu.vector_load %arg8[%swap3A_460, %swap3A_461] {strides = array<i32>} : memref<256x64xf32, #tpu.memory_space<vmem>>, vector<16xf32>,
        tpu.vector_store %arg8[%swap3A_460, %swap3A_461], %add3A_459 {strides = array<i32>} : memref<256x64xf32, #tpu.memory_space<vmem>>, vector<16xf32>,
        %get3A_463 = arith.index_cast %add3A_455 : i32 to index
        %get3A_464 = arith.constant 16 : index
        %get3A_465 = tpu.vector_load %arg8[%get3A_463, %get3A_464] {strides = array<i32>} : memref<256x64xf32, #tpu.memory_space<vmem>>, vector<16xf32>,
        %add3A_466 = arith.addf %get3A_465, %get3A_123 : vector<16xf32>
        %swap3A_467 = arith.index_cast %add3A_455 : i32 to index
        %swap3A_468 = arith.constant 16 : index
        %swap3A_469 = tpu.vector_load %arg8[%swap3A_467, %swap3A_468] {strides = array<i32>} : memref<256x64xf32, #tpu.memory_space<vmem>>, vector<16xf32>,
        tpu.vector_store %arg8[%swap3A_467, %swap3A_468], %add3A_466 {strides = array<i32>} : memref<256x64xf32, #tpu.memory_space<vmem>>, vector<16xf32>,
        %get3A_470 = arith.index_cast %add3A_455 : i32 to index
        %get3A_471 = arith.constant 32 : index
        %get3A_472 = tpu.vector_load %arg8[%get3A_470, %get3A_471] {strides = array<i32>} : memref<256x64xf32, #tpu.memory_space<vmem>>, vector<16xf32>,
        %add3A_473 = arith.addf %get3A_472, %get3A_126 : vector<16xf32>
        %swap3A_474 = arith.index_cast %add3A_455 : i32 to index
        %swap3A_475 = arith.constant 32 : index
        %swap3A_476 = tpu.vector_load %arg8[%swap3A_474, %swap3A_475] {strides = array<i32>} : memref<256x64xf32, #tpu.memory_space<vmem>>, vector<16xf32>,
        tpu.vector_store %arg8[%swap3A_474, %swap3A_475], %add3A_473 {strides = array<i32>} : memref<256x64xf32, #tpu.memory_space<vmem>>, vector<16xf32>,
        %get3A_477 = arith.index_cast %add3A_455 : i32 to index
        %get3A_478 = arith.constant 48 : index
        %get3A_479 = tpu.vector_load %arg8[%get3A_477, %get3A_478] {strides = array<i32>} : memref<256x64xf32, #tpu.memory_space<vmem>>, vector<16xf32>,
        %add3A_480 = arith.addf %get3A_479, %get3A_129 : vector<16xf32>
        %swap3A_481 = arith.index_cast %add3A_455 : i32 to index
        %swap3A_482 = arith.constant 48 : index
        %swap3A_483 = tpu.vector_load %arg8[%swap3A_481, %swap3A_482] {strides = array<i32>} : memref<256x64xf32, #tpu.memory_space<vmem>>, vector<16xf32>,
        tpu.vector_store %arg8[%swap3A_481, %swap3A_482], %add3A_480 {strides = array<i32>} : memref<256x64xf32, #tpu.memory_space<vmem>>, vector<16xf32>,
        %add3A_484 = arith.constant 9 : i32
        %add3A_485 = arith.addi %mul3A_214, %add3A_484 : i32
        %get3A_486 = arith.index_cast %add3A_485 : i32 to index
        %get3A_487 = arith.constant 0 : index
        %get3A_488 = tpu.vector_load %arg8[%get3A_486, %get3A_487] {strides = array<i32>} : memref<256x64xf32, #tpu.memory_space<vmem>>, vector<16xf32>,
        %add3A_489 = arith.addf %get3A_488, %get3A_120 : vector<16xf32>
        %swap3A_490 = arith.index_cast %add3A_485 : i32 to index
        %swap3A_491 = arith.constant 0 : index
        %swap3A_492 = tpu.vector_load %arg8[%swap3A_490, %swap3A_491] {strides = array<i32>} : memref<256x64xf32, #tpu.memory_space<vmem>>, vector<16xf32>,
        tpu.vector_store %arg8[%swap3A_490, %swap3A_491], %add3A_489 {strides = array<i32>} : memref<256x64xf32, #tpu.memory_space<vmem>>, vector<16xf32>,
        %get3A_493 = arith.index_cast %add3A_485 : i32 to index
        %get3A_494 = arith.constant 16 : index
        %get3A_495 = tpu.vector_load %arg8[%get3A_493, %get3A_494] {strides = array<i32>} : memref<256x64xf32, #tpu.memory_space<vmem>>, vector<16xf32>,
        %add3A_496 = arith.addf %get3A_495, %get3A_123 : vector<16xf32>
        %swap3A_497 = arith.index_cast %add3A_485 : i32 to index
        %swap3A_498 = arith.constant 16 : index
        %swap3A_499 = tpu.vector_load %arg8[%swap3A_497, %swap3A_498] {strides = array<i32>} : memref<256x64xf32, #tpu.memory_space<vmem>>, vector<16xf32>,
        tpu.vector_store %arg8[%swap3A_497, %swap3A_498], %add3A_496 {strides = array<i32>} : memref<256x64xf32, #tpu.memory_space<vmem>>, vector<16xf32>,
        %get3A_500 = arith.index_cast %add3A_485 : i32 to index
        %get3A_501 = arith.constant 32 : index
        %get3A_502 = tpu.vector_load %arg8[%get3A_500, %get3A_501] {strides = array<i32>} : memref<256x64xf32, #tpu.memory_space<vmem>>, vector<16xf32>,
        %add3A_503 = arith.addf %get3A_502, %get3A_126 : vector<16xf32>
        %swap3A_504 = arith.index_cast %add3A_485 : i32 to index
        %swap3A_505 = arith.constant 32 : index
        %swap3A_506 = tpu.vector_load %arg8[%swap3A_504, %swap3A_505] {strides = array<i32>} : memref<256x64xf32, #tpu.memory_space<vmem>>, vector<16xf32>,
        tpu.vector_store %arg8[%swap3A_504, %swap3A_505], %add3A_503 {strides = array<i32>} : memref<256x64xf32, #tpu.memory_space<vmem>>, vector<16xf32>,
        %get3A_507 = arith.index_cast %add3A_485 : i32 to index
        %get3A_508 = arith.constant 48 : index
        %get3A_509 = tpu.vector_load %arg8[%get3A_507, %get3A_508] {strides = array<i32>} : memref<256x64xf32, #tpu.memory_space<vmem>>, vector<16xf32>,
        %add3A_510 = arith.addf %get3A_509, %get3A_129 : vector<16xf32>
        %swap3A_511 = arith.index_cast %add3A_485 : i32 to index
        %swap3A_512 = arith.constant 48 : index
        %swap3A_513 = tpu.vector_load %arg8[%swap3A_511, %swap3A_512] {strides = array<i32>} : memref<256x64xf32, #tpu.memory_space<vmem>>, vector<16xf32>,
        tpu.vector_store %arg8[%swap3A_511, %swap3A_512], %add3A_510 {strides = array<i32>} : memref<256x64xf32, #tpu.memory_space<vmem>>, vector<16xf32>,
        %add3A_514 = arith.constant 10 : i32
        %add3A_515 = arith.addi %mul3A_214, %add3A_514 : i32
        %get3A_516 = arith.index_cast %add3A_515 : i32 to index
        %get3A_517 = arith.constant 0 : index
        %get3A_518 = tpu.vector_load %arg8[%get3A_516, %get3A_517] {strides = array<i32>} : memref<256x64xf32, #tpu.memory_space<vmem>>, vector<16xf32>,
        %add3A_519 = arith.addf %get3A_518, %get3A_120 : vector<16xf32>
        %swap3A_520 = arith.index_cast %add3A_515 : i32 to index
        %swap3A_521 = arith.constant 0 : index
        %swap3A_522 = tpu.vector_load %arg8[%swap3A_520, %swap3A_521] {strides = array<i32>} : memref<256x64xf32, #tpu.memory_space<vmem>>, vector<16xf32>,
        tpu.vector_store %arg8[%swap3A_520, %swap3A_521], %add3A_519 {strides = array<i32>} : memref<256x64xf32, #tpu.memory_space<vmem>>, vector<16xf32>,
        %get3A_523 = arith.index_cast %add3A_515 : i32 to index
        %get3A_524 = arith.constant 16 : index
        %get3A_525 = tpu.vector_load %arg8[%get3A_523, %get3A_524] {strides = array<i32>} : memref<256x64xf32, #tpu.memory_space<vmem>>, vector<16xf32>,
        %add3A_526 = arith.addf %get3A_525, %get3A_123 : vector<16xf32>
        %swap3A_527 = arith.index_cast %add3A_515 : i32 to index
        %swap3A_528 = arith.constant 16 : index
        %swap3A_529 = tpu.vector_load %arg8[%swap3A_527, %swap3A_528] {strides = array<i32>} : memref<256x64xf32, #tpu.memory_space<vmem>>, vector<16xf32>,
        tpu.vector_store %arg8[%swap3A_527, %swap3A_528], %add3A_526 {strides = array<i32>} : memref<256x64xf32, #tpu.memory_space<vmem>>, vector<16xf32>,
        %get3A_530 = arith.index_cast %add3A_515 : i32 to index
        %get3A_531 = arith.constant 32 : index
        %get3A_532 = tpu.vector_load %arg8[%get3A_530, %get3A_531] {strides = array<i32>} : memref<256x64xf32, #tpu.memory_space<vmem>>, vector<16xf32>,
        %add3A_533 = arith.addf %get3A_532, %get3A_126 : vector<16xf32>
        %swap3A_534 = arith.index_cast %add3A_515 : i32 to index
        %swap3A_535 = arith.constant 32 : index
        %swap3A_536 = tpu.vector_load %arg8[%swap3A_534, %swap3A_535] {strides = array<i32>} : memref<256x64xf32, #tpu.memory_space<vmem>>, vector<16xf32>,
        tpu.vector_store %arg8[%swap3A_534, %swap3A_535], %add3A_533 {strides = array<i32>} : memref<256x64xf32, #tpu.memory_space<vmem>>, vector<16xf32>,
        %get3A_537 = arith.index_cast %add3A_515 : i32 to index
        %get3A_538 = arith.constant 48 : index
        %get3A_539 = tpu.vector_load %arg8[%get3A_537, %get3A_538] {strides = array<i32>} : memref<256x64xf32, #tpu.memory_space<vmem>>, vector<16xf32>,
        %add3A_540 = arith.addf %get3A_539, %get3A_129 : vector<16xf32>
        %swap3A_541 = arith.index_cast %add3A_515 : i32 to index
        %swap3A_542 = arith.constant 48 : index
        %swap3A_543 = tpu.vector_load %arg8[%swap3A_541, %swap3A_542] {strides = array<i32>} : memref<256x64xf32, #tpu.memory_space<vmem>>, vector<16xf32>,
        tpu.vector_store %arg8[%swap3A_541, %swap3A_542], %add3A_540 {strides = array<i32>} : memref<256x64xf32, #tpu.memory_space<vmem>>, vector<16xf32>,
        %add3A_544 = arith.constant 11 : i32
        %add3A_545 = arith.addi %mul3A_214, %add3A_544 : i32
        %get3A_546 = arith.index_cast %add3A_545 : i32 to index
        %get3A_547 = arith.constant 0 : index
        %get3A_548 = tpu.vector_load %arg8[%get3A_546, %get3A_547] {strides = array<i32>} : memref<256x64xf32, #tpu.memory_space<vmem>>, vector<16xf32>,
        %add3A_549 = arith.addf %get3A_548, %get3A_120 : vector<16xf32>
        %swap3A_550 = arith.index_cast %add3A_545 : i32 to index
        %swap3A_551 = arith.constant 0 : index
        %swap3A_552 = tpu.vector_load %arg8[%swap3A_550, %swap3A_551] {strides = array<i32>} : memref<256x64xf32, #tpu.memory_space<vmem>>, vector<16xf32>,
        tpu.vector_store %arg8[%swap3A_550, %swap3A_551], %add3A_549 {strides = array<i32>} : memref<256x64xf32, #tpu.memory_space<vmem>>, vector<16xf32>,
        %get3A_553 = arith.index_cast %add3A_545 : i32 to index
        %get3A_554 = arith.constant 16 : index
        %get3A_555 = tpu.vector_load %arg8[%get3A_553, %get3A_554] {strides = array<i32>} : memref<256x64xf32, #tpu.memory_space<vmem>>, vector<16xf32>,
        %add3A_556 = arith.addf %get3A_555, %get3A_123 : vector<16xf32>
        %swap3A_557 = arith.index_cast %add3A_545 : i32 to index
        %swap3A_558 = arith.constant 16 : index
        %swap3A_559 = tpu.vector_load %arg8[%swap3A_557, %swap3A_558] {strides = array<i32>} : memref<256x64xf32, #tpu.memory_space<vmem>>, vector<16xf32>,
        tpu.vector_store %arg8[%swap3A_557, %swap3A_558], %add3A_556 {strides = array<i32>} : memref<256x64xf32, #tpu.memory_space<vmem>>, vector<16xf32>,
        %get3A_560 = arith.index_cast %add3A_545 : i32 to index
        %get3A_561 = arith.constant 32 : index
        %get3A_562 = tpu.vector_load %arg8[%get3A_560, %get3A_561] {strides = array<i32>} : memref<256x64xf32, #tpu.memory_space<vmem>>, vector<16xf32>,
        %add3A_563 = arith.addf %get3A_562, %get3A_126 : vector<16xf32>
        %swap3A_564 = arith.index_cast %add3A_545 : i32 to index
        %swap3A_565 = arith.constant 32 : index
        %swap3A_566 = tpu.vector_load %arg8[%swap3A_564, %swap3A_565] {strides = array<i32>} : memref<256x64xf32, #tpu.memory_space<vmem>>, vector<16xf32>,
        tpu.vector_store %arg8[%swap3A_564, %swap3A_565], %add3A_563 {strides = array<i32>} : memref<256x64xf32, #tpu.memory_space<vmem>>, vector<16xf32>,
        %get3A_567 = arith.index_cast %add3A_545 : i32 to index
        %get3A_568 = arith.constant 48 : index
        %get3A_569 = tpu.vector_load %arg8[%get3A_567, %get3A_568] {strides = array<i32>} : memref<256x64xf32, #tpu.memory_space<vmem>>, vector<16xf32>,
        %add3A_570 = arith.addf %get3A_569, %get3A_129 : vector<16xf32>
        %swap3A_571 = arith.index_cast %add3A_545 : i32 to index
        %swap3A_572 = arith.constant 48 : index
        %swap3A_573 = tpu.vector_load %arg8[%swap3A_571, %swap3A_572] {strides = array<i32>} : memref<256x64xf32, #tpu.memory_space<vmem>>, vector<16xf32>,
        tpu.vector_store %arg8[%swap3A_571, %swap3A_572], %add3A_570 {strides = array<i32>} : memref<256x64xf32, #tpu.memory_space<vmem>>, vector<16xf32>,
        %add3A_574 = arith.constant 12 : i32
        %add3A_575 = arith.addi %mul3A_214, %add3A_574 : i32
        %get3A_576 = arith.index_cast %add3A_575 : i32 to index
        %get3A_577 = arith.constant 0 : index
        %get3A_578 = tpu.vector_load %arg8[%get3A_576, %get3A_577] {strides = array<i32>} : memref<256x64xf32, #tpu.memory_space<vmem>>, vector<16xf32>,
        %add3A_579 = arith.addf %get3A_578, %get3A_120 : vector<16xf32>
        %swap3A_580 = arith.index_cast %add3A_575 : i32 to index
        %swap3A_581 = arith.constant 0 : index
        %swap3A_582 = tpu.vector_load %arg8[%swap3A_580, %swap3A_581] {strides = array<i32>} : memref<256x64xf32, #tpu.memory_space<vmem>>, vector<16xf32>,
        tpu.vector_store %arg8[%swap3A_580, %swap3A_581], %add3A_579 {strides = array<i32>} : memref<256x64xf32, #tpu.memory_space<vmem>>, vector<16xf32>,
        %get3A_583 = arith.index_cast %add3A_575 : i32 to index
        %get3A_584 = arith.constant 16 : index
        %get3A_585 = tpu.vector_load %arg8[%get3A_583, %get3A_584] {strides = array<i32>} : memref<256x64xf32, #tpu.memory_space<vmem>>, vector<16xf32>,
        %add3A_586 = arith.addf %get3A_585, %get3A_123 : vector<16xf32>
        %swap3A_587 = arith.index_cast %add3A_575 : i32 to index
        %swap3A_588 = arith.constant 16 : index
        %swap3A_589 = tpu.vector_load %arg8[%swap3A_587, %swap3A_588] {strides = array<i32>} : memref<256x64xf32, #tpu.memory_space<vmem>>, vector<16xf32>,
        tpu.vector_store %arg8[%swap3A_587, %swap3A_588], %add3A_586 {strides = array<i32>} : memref<256x64xf32, #tpu.memory_space<vmem>>, vector<16xf32>,
        %get3A_590 = arith.index_cast %add3A_575 : i32 to index
        %get3A_591 = arith.constant 32 : index
        %get3A_592 = tpu.vector_load %arg8[%get3A_590, %get3A_591] {strides = array<i32>} : memref<256x64xf32, #tpu.memory_space<vmem>>, vector<16xf32>,
        %add3A_593 = arith.addf %get3A_592, %get3A_126 : vector<16xf32>
        %swap3A_594 = arith.index_cast %add3A_575 : i32 to index
        %swap3A_595 = arith.constant 32 : index
        %swap3A_596 = tpu.vector_load %arg8[%swap3A_594, %swap3A_595] {strides = array<i32>} : memref<256x64xf32, #tpu.memory_space<vmem>>, vector<16xf32>,
        tpu.vector_store %arg8[%swap3A_594, %swap3A_595], %add3A_593 {strides = array<i32>} : memref<256x64xf32, #tpu.memory_space<vmem>>, vector<16xf32>,
        %get3A_597 = arith.index_cast %add3A_575 : i32 to index
        %get3A_598 = arith.constant 48 : index
        %get3A_599 = tpu.vector_load %arg8[%get3A_597, %get3A_598] {strides = array<i32>} : memref<256x64xf32, #tpu.memory_space<vmem>>, vector<16xf32>,
        %add3A_600 = arith.addf %get3A_599, %get3A_129 : vector<16xf32>
        %swap3A_601 = arith.index_cast %add3A_575 : i32 to index
        %swap3A_602 = arith.constant 48 : index
        %swap3A_603 = tpu.vector_load %arg8[%swap3A_601, %swap3A_602] {strides = array<i32>} : memref<256x64xf32, #tpu.memory_space<vmem>>, vector<16xf32>,
        tpu.vector_store %arg8[%swap3A_601, %swap3A_602], %add3A_600 {strides = array<i32>} : memref<256x64xf32, #tpu.memory_space<vmem>>, vector<16xf32>,
        %add3A_604 = arith.constant 13 : i32
        %add3A_605 = arith.addi %mul3A_214, %add3A_604 : i32
        %get3A_606 = arith.index_cast %add3A_605 : i32 to index
        %get3A_607 = arith.constant 0 : index
        %get3A_608 = tpu.vector_load %arg8[%get3A_606, %get3A_607] {strides = array<i32>} : memref<256x64xf32, #tpu.memory_space<vmem>>, vector<16xf32>,
        %add3A_609 = arith.addf %get3A_608, %get3A_120 : vector<16xf32>
        %swap3A_610 = arith.index_cast %add3A_605 : i32 to index
        %swap3A_611 = arith.constant 0 : index
        %swap3A_612 = tpu.vector_load %arg8[%swap3A_610, %swap3A_611] {strides = array<i32>} : memref<256x64xf32, #tpu.memory_space<vmem>>, vector<16xf32>,
        tpu.vector_store %arg8[%swap3A_610, %swap3A_611], %add3A_609 {strides = array<i32>} : memref<256x64xf32, #tpu.memory_space<vmem>>, vector<16xf32>,
        %get3A_613 = arith.index_cast %add3A_605 : i32 to index
        %get3A_614 = arith.constant 16 : index
        %get3A_615 = tpu.vector_load %arg8[%get3A_613, %get3A_614] {strides = array<i32>} : memref<256x64xf32, #tpu.memory_space<vmem>>, vector<16xf32>,
        %add3A_616 = arith.addf %get3A_615, %get3A_123 : vector<16xf32>
        %swap3A_617 = arith.index_cast %add3A_605 : i32 to index
        %swap3A_618 = arith.constant 16 : index
        %swap3A_619 = tpu.vector_load %arg8[%swap3A_617, %swap3A_618] {strides = array<i32>} : memref<256x64xf32, #tpu.memory_space<vmem>>, vector<16xf32>,
        tpu.vector_store %arg8[%swap3A_617, %swap3A_618], %add3A_616 {strides = array<i32>} : memref<256x64xf32, #tpu.memory_space<vmem>>, vector<16xf32>,
        %get3A_620 = arith.index_cast %add3A_605 : i32 to index
        %get3A_621 = arith.constant 32 : index
        %get3A_622 = tpu.vector_load %arg8[%get3A_620, %get3A_621] {strides = array<i32>} : memref<256x64xf32, #tpu.memory_space<vmem>>, vector<16xf32>,
        %add3A_623 = arith.addf %get3A_622, %get3A_126 : vector<16xf32>
        %swap3A_624 = arith.index_cast %add3A_605 : i32 to index
        %swap3A_625 = arith.constant 32 : index
        %swap3A_626 = tpu.vector_load %arg8[%swap3A_624, %swap3A_625] {strides = array<i32>} : memref<256x64xf32, #tpu.memory_space<vmem>>, vector<16xf32>,
        tpu.vector_store %arg8[%swap3A_624, %swap3A_625], %add3A_623 {strides = array<i32>} : memref<256x64xf32, #tpu.memory_space<vmem>>, vector<16xf32>,
        %get3A_627 = arith.index_cast %add3A_605 : i32 to index
        %get3A_628 = arith.constant 48 : index
        %get3A_629 = tpu.vector_load %arg8[%get3A_627, %get3A_628] {strides = array<i32>} : memref<256x64xf32, #tpu.memory_space<vmem>>, vector<16xf32>,
        %add3A_630 = arith.addf %get3A_629, %get3A_129 : vector<16xf32>
        %swap3A_631 = arith.index_cast %add3A_605 : i32 to index
        %swap3A_632 = arith.constant 48 : index
        %swap3A_633 = tpu.vector_load %arg8[%swap3A_631, %swap3A_632] {strides = array<i32>} : memref<256x64xf32, #tpu.memory_space<vmem>>, vector<16xf32>,
        tpu.vector_store %arg8[%swap3A_631, %swap3A_632], %add3A_630 {strides = array<i32>} : memref<256x64xf32, #tpu.memory_space<vmem>>, vector<16xf32>,
        %add3A_634 = arith.constant 14 : i32
        %add3A_635 = arith.addi %mul3A_214, %add3A_634 : i32
        %get3A_636 = arith.index_cast %add3A_635 : i32 to index
        %get3A_637 = arith.constant 0 : index
        %get3A_638 = tpu.vector_load %arg8[%get3A_636, %get3A_637] {strides = array<i32>} : memref<256x64xf32, #tpu.memory_space<vmem>>, vector<16xf32>,
        %add3A_639 = arith.addf %get3A_638, %get3A_120 : vector<16xf32>
        %swap3A_640 = arith.index_cast %add3A_635 : i32 to index
        %swap3A_641 = arith.constant 0 : index
        %swap3A_642 = tpu.vector_load %arg8[%swap3A_640, %swap3A_641] {strides = array<i32>} : memref<256x64xf32, #tpu.memory_space<vmem>>, vector<16xf32>,
        tpu.vector_store %arg8[%swap3A_640, %swap3A_641], %add3A_639 {strides = array<i32>} : memref<256x64xf32, #tpu.memory_space<vmem>>, vector<16xf32>,
        %get3A_643 = arith.index_cast %add3A_635 : i32 to index
        %get3A_644 = arith.constant 16 : index
        %get3A_645 = tpu.vector_load %arg8[%get3A_643, %get3A_644] {strides = array<i32>} : memref<256x64xf32, #tpu.memory_space<vmem>>, vector<16xf32>,
        %add3A_646 = arith.addf %get3A_645, %get3A_123 : vector<16xf32>
        %swap3A_647 = arith.index_cast %add3A_635 : i32 to index
        %swap3A_648 = arith.constant 16 : index
        %swap3A_649 = tpu.vector_load %arg8[%swap3A_647, %swap3A_648] {strides = array<i32>} : memref<256x64xf32, #tpu.memory_space<vmem>>, vector<16xf32>,
        tpu.vector_store %arg8[%swap3A_647, %swap3A_648], %add3A_646 {strides = array<i32>} : memref<256x64xf32, #tpu.memory_space<vmem>>, vector<16xf32>,
        %get3A_650 = arith.index_cast %add3A_635 : i32 to index
        %get3A_651 = arith.constant 32 : index
        %get3A_652 = tpu.vector_load %arg8[%get3A_650, %get3A_651] {strides = array<i32>} : memref<256x64xf32, #tpu.memory_space<vmem>>, vector<16xf32>,
        %add3A_653 = arith.addf %get3A_652, %get3A_126 : vector<16xf32>
        %swap3A_654 = arith.index_cast %add3A_635 : i32 to index
        %swap3A_655 = arith.constant 32 : index
        %swap3A_656 = tpu.vector_load %arg8[%swap3A_654, %swap3A_655] {strides = array<i32>} : memref<256x64xf32, #tpu.memory_space<vmem>>, vector<16xf32>,
        tpu.vector_store %arg8[%swap3A_654, %swap3A_655], %add3A_653 {strides = array<i32>} : memref<256x64xf32, #tpu.memory_space<vmem>>, vector<16xf32>,
        %get3A_657 = arith.index_cast %add3A_635 : i32 to index
        %get3A_658 = arith.constant 48 : index
        %get3A_659 = tpu.vector_load %arg8[%get3A_657, %get3A_658] {strides = array<i32>} : memref<256x64xf32, #tpu.memory_space<vmem>>, vector<16xf32>,
        %add3A_660 = arith.addf %get3A_659, %get3A_129 : vector<16xf32>
        %swap3A_661 = arith.index_cast %add3A_635 : i32 to index
        %swap3A_662 = arith.constant 48 : index
        %swap3A_663 = tpu.vector_load %arg8[%swap3A_661, %swap3A_662] {strides = array<i32>} : memref<256x64xf32, #tpu.memory_space<vmem>>, vector<16xf32>,
        tpu.vector_store %arg8[%swap3A_661, %swap3A_662], %add3A_660 {strides = array<i32>} : memref<256x64xf32, #tpu.memory_space<vmem>>, vector<16xf32>,
        %add3A_664 = arith.constant 15 : i32
        %add3A_665 = arith.addi %mul3A_214, %add3A_664 : i32
        %get3A_666 = arith.index_cast %add3A_665 : i32 to index
        %get3A_667 = arith.constant 0 : index
        %get3A_668 = tpu.vector_load %arg8[%get3A_666, %get3A_667] {strides = array<i32>} : memref<256x64xf32, #tpu.memory_space<vmem>>, vector<16xf32>,
        %add3A_669 = arith.addf %get3A_668, %get3A_120 : vector<16xf32>
        %swap3A_670 = arith.index_cast %add3A_665 : i32 to index
        %swap3A_671 = arith.constant 0 : index
        %swap3A_672 = tpu.vector_load %arg8[%swap3A_670, %swap3A_671] {strides = array<i32>} : memref<256x64xf32, #tpu.memory_space<vmem>>, vector<16xf32>,
        tpu.vector_store %arg8[%swap3A_670, %swap3A_671], %add3A_669 {strides = array<i32>} : memref<256x64xf32, #tpu.memory_space<vmem>>, vector<16xf32>,
        %get3A_673 = arith.index_cast %add3A_665 : i32 to index
        %get3A_674 = arith.constant 16 : index
        %get3A_675 = tpu.vector_load %arg8[%get3A_673, %get3A_674] {strides = array<i32>} : memref<256x64xf32, #tpu.memory_space<vmem>>, vector<16xf32>,
        %add3A_676 = arith.addf %get3A_675, %get3A_123 : vector<16xf32>
        %swap3A_677 = arith.index_cast %add3A_665 : i32 to index
        %swap3A_678 = arith.constant 16 : index
        %swap3A_679 = tpu.vector_load %arg8[%swap3A_677, %swap3A_678] {strides = array<i32>} : memref<256x64xf32, #tpu.memory_space<vmem>>, vector<16xf32>,
        tpu.vector_store %arg8[%swap3A_677, %swap3A_678], %add3A_676 {strides = array<i32>} : memref<256x64xf32, #tpu.memory_space<vmem>>, vector<16xf32>,
        %get3A_680 = arith.index_cast %add3A_665 : i32 to index
        %get3A_681 = arith.constant 32 : index
        %get3A_682 = tpu.vector_load %arg8[%get3A_680, %get3A_681] {strides = array<i32>} : memref<256x64xf32, #tpu.memory_space<vmem>>, vector<16xf32>,
        %add3A_683 = arith.addf %get3A_682, %get3A_126 : vector<16xf32>
        %swap3A_684 = arith.index_cast %add3A_665 : i32 to index
        %swap3A_685 = arith.constant 32 : index
        %swap3A_686 = tpu.vector_load %arg8[%swap3A_684, %swap3A_685] {strides = array<i32>} : memref<256x64xf32, #tpu.memory_space<vmem>>, vector<16xf32>,
        tpu.vector_store %arg8[%swap3A_684, %swap3A_685], %add3A_683 {strides = array<i32>} : memref<256x64xf32, #tpu.memory_space<vmem>>, vector<16xf32>,
        %get3A_687 = arith.index_cast %add3A_665 : i32 to index
        %get3A_688 = arith.constant 48 : index
        %get3A_689 = tpu.vector_load %arg8[%get3A_687, %get3A_688] {strides = array<i32>} : memref<256x64xf32, #tpu.memory_space<vmem>>, vector<16xf32>,
        %add3A_690 = arith.addf %get3A_689, %get3A_129 : vector<16xf32>
        %swap3A_691 = arith.index_cast %add3A_665 : i32 to index
        %swap3A_692 = arith.constant 48 : index
        %swap3A_693 = tpu.vector_load %arg8[%swap3A_691, %swap3A_692] {strides = array<i32>} : memref<256x64xf32, #tpu.memory_space<vmem>>, vector<16xf32>,
        tpu.vector_store %arg8[%swap3A_691, %swap3A_692], %add3A_690 {strides = array<i32>} : memref<256x64xf32, #tpu.memory_space<vmem>>, vector<16xf32>,
      }
      %scan3A_135 = arith.constant 16 : i32
      %shift_right_logical3A_136 = arith.constant 4 : i32
      %shift_right_logical3A_137 = arith.shrui %add3A_56, %shift_right_logical3A_136 : i32
      %and3A_138 = arith.constant 15 : i32
      %and3A_139 = arith.andi %add3A_56, %and3A_138 : i32
      %mul3A_140 = arith.constant 256 : i32
      %mul3A_141 = arith.muli %and3A_139, %mul3A_140 : i32
      %dma_start3A_142 = arith.constant 0 : i32
      %dma_start3A_143 = tpu.memref_slice %arg5[%shift_right_logical3A_137, %mul3A_141, %dma_start3A_142] : memref<200x4096x64xf32, #tpu.memory_space<hbm>> -> memref<1x256x64xf32, #tpu.memory_space<hbm>>
      %dma_start3A_144 = tpu.memref_squeeze %dma_start3A_143 : memref<1x256x64xf32, #tpu.memory_space<hbm>> -> memref<256x64xf32, #tpu.memory_space<hbm>>
      %dma_start3A_145 = arith.constant 0 : i32
      %dma_start3A_146 = tpu.memref_slice %arg5[%shift_right_logical3A_137, %mul3A_141, %dma_start3A_145] : memref<200x4096x64xf32, #tpu.memory_space<hbm>> -> memref<1x256x64xf32, #tpu.memory_space<hbm>>
      %dma_start3A_147 = tpu.memref_squeeze %dma_start3A_146 : memref<1x256x64xf32, #tpu.memory_space<hbm>> -> memref<256x64xf32, #tpu.memory_space<hbm>>
      tpu.enqueue_dma source(%arg8 : memref<256x64xf32, #tpu.memory_space<vmem>>) target(%dma_start3A_147 : memref<256x64xf32, #tpu.memory_space<hbm>>) target_semaphore(%arg13 : memref<!tpu.dma_semaphore, #tpu.memory_space<semaphore_mem>>)
      %lt3A = arith.constant 49 : i32
      %lt3A_148 = arith.cmpi slt, %scan3A_53, %lt3A : i32
      %convert_element_type3A_149 = arith.extui %lt3A_148 : i1 to i32
      %cond3A_150 = arith.constant 0 : i32
      %cond3A_151 = arith.cmpi ne, %convert_element_type3A_149, %cond3A_150 : i32
      scf.if %cond3A_151 {
        %add3A_212 = arith.constant 2 : i32
        %add3A_213 = arith.addi %add3A_56, %add3A_212 : i32
        %shift_right_logical3A_214 = arith.constant 4 : i32
        %shift_right_logical3A_215 = arith.shrui %add3A_213, %shift_right_logical3A_214 : i32
        %and3A_216 = arith.constant 15 : i32
        %and3A_217 = arith.andi %add3A_213, %and3A_216 : i32
        %mul3A_218 = arith.constant 256 : i32
        %mul3A_219 = arith.muli %and3A_217, %mul3A_218 : i32
        %add3A_220 = arith.constant 0 : i32
        %add3A_221 = arith.addi %mul3A_219, %add3A_220 : i32
        %run_scoped3A_222 = arith.constant 0 : i32
        "tpu.region"() ({
          %run_scoped3A_255 = tpu.sem_alloc : memref<!tpu.dma_semaphore, #tpu.memory_space<semaphore_mem>>
          %dma_start3A_256 = arith.constant 0 : i32
          %dma_start3A_257 = tpu.memref_slice %arg6[%run_scoped3A_222, %dma_start3A_256] : memref<2x128xi32, #tpu.memory_space<vmem>> -> memref<1x128xi32, #tpu.memory_space<vmem>>
          %dma_start3A_258 = tpu.memref_squeeze %dma_start3A_257 : memref<1x128xi32, #tpu.memory_space<vmem>> -> memref<128xi32, #tpu.memory_space<vmem>>
          %dma_start3A_259 = tpu.memref_slice %arg2[%shift_right_logical3A_215, %add3A_221] : memref<200x4096xi32, #tpu.memory_space<hbm>> -> memref<1x128xi32, #tpu.memory_space<hbm>>
          %dma_start3A_260 = tpu.memref_squeeze %dma_start3A_259 : memref<1x128xi32, #tpu.memory_space<hbm>> -> memref<128xi32, #tpu.memory_space<hbm>>
          %dma_start3A_261 = arith.constant 0 : i32
          %dma_start3A_262 = tpu.memref_slice %arg6[%run_scoped3A_222, %dma_start3A_261] : memref<2x128xi32, #tpu.memory_space<vmem>> -> memref<1x128xi32, #tpu.memory_space<vmem>>
          %dma_start3A_263 = tpu.memref_squeeze %dma_start3A_262 : memref<1x128xi32, #tpu.memory_space<vmem>> -> memref<128xi32, #tpu.memory_space<vmem>>
          %dma_start3A_264 = tpu.memref_slice %arg2[%shift_right_logical3A_215, %add3A_221] : memref<200x4096xi32, #tpu.memory_space<hbm>> -> memref<1x128xi32, #tpu.memory_space<hbm>>
          %dma_start3A_265 = tpu.memref_squeeze %dma_start3A_264 : memref<1x128xi32, #tpu.memory_space<hbm>> -> memref<128xi32, #tpu.memory_space<hbm>>
          tpu.enqueue_dma source(%dma_start3A_265 : memref<128xi32, #tpu.memory_space<hbm>>) target(%dma_start3A_263 : memref<128xi32, #tpu.memory_space<vmem>>) target_semaphore(%run_scoped3A_255 : memref<!tpu.dma_semaphore, #tpu.memory_space<semaphore_mem>>)
          %dma_wait3A_266 = arith.constant 0 : i32
          %dma_wait3A_267 = tpu.memref_slice %arg6[%run_scoped3A_222, %dma_wait3A_266] : memref<2x128xi32, #tpu.memory_space<vmem>> -> memref<1x128xi32, #tpu.memory_space<vmem>>
          %dma_wait3A_268 = tpu.memref_squeeze %dma_wait3A_267 : memref<1x128xi32, #tpu.memory_space<vmem>> -> memref<128xi32, #tpu.memory_space<vmem>>
          %dma_wait3A_269 = tpu.memref_slice %arg2[%shift_right_logical3A_215, %add3A_221] : memref<200x4096xi32, #tpu.memory_space<hbm>> -> memref<1x128xi32, #tpu.memory_space<hbm>>
          %dma_wait3A_270 = tpu.memref_squeeze %dma_wait3A_269 : memref<1x128xi32, #tpu.memory_space<hbm>> -> memref<128xi32, #tpu.memory_space<hbm>>
          %dma_wait3A_271 = arith.constant 0 : i32
          %dma_wait3A_272 = tpu.memref_slice %arg6[%run_scoped3A_222, %dma_wait3A_271] : memref<2x128xi32, #tpu.memory_space<vmem>> -> memref<1x128xi32, #tpu.memory_space<vmem>>
          %dma_wait3A_273 = tpu.memref_squeeze %dma_wait3A_272 : memref<1x128xi32, #tpu.memory_space<vmem>> -> memref<128xi32, #tpu.memory_space<vmem>>
          %dma_wait3A_274 = tpu.memref_slice %arg2[%shift_right_logical3A_215, %add3A_221] : memref<200x4096xi32, #tpu.memory_space<hbm>> -> memref<1x128xi32, #tpu.memory_space<hbm>>
          %dma_wait3A_275 = tpu.memref_squeeze %dma_wait3A_274 : memref<1x128xi32, #tpu.memory_space<hbm>> -> memref<128xi32, #tpu.memory_space<hbm>>
          tpu.wait_dma2 semaphore(%run_scoped3A_255 : memref<!tpu.dma_semaphore, #tpu.memory_space<semaphore_mem>>) src(%dma_wait3A_275 : memref<128xi32, #tpu.memory_space<hbm>>) dst(%dma_wait3A_273 : memref<128xi32, #tpu.memory_space<vmem>>)
          tpu.yield
        }) : () -> ()
        %add3A_223 = arith.constant 128 : i32
        %add3A_224 = arith.addi %mul3A_219, %add3A_223 : i32
        %run_scoped3A_225 = arith.constant 1 : i32
        "tpu.region"() ({
          %run_scoped3A_255 = tpu.sem_alloc : memref<!tpu.dma_semaphore, #tpu.memory_space<semaphore_mem>>
          %dma_start3A_256 = arith.constant 0 : i32
          %dma_start3A_257 = tpu.memref_slice %arg6[%run_scoped3A_225, %dma_start3A_256] : memref<2x128xi32, #tpu.memory_space<vmem>> -> memref<1x128xi32, #tpu.memory_space<vmem>>
          %dma_start3A_258 = tpu.memref_squeeze %dma_start3A_257 : memref<1x128xi32, #tpu.memory_space<vmem>> -> memref<128xi32, #tpu.memory_space<vmem>>
          %dma_start3A_259 = tpu.memref_slice %arg2[%shift_right_logical3A_215, %add3A_224] : memref<200x4096xi32, #tpu.memory_space<hbm>> -> memref<1x128xi32, #tpu.memory_space<hbm>>
          %dma_start3A_260 = tpu.memref_squeeze %dma_start3A_259 : memref<1x128xi32, #tpu.memory_space<hbm>> -> memref<128xi32, #tpu.memory_space<hbm>>
          %dma_start3A_261 = arith.constant 0 : i32
          %dma_start3A_262 = tpu.memref_slice %arg6[%run_scoped3A_225, %dma_start3A_261] : memref<2x128xi32, #tpu.memory_space<vmem>> -> memref<1x128xi32, #tpu.memory_space<vmem>>
          %dma_start3A_263 = tpu.memref_squeeze %dma_start3A_262 : memref<1x128xi32, #tpu.memory_space<vmem>> -> memref<128xi32, #tpu.memory_space<vmem>>
          %dma_start3A_264 = tpu.memref_slice %arg2[%shift_right_logical3A_215, %add3A_224] : memref<200x4096xi32, #tpu.memory_space<hbm>> -> memref<1x128xi32, #tpu.memory_space<hbm>>
          %dma_start3A_265 = tpu.memref_squeeze %dma_start3A_264 : memref<1x128xi32, #tpu.memory_space<hbm>> -> memref<128xi32, #tpu.memory_space<hbm>>
          tpu.enqueue_dma source(%dma_start3A_265 : memref<128xi32, #tpu.memory_space<hbm>>) target(%dma_start3A_263 : memref<128xi32, #tpu.memory_space<vmem>>) target_semaphore(%run_scoped3A_255 : memref<!tpu.dma_semaphore, #tpu.memory_space<semaphore_mem>>)
          %dma_wait3A_266 = arith.constant 0 : i32
          %dma_wait3A_267 = tpu.memref_slice %arg6[%run_scoped3A_225, %dma_wait3A_266] : memref<2x128xi32, #tpu.memory_space<vmem>> -> memref<1x128xi32, #tpu.memory_space<vmem>>
          %dma_wait3A_268 = tpu.memref_squeeze %dma_wait3A_267 : memref<1x128xi32, #tpu.memory_space<vmem>> -> memref<128xi32, #tpu.memory_space<vmem>>
          %dma_wait3A_269 = tpu.memref_slice %arg2[%shift_right_logical3A_215, %add3A_224] : memref<200x4096xi32, #tpu.memory_space<hbm>> -> memref<1x128xi32, #tpu.memory_space<hbm>>
          %dma_wait3A_270 = tpu.memref_squeeze %dma_wait3A_269 : memref<1x128xi32, #tpu.memory_space<hbm>> -> memref<128xi32, #tpu.memory_space<hbm>>
          %dma_wait3A_271 = arith.constant 0 : i32
          %dma_wait3A_272 = tpu.memref_slice %arg6[%run_scoped3A_225, %dma_wait3A_271] : memref<2x128xi32, #tpu.memory_space<vmem>> -> memref<1x128xi32, #tpu.memory_space<vmem>>
          %dma_wait3A_273 = tpu.memref_squeeze %dma_wait3A_272 : memref<1x128xi32, #tpu.memory_space<vmem>> -> memref<128xi32, #tpu.memory_space<vmem>>
          %dma_wait3A_274 = tpu.memref_slice %arg2[%shift_right_logical3A_215, %add3A_224] : memref<200x4096xi32, #tpu.memory_space<hbm>> -> memref<1x128xi32, #tpu.memory_space<hbm>>
          %dma_wait3A_275 = tpu.memref_squeeze %dma_wait3A_274 : memref<1x128xi32, #tpu.memory_space<hbm>> -> memref<128xi32, #tpu.memory_space<hbm>>
          tpu.wait_dma2 semaphore(%run_scoped3A_255 : memref<!tpu.dma_semaphore, #tpu.memory_space<semaphore_mem>>) src(%dma_wait3A_275 : memref<128xi32, #tpu.memory_space<hbm>>) dst(%dma_wait3A_273 : memref<128xi32, #tpu.memory_space<vmem>>)
          tpu.yield
        }) : () -> ()
        %dma_wait3A_226 = arith.constant 0 : i32
        %dma_wait3A_227 = arith.constant 0 : i32
        %dma_wait3A_228 = arith.constant 0 : i32
        %dma_wait3A_229 = tpu.memref_slice %arg5[%dma_wait3A_226, %dma_wait3A_227, %dma_wait3A_228] : memref<200x4096x64xf32, #tpu.memory_space<hbm>> -> memref<1x256x64xf32, #tpu.memory_space<hbm>>
        %dma_wait3A_230 = tpu.memref_squeeze %dma_wait3A_229 : memref<1x256x64xf32, #tpu.memory_space<hbm>> -> memref<256x64xf32, #tpu.memory_space<hbm>>
        %dma_wait3A_231 = arith.constant 0 : i32
        %dma_wait3A_232 = arith.constant 0 : i32
        %dma_wait3A_233 = tpu.memref_slice %arg5[%dma_wait3A_226, %dma_wait3A_231, %dma_wait3A_232] : memref<200x4096x64xf32, #tpu.memory_space<hbm>> -> memref<1x256x64xf32, #tpu.memory_space<hbm>>
        %dma_wait3A_234 = tpu.memref_squeeze %dma_wait3A_233 : memref<1x256x64xf32, #tpu.memory_space<hbm>> -> memref<256x64xf32, #tpu.memory_space<hbm>>
        tpu.wait_dma2 semaphore(%arg13 : memref<!tpu.dma_semaphore, #tpu.memory_space<semaphore_mem>>) src(%arg8 : memref<256x64xf32, #tpu.memory_space<vmem>>) dst(%dma_wait3A_234 : memref<256x64xf32, #tpu.memory_space<hbm>>)
        %dma_start3A_235 = arith.constant 0 : i32
        %dma_start3A_236 = arith.constant 0 : i32
        %dma_start3A_237 = arith.constant 0 : i32
        %dma_start3A_238 = tpu.memref_slice %arg8[%dma_start3A_236, %dma_start3A_237] : memref<256x64xf32, #tpu.memory_space<vmem>> -> memref<128x64xf32, #tpu.memory_space<vmem>>
        %dma_start3A_239 = arith.constant 0 : i32
        %dma_start3A_240 = tpu.memref_slice %arg6[%dma_start3A_235, %dma_start3A_239] : memref<2x128xi32, #tpu.memory_space<vmem>> -> memref<1x128xi32, #tpu.memory_space<vmem>>
        %dma_start3A_241 = tpu.memref_squeeze %dma_start3A_240 : memref<1x128xi32, #tpu.memory_space<vmem>> -> memref<128xi32, #tpu.memory_space<vmem>>
        %dma_start3A_242 = arith.constant 0 : i32
        %dma_start3A_243 = arith.constant 0 : i32
        %dma_start3A_244 = tpu.memref_slice %arg3[%dma_start3A_242, %dma_start3A_243] : memref<1003520x64xf32, #tpu.memory_space<hbm>> -> memref<1003520x64xf32, #tpu.memory_space<hbm>>
        tpu.enqueue_indirect_dma source(%dma_start3A_244 : memref<1003520x64xf32, #tpu.memory_space<hbm>>) target(%dma_start3A_238 : memref<128x64xf32, #tpu.memory_space<vmem>>) offsets(%dma_start3A_241 : memref<128xi32, #tpu.memory_space<vmem>>) semaphore(%arg11 : memref<!tpu.dma_semaphore, #tpu.memory_space<semaphore_mem>>)
        %dma_start3A_245 = arith.constant 1 : i32
        %dma_start3A_246 = arith.constant 128 : i32
        %dma_start3A_247 = arith.constant 0 : i32
        %dma_start3A_248 = tpu.memref_slice %arg8[%dma_start3A_246, %dma_start3A_247] : memref<256x64xf32, #tpu.memory_space<vmem>> -> memref<128x64xf32, #tpu.memory_space<vmem>>
        %dma_start3A_249 = arith.constant 0 : i32
        %dma_start3A_250 = tpu.memref_slice %arg6[%dma_start3A_245, %dma_start3A_249] : memref<2x128xi32, #tpu.memory_space<vmem>> -> memref<1x128xi32, #tpu.memory_space<vmem>>
        %dma_start3A_251 = tpu.memref_squeeze %dma_start3A_250 : memref<1x128xi32, #tpu.memory_space<vmem>> -> memref<128xi32, #tpu.memory_space<vmem>>
        %dma_start3A_252 = arith.constant 0 : i32
        %dma_start3A_253 = arith.constant 0 : i32
        %dma_start3A_254 = tpu.memref_slice %arg3[%dma_start3A_252, %dma_start3A_253] : memref<1003520x64xf32, #tpu.memory_space<hbm>> -> memref<1003520x64xf32, #tpu.memory_space<hbm>>
        tpu.enqueue_indirect_dma source(%dma_start3A_254 : memref<1003520x64xf32, #tpu.memory_space<hbm>>) target(%dma_start3A_248 : memref<128x64xf32, #tpu.memory_space<vmem>>) offsets(%dma_start3A_251 : memref<128xi32, #tpu.memory_space<vmem>>) semaphore(%arg11 : memref<!tpu.dma_semaphore, #tpu.memory_space<semaphore_mem>>)
      } else {
      }
      %dma_wait3A_152 = arith.constant 0 : i32
      %dma_wait3A_153 = arith.constant 0 : i32
      %dma_wait3A_154 = arith.constant 0 : i32
      %dma_wait3A_155 = tpu.memref_slice %arg9[%dma_wait3A_153, %dma_wait3A_154] : memref<256x64xf32, #tpu.memory_space<vmem>> -> memref<128x64xf32, #tpu.memory_space<vmem>>
      %dma_wait3A_156 = arith.constant 0 : i32
      %dma_wait3A_157 = tpu.memref_slice %arg7[%dma_wait3A_152, %dma_wait3A_156] : memref<2x128xi32, #tpu.memory_space<vmem>> -> memref<1x128xi32, #tpu.memory_space<vmem>>
      %dma_wait3A_158 = tpu.memref_squeeze %dma_wait3A_157 : memref<1x128xi32, #tpu.memory_space<vmem>> -> memref<128xi32, #tpu.memory_space<vmem>>
      %dma_wait3A_159 = arith.constant 0 : i32
      %dma_wait3A_160 = arith.constant 0 : i32
      %dma_wait3A_161 = tpu.memref_slice %arg3[%dma_wait3A_159, %dma_wait3A_160] : memref<1003520x64xf32, #tpu.memory_space<hbm>> -> memref<1003520x64xf32, #tpu.memory_space<hbm>>
      tpu.wait_indirect_dma semaphore(%arg12 : memref<!tpu.dma_semaphore, #tpu.memory_space<semaphore_mem>>) src(%dma_wait3A_161 : memref<1003520x64xf32, #tpu.memory_space<hbm>>) dst(%dma_wait3A_155 : memref<128x64xf32, #tpu.memory_space<vmem>>)
      %dma_wait3A_162 = arith.constant 1 : i32
      %dma_wait3A_163 = arith.constant 128 : i32
      %dma_wait3A_164 = arith.constant 0 : i32
      %dma_wait3A_165 = tpu.memref_slice %arg9[%dma_wait3A_163, %dma_wait3A_164] : memref<256x64xf32, #tpu.memory_space<vmem>> -> memref<128x64xf32, #tpu.memory_space<vmem>>
      %dma_wait3A_166 = arith.constant 0 : i32
      %dma_wait3A_167 = tpu.memref_slice %arg7[%dma_wait3A_162, %dma_wait3A_166] : memref<2x128xi32, #tpu.memory_space<vmem>> -> memref<1x128xi32, #tpu.memory_space<vmem>>
      %dma_wait3A_168 = tpu.memref_squeeze %dma_wait3A_167 : memref<1x128xi32, #tpu.memory_space<vmem>> -> memref<128xi32, #tpu.memory_space<vmem>>
      %dma_wait3A_169 = arith.constant 0 : i32
      %dma_wait3A_170 = arith.constant 0 : i32
      %dma_wait3A_171 = tpu.memref_slice %arg3[%dma_wait3A_169, %dma_wait3A_170] : memref<1003520x64xf32, #tpu.memory_space<hbm>> -> memref<1003520x64xf32, #tpu.memory_space<hbm>>
      tpu.wait_indirect_dma semaphore(%arg12 : memref<!tpu.dma_semaphore, #tpu.memory_space<semaphore_mem>>) src(%dma_wait3A_171 : memref<1003520x64xf32, #tpu.memory_space<hbm>>) dst(%dma_wait3A_165 : memref<128x64xf32, #tpu.memory_space<vmem>>)
      %add3A_172 = arith.constant 1 : i32
      %add3A_173 = arith.addi %add3A_56, %add3A_172 : i32
      %shift_right_logical3A_174 = arith.constant 4 : i32
      %shift_right_logical3A_175 = arith.shrui %add3A_173, %shift_right_logical3A_174 : i32
      %and3A_176 = arith.constant 15 : i32
      %and3A_177 = arith.andi %add3A_173, %and3A_176 : i32
      %mul3A_178 = arith.constant 256 : i32
      %mul3A_179 = arith.muli %and3A_177, %mul3A_178 : i32
      %get3A_180 = arith.index_cast %shift_right_logical3A_175 : i32 to index
      %get3A_181 = arith.constant 0 : index
      %get3A_182 = tpu.vector_load %arg10[%get3A_180, %get3A_181] {strides = array<i32>} : memref<200x64xf32, #tpu.memory_space<vmem>>, vector<16xf32>,
      %get3A_183 = arith.index_cast %shift_right_logical3A_175 : i32 to index
      %get3A_184 = arith.constant 16 : index
      %get3A_185 = tpu.vector_load %arg10[%get3A_183, %get3A_184] {strides = array<i32>} : memref<200x64xf32, #tpu.memory_space<vmem>>, vector<16xf32>,
      %get3A_186 = arith.index_cast %shift_right_logical3A_175 : i32 to index
      %get3A_187 = arith.constant 32 : index
      %get3A_188 = tpu.vector_load %arg10[%get3A_186, %get3A_187] {strides = array<i32>} : memref<200x64xf32, #tpu.memory_space<vmem>>, vector<16xf32>,
      %get3A_189 = arith.index_cast %shift_right_logical3A_175 : i32 to index
      %get3A_190 = arith.constant 48 : index
      %get3A_191 = tpu.vector_load %arg10[%get3A_189, %get3A_190] {strides = array<i32>} : memref<200x64xf32, #tpu.memory_space<vmem>>, vector<16xf32>,
      %scan3A_192 = arith.constant 0 : i32
      %scan3A_193 = arith.constant 0 : i32
      %scan3A_194 = arith.constant 16 : i32
      %scan3A_195 = arith.addi %scan3A_193, %scan3A_194 : i32
      %scan3A_196 = arith.constant 1 : i32
      scf.for %scan3A_212 = %scan3A_193 to %scan3A_195 step %scan3A_196  : i32 {
        %mul3A_213 = arith.constant 16 : i32
        %mul3A_214 = arith.muli %scan3A_212, %mul3A_213 : i32
        %add3A_215 = arith.constant 0 : i32
        %add3A_216 = arith.addi %mul3A_214, %add3A_215 : i32
        %get3A_217 = arith.index_cast %add3A_216 : i32 to index
        %get3A_218 = arith.constant 0 : index
        %get3A_219 = tpu.vector_load %arg9[%get3A_217, %get3A_218] {strides = array<i32>} : memref<256x64xf32, #tpu.memory_space<vmem>>, vector<16xf32>,
        %add3A_220 = arith.addf %get3A_219, %get3A_182 : vector<16xf32>
        %swap3A = arith.index_cast %add3A_216 : i32 to index
        %swap3A_221 = arith.constant 0 : index
        %swap3A_222 = tpu.vector_load %arg9[%swap3A, %swap3A_221] {strides = array<i32>} : memref<256x64xf32, #tpu.memory_space<vmem>>, vector<16xf32>,
        tpu.vector_store %arg9[%swap3A, %swap3A_221], %add3A_220 {strides = array<i32>} : memref<256x64xf32, #tpu.memory_space<vmem>>, vector<16xf32>,
        %get3A_223 = arith.index_cast %add3A_216 : i32 to index
        %get3A_224 = arith.constant 16 : index
        %get3A_225 = tpu.vector_load %arg9[%get3A_223, %get3A_224] {strides = array<i32>} : memref<256x64xf32, #tpu.memory_space<vmem>>, vector<16xf32>,
        %add3A_226 = arith.addf %get3A_225, %get3A_185 : vector<16xf32>
        %swap3A_227 = arith.index_cast %add3A_216 : i32 to index
        %swap3A_228 = arith.constant 16 : index
        %swap3A_229 = tpu.vector_load %arg9[%swap3A_227, %swap3A_228] {strides = array<i32>} : memref<256x64xf32, #tpu.memory_space<vmem>>, vector<16xf32>,
        tpu.vector_store %arg9[%swap3A_227, %swap3A_228], %add3A_226 {strides = array<i32>} : memref<256x64xf32, #tpu.memory_space<vmem>>, vector<16xf32>,
        %get3A_230 = arith.index_cast %add3A_216 : i32 to index
        %get3A_231 = arith.constant 32 : index
        %get3A_232 = tpu.vector_load %arg9[%get3A_230, %get3A_231] {strides = array<i32>} : memref<256x64xf32, #tpu.memory_space<vmem>>, vector<16xf32>,
        %add3A_233 = arith.addf %get3A_232, %get3A_188 : vector<16xf32>
        %swap3A_234 = arith.index_cast %add3A_216 : i32 to index
        %swap3A_235 = arith.constant 32 : index
        %swap3A_236 = tpu.vector_load %arg9[%swap3A_234, %swap3A_235] {strides = array<i32>} : memref<256x64xf32, #tpu.memory_space<vmem>>, vector<16xf32>,
        tpu.vector_store %arg9[%swap3A_234, %swap3A_235], %add3A_233 {strides = array<i32>} : memref<256x64xf32, #tpu.memory_space<vmem>>, vector<16xf32>,
        %get3A_237 = arith.index_cast %add3A_216 : i32 to index
        %get3A_238 = arith.constant 48 : index
        %get3A_239 = tpu.vector_load %arg9[%get3A_237, %get3A_238] {strides = array<i32>} : memref<256x64xf32, #tpu.memory_space<vmem>>, vector<16xf32>,
        %add3A_240 = arith.addf %get3A_239, %get3A_191 : vector<16xf32>
        %swap3A_241 = arith.index_cast %add3A_216 : i32 to index
        %swap3A_242 = arith.constant 48 : index
        %swap3A_243 = tpu.vector_load %arg9[%swap3A_241, %swap3A_242] {strides = array<i32>} : memref<256x64xf32, #tpu.memory_space<vmem>>, vector<16xf32>,
        tpu.vector_store %arg9[%swap3A_241, %swap3A_242], %add3A_240 {strides = array<i32>} : memref<256x64xf32, #tpu.memory_space<vmem>>, vector<16xf32>,
        %add3A_244 = arith.constant 1 : i32
        %add3A_245 = arith.addi %mul3A_214, %add3A_244 : i32
        %get3A_246 = arith.index_cast %add3A_245 : i32 to index
        %get3A_247 = arith.constant 0 : index
        %get3A_248 = tpu.vector_load %arg9[%get3A_246, %get3A_247] {strides = array<i32>} : memref<256x64xf32, #tpu.memory_space<vmem>>, vector<16xf32>,
        %add3A_249 = arith.addf %get3A_248, %get3A_182 : vector<16xf32>
        %swap3A_250 = arith.index_cast %add3A_245 : i32 to index
        %swap3A_251 = arith.constant 0 : index
        %swap3A_252 = tpu.vector_load %arg9[%swap3A_250, %swap3A_251] {strides = array<i32>} : memref<256x64xf32, #tpu.memory_space<vmem>>, vector<16xf32>,
        tpu.vector_store %arg9[%swap3A_250, %swap3A_251], %add3A_249 {strides = array<i32>} : memref<256x64xf32, #tpu.memory_space<vmem>>, vector<16xf32>,
        %get3A_253 = arith.index_cast %add3A_245 : i32 to index
        %get3A_254 = arith.constant 16 : index
        %get3A_255 = tpu.vector_load %arg9[%get3A_253, %get3A_254] {strides = array<i32>} : memref<256x64xf32, #tpu.memory_space<vmem>>, vector<16xf32>,
        %add3A_256 = arith.addf %get3A_255, %get3A_185 : vector<16xf32>
        %swap3A_257 = arith.index_cast %add3A_245 : i32 to index
        %swap3A_258 = arith.constant 16 : index
        %swap3A_259 = tpu.vector_load %arg9[%swap3A_257, %swap3A_258] {strides = array<i32>} : memref<256x64xf32, #tpu.memory_space<vmem>>, vector<16xf32>,
        tpu.vector_store %arg9[%swap3A_257, %swap3A_258], %add3A_256 {strides = array<i32>} : memref<256x64xf32, #tpu.memory_space<vmem>>, vector<16xf32>,
        %get3A_260 = arith.index_cast %add3A_245 : i32 to index
        %get3A_261 = arith.constant 32 : index
        %get3A_262 = tpu.vector_load %arg9[%get3A_260, %get3A_261] {strides = array<i32>} : memref<256x64xf32, #tpu.memory_space<vmem>>, vector<16xf32>,
        %add3A_263 = arith.addf %get3A_262, %get3A_188 : vector<16xf32>
        %swap3A_264 = arith.index_cast %add3A_245 : i32 to index
        %swap3A_265 = arith.constant 32 : index
        %swap3A_266 = tpu.vector_load %arg9[%swap3A_264, %swap3A_265] {strides = array<i32>} : memref<256x64xf32, #tpu.memory_space<vmem>>, vector<16xf32>,
        tpu.vector_store %arg9[%swap3A_264, %swap3A_265], %add3A_263 {strides = array<i32>} : memref<256x64xf32, #tpu.memory_space<vmem>>, vector<16xf32>,
        %get3A_267 = arith.index_cast %add3A_245 : i32 to index
        %get3A_268 = arith.constant 48 : index
        %get3A_269 = tpu.vector_load %arg9[%get3A_267, %get3A_268] {strides = array<i32>} : memref<256x64xf32, #tpu.memory_space<vmem>>, vector<16xf32>,
        %add3A_270 = arith.addf %get3A_269, %get3A_191 : vector<16xf32>
        %swap3A_271 = arith.index_cast %add3A_245 : i32 to index
        %swap3A_272 = arith.constant 48 : index
        %swap3A_273 = tpu.vector_load %arg9[%swap3A_271, %swap3A_272] {strides = array<i32>} : memref<256x64xf32, #tpu.memory_space<vmem>>, vector<16xf32>,
        tpu.vector_store %arg9[%swap3A_271, %swap3A_272], %add3A_270 {strides = array<i32>} : memref<256x64xf32, #tpu.memory_space<vmem>>, vector<16xf32>,
        %add3A_274 = arith.constant 2 : i32
        %add3A_275 = arith.addi %mul3A_214, %add3A_274 : i32
        %get3A_276 = arith.index_cast %add3A_275 : i32 to index
        %get3A_277 = arith.constant 0 : index
        %get3A_278 = tpu.vector_load %arg9[%get3A_276, %get3A_277] {strides = array<i32>} : memref<256x64xf32, #tpu.memory_space<vmem>>, vector<16xf32>,
        %add3A_279 = arith.addf %get3A_278, %get3A_182 : vector<16xf32>
        %swap3A_280 = arith.index_cast %add3A_275 : i32 to index
        %swap3A_281 = arith.constant 0 : index
        %swap3A_282 = tpu.vector_load %arg9[%swap3A_280, %swap3A_281] {strides = array<i32>} : memref<256x64xf32, #tpu.memory_space<vmem>>, vector<16xf32>,
        tpu.vector_store %arg9[%swap3A_280, %swap3A_281], %add3A_279 {strides = array<i32>} : memref<256x64xf32, #tpu.memory_space<vmem>>, vector<16xf32>,
        %get3A_283 = arith.index_cast %add3A_275 : i32 to index
        %get3A_284 = arith.constant 16 : index
        %get3A_285 = tpu.vector_load %arg9[%get3A_283, %get3A_284] {strides = array<i32>} : memref<256x64xf32, #tpu.memory_space<vmem>>, vector<16xf32>,
        %add3A_286 = arith.addf %get3A_285, %get3A_185 : vector<16xf32>
        %swap3A_287 = arith.index_cast %add3A_275 : i32 to index
        %swap3A_288 = arith.constant 16 : index
        %swap3A_289 = tpu.vector_load %arg9[%swap3A_287, %swap3A_288] {strides = array<i32>} : memref<256x64xf32, #tpu.memory_space<vmem>>, vector<16xf32>,
        tpu.vector_store %arg9[%swap3A_287, %swap3A_288], %add3A_286 {strides = array<i32>} : memref<256x64xf32, #tpu.memory_space<vmem>>, vector<16xf32>,
        %get3A_290 = arith.index_cast %add3A_275 : i32 to index
        %get3A_291 = arith.constant 32 : index
        %get3A_292 = tpu.vector_load %arg9[%get3A_290, %get3A_291] {strides = array<i32>} : memref<256x64xf32, #tpu.memory_space<vmem>>, vector<16xf32>,
        %add3A_293 = arith.addf %get3A_292, %get3A_188 : vector<16xf32>
        %swap3A_294 = arith.index_cast %add3A_275 : i32 to index
        %swap3A_295 = arith.constant 32 : index
        %swap3A_296 = tpu.vector_load %arg9[%swap3A_294, %swap3A_295] {strides = array<i32>} : memref<256x64xf32, #tpu.memory_space<vmem>>, vector<16xf32>,
        tpu.vector_store %arg9[%swap3A_294, %swap3A_295], %add3A_293 {strides = array<i32>} : memref<256x64xf32, #tpu.memory_space<vmem>>, vector<16xf32>,
        %get3A_297 = arith.index_cast %add3A_275 : i32 to index
        %get3A_298 = arith.constant 48 : index
        %get3A_299 = tpu.vector_load %arg9[%get3A_297, %get3A_298] {strides = array<i32>} : memref<256x64xf32, #tpu.memory_space<vmem>>, vector<16xf32>,
        %add3A_300 = arith.addf %get3A_299, %get3A_191 : vector<16xf32>
        %swap3A_301 = arith.index_cast %add3A_275 : i32 to index
        %swap3A_302 = arith.constant 48 : index
        %swap3A_303 = tpu.vector_load %arg9[%swap3A_301, %swap3A_302] {strides = array<i32>} : memref<256x64xf32, #tpu.memory_space<vmem>>, vector<16xf32>,
        tpu.vector_store %arg9[%swap3A_301, %swap3A_302], %add3A_300 {strides = array<i32>} : memref<256x64xf32, #tpu.memory_space<vmem>>, vector<16xf32>,
        %add3A_304 = arith.constant 3 : i32
        %add3A_305 = arith.addi %mul3A_214, %add3A_304 : i32
        %get3A_306 = arith.index_cast %add3A_305 : i32 to index
        %get3A_307 = arith.constant 0 : index
        %get3A_308 = tpu.vector_load %arg9[%get3A_306, %get3A_307] {strides = array<i32>} : memref<256x64xf32, #tpu.memory_space<vmem>>, vector<16xf32>,
        %add3A_309 = arith.addf %get3A_308, %get3A_182 : vector<16xf32>
        %swap3A_310 = arith.index_cast %add3A_305 : i32 to index
        %swap3A_311 = arith.constant 0 : index
        %swap3A_312 = tpu.vector_load %arg9[%swap3A_310, %swap3A_311] {strides = array<i32>} : memref<256x64xf32, #tpu.memory_space<vmem>>, vector<16xf32>,
        tpu.vector_store %arg9[%swap3A_310, %swap3A_311], %add3A_309 {strides = array<i32>} : memref<256x64xf32, #tpu.memory_space<vmem>>, vector<16xf32>,
        %get3A_313 = arith.index_cast %add3A_305 : i32 to index
        %get3A_314 = arith.constant 16 : index
        %get3A_315 = tpu.vector_load %arg9[%get3A_313, %get3A_314] {strides = array<i32>} : memref<256x64xf32, #tpu.memory_space<vmem>>, vector<16xf32>,
        %add3A_316 = arith.addf %get3A_315, %get3A_185 : vector<16xf32>
        %swap3A_317 = arith.index_cast %add3A_305 : i32 to index
        %swap3A_318 = arith.constant 16 : index
        %swap3A_319 = tpu.vector_load %arg9[%swap3A_317, %swap3A_318] {strides = array<i32>} : memref<256x64xf32, #tpu.memory_space<vmem>>, vector<16xf32>,
        tpu.vector_store %arg9[%swap3A_317, %swap3A_318], %add3A_316 {strides = array<i32>} : memref<256x64xf32, #tpu.memory_space<vmem>>, vector<16xf32>,
        %get3A_320 = arith.index_cast %add3A_305 : i32 to index
        %get3A_321 = arith.constant 32 : index
        %get3A_322 = tpu.vector_load %arg9[%get3A_320, %get3A_321] {strides = array<i32>} : memref<256x64xf32, #tpu.memory_space<vmem>>, vector<16xf32>,
        %add3A_323 = arith.addf %get3A_322, %get3A_188 : vector<16xf32>
        %swap3A_324 = arith.index_cast %add3A_305 : i32 to index
        %swap3A_325 = arith.constant 32 : index
        %swap3A_326 = tpu.vector_load %arg9[%swap3A_324, %swap3A_325] {strides = array<i32>} : memref<256x64xf32, #tpu.memory_space<vmem>>, vector<16xf32>,
        tpu.vector_store %arg9[%swap3A_324, %swap3A_325], %add3A_323 {strides = array<i32>} : memref<256x64xf32, #tpu.memory_space<vmem>>, vector<16xf32>,
        %get3A_327 = arith.index_cast %add3A_305 : i32 to index
        %get3A_328 = arith.constant 48 : index
        %get3A_329 = tpu.vector_load %arg9[%get3A_327, %get3A_328] {strides = array<i32>} : memref<256x64xf32, #tpu.memory_space<vmem>>, vector<16xf32>,
        %add3A_330 = arith.addf %get3A_329, %get3A_191 : vector<16xf32>
        %swap3A_331 = arith.index_cast %add3A_305 : i32 to index
        %swap3A_332 = arith.constant 48 : index
        %swap3A_333 = tpu.vector_load %arg9[%swap3A_331, %swap3A_332] {strides = array<i32>} : memref<256x64xf32, #tpu.memory_space<vmem>>, vector<16xf32>,
        tpu.vector_store %arg9[%swap3A_331, %swap3A_332], %add3A_330 {strides = array<i32>} : memref<256x64xf32, #tpu.memory_space<vmem>>, vector<16xf32>,
        %add3A_334 = arith.constant 4 : i32
        %add3A_335 = arith.addi %mul3A_214, %add3A_334 : i32
        %get3A_336 = arith.index_cast %add3A_335 : i32 to index
        %get3A_337 = arith.constant 0 : index
        %get3A_338 = tpu.vector_load %arg9[%get3A_336, %get3A_337] {strides = array<i32>} : memref<256x64xf32, #tpu.memory_space<vmem>>, vector<16xf32>,
        %add3A_339 = arith.addf %get3A_338, %get3A_182 : vector<16xf32>
        %swap3A_340 = arith.index_cast %add3A_335 : i32 to index
        %swap3A_341 = arith.constant 0 : index
        %swap3A_342 = tpu.vector_load %arg9[%swap3A_340, %swap3A_341] {strides = array<i32>} : memref<256x64xf32, #tpu.memory_space<vmem>>, vector<16xf32>,
        tpu.vector_store %arg9[%swap3A_340, %swap3A_341], %add3A_339 {strides = array<i32>} : memref<256x64xf32, #tpu.memory_space<vmem>>, vector<16xf32>,
        %get3A_343 = arith.index_cast %add3A_335 : i32 to index
        %get3A_344 = arith.constant 16 : index
        %get3A_345 = tpu.vector_load %arg9[%get3A_343, %get3A_344] {strides = array<i32>} : memref<256x64xf32, #tpu.memory_space<vmem>>, vector<16xf32>,
        %add3A_346 = arith.addf %get3A_345, %get3A_185 : vector<16xf32>
        %swap3A_347 = arith.index_cast %add3A_335 : i32 to index
        %swap3A_348 = arith.constant 16 : index
        %swap3A_349 = tpu.vector_load %arg9[%swap3A_347, %swap3A_348] {strides = array<i32>} : memref<256x64xf32, #tpu.memory_space<vmem>>, vector<16xf32>,
        tpu.vector_store %arg9[%swap3A_347, %swap3A_348], %add3A_346 {strides = array<i32>} : memref<256x64xf32, #tpu.memory_space<vmem>>, vector<16xf32>,
        %get3A_350 = arith.index_cast %add3A_335 : i32 to index
        %get3A_351 = arith.constant 32 : index
        %get3A_352 = tpu.vector_load %arg9[%get3A_350, %get3A_351] {strides = array<i32>} : memref<256x64xf32, #tpu.memory_space<vmem>>, vector<16xf32>,
        %add3A_353 = arith.addf %get3A_352, %get3A_188 : vector<16xf32>
        %swap3A_354 = arith.index_cast %add3A_335 : i32 to index
        %swap3A_355 = arith.constant 32 : index
        %swap3A_356 = tpu.vector_load %arg9[%swap3A_354, %swap3A_355] {strides = array<i32>} : memref<256x64xf32, #tpu.memory_space<vmem>>, vector<16xf32>,
        tpu.vector_store %arg9[%swap3A_354, %swap3A_355], %add3A_353 {strides = array<i32>} : memref<256x64xf32, #tpu.memory_space<vmem>>, vector<16xf32>,
        %get3A_357 = arith.index_cast %add3A_335 : i32 to index
        %get3A_358 = arith.constant 48 : index
        %get3A_359 = tpu.vector_load %arg9[%get3A_357, %get3A_358] {strides = array<i32>} : memref<256x64xf32, #tpu.memory_space<vmem>>, vector<16xf32>,
        %add3A_360 = arith.addf %get3A_359, %get3A_191 : vector<16xf32>
        %swap3A_361 = arith.index_cast %add3A_335 : i32 to index
        %swap3A_362 = arith.constant 48 : index
        %swap3A_363 = tpu.vector_load %arg9[%swap3A_361, %swap3A_362] {strides = array<i32>} : memref<256x64xf32, #tpu.memory_space<vmem>>, vector<16xf32>,
        tpu.vector_store %arg9[%swap3A_361, %swap3A_362], %add3A_360 {strides = array<i32>} : memref<256x64xf32, #tpu.memory_space<vmem>>, vector<16xf32>,
        %add3A_364 = arith.constant 5 : i32
        %add3A_365 = arith.addi %mul3A_214, %add3A_364 : i32
        %get3A_366 = arith.index_cast %add3A_365 : i32 to index
        %get3A_367 = arith.constant 0 : index
        %get3A_368 = tpu.vector_load %arg9[%get3A_366, %get3A_367] {strides = array<i32>} : memref<256x64xf32, #tpu.memory_space<vmem>>, vector<16xf32>,
        %add3A_369 = arith.addf %get3A_368, %get3A_182 : vector<16xf32>
        %swap3A_370 = arith.index_cast %add3A_365 : i32 to index
        %swap3A_371 = arith.constant 0 : index
        %swap3A_372 = tpu.vector_load %arg9[%swap3A_370, %swap3A_371] {strides = array<i32>} : memref<256x64xf32, #tpu.memory_space<vmem>>, vector<16xf32>,
        tpu.vector_store %arg9[%swap3A_370, %swap3A_371], %add3A_369 {strides = array<i32>} : memref<256x64xf32, #tpu.memory_space<vmem>>, vector<16xf32>,
        %get3A_373 = arith.index_cast %add3A_365 : i32 to index
        %get3A_374 = arith.constant 16 : index
        %get3A_375 = tpu.vector_load %arg9[%get3A_373, %get3A_374] {strides = array<i32>} : memref<256x64xf32, #tpu.memory_space<vmem>>, vector<16xf32>,
        %add3A_376 = arith.addf %get3A_375, %get3A_185 : vector<16xf32>
        %swap3A_377 = arith.index_cast %add3A_365 : i32 to index
        %swap3A_378 = arith.constant 16 : index
        %swap3A_379 = tpu.vector_load %arg9[%swap3A_377, %swap3A_378] {strides = array<i32>} : memref<256x64xf32, #tpu.memory_space<vmem>>, vector<16xf32>,
        tpu.vector_store %arg9[%swap3A_377, %swap3A_378], %add3A_376 {strides = array<i32>} : memref<256x64xf32, #tpu.memory_space<vmem>>, vector<16xf32>,
        %get3A_380 = arith.index_cast %add3A_365 : i32 to index
        %get3A_381 = arith.constant 32 : index
        %get3A_382 = tpu.vector_load %arg9[%get3A_380, %get3A_381] {strides = array<i32>} : memref<256x64xf32, #tpu.memory_space<vmem>>, vector<16xf32>,
        %add3A_383 = arith.addf %get3A_382, %get3A_188 : vector<16xf32>
        %swap3A_384 = arith.index_cast %add3A_365 : i32 to index
        %swap3A_385 = arith.constant 32 : index
        %swap3A_386 = tpu.vector_load %arg9[%swap3A_384, %swap3A_385] {strides = array<i32>} : memref<256x64xf32, #tpu.memory_space<vmem>>, vector<16xf32>,
        tpu.vector_store %arg9[%swap3A_384, %swap3A_385], %add3A_383 {strides = array<i32>} : memref<256x64xf32, #tpu.memory_space<vmem>>, vector<16xf32>,
        %get3A_387 = arith.index_cast %add3A_365 : i32 to index
        %get3A_388 = arith.constant 48 : index
        %get3A_389 = tpu.vector_load %arg9[%get3A_387, %get3A_388] {strides = array<i32>} : memref<256x64xf32, #tpu.memory_space<vmem>>, vector<16xf32>,
        %add3A_390 = arith.addf %get3A_389, %get3A_191 : vector<16xf32>
        %swap3A_391 = arith.index_cast %add3A_365 : i32 to index
        %swap3A_392 = arith.constant 48 : index
        %swap3A_393 = tpu.vector_load %arg9[%swap3A_391, %swap3A_392] {strides = array<i32>} : memref<256x64xf32, #tpu.memory_space<vmem>>, vector<16xf32>,
        tpu.vector_store %arg9[%swap3A_391, %swap3A_392], %add3A_390 {strides = array<i32>} : memref<256x64xf32, #tpu.memory_space<vmem>>, vector<16xf32>,
        %add3A_394 = arith.constant 6 : i32
        %add3A_395 = arith.addi %mul3A_214, %add3A_394 : i32
        %get3A_396 = arith.index_cast %add3A_395 : i32 to index
        %get3A_397 = arith.constant 0 : index
        %get3A_398 = tpu.vector_load %arg9[%get3A_396, %get3A_397] {strides = array<i32>} : memref<256x64xf32, #tpu.memory_space<vmem>>, vector<16xf32>,
        %add3A_399 = arith.addf %get3A_398, %get3A_182 : vector<16xf32>
        %swap3A_400 = arith.index_cast %add3A_395 : i32 to index
        %swap3A_401 = arith.constant 0 : index
        %swap3A_402 = tpu.vector_load %arg9[%swap3A_400, %swap3A_401] {strides = array<i32>} : memref<256x64xf32, #tpu.memory_space<vmem>>, vector<16xf32>,
        tpu.vector_store %arg9[%swap3A_400, %swap3A_401], %add3A_399 {strides = array<i32>} : memref<256x64xf32, #tpu.memory_space<vmem>>, vector<16xf32>,
        %get3A_403 = arith.index_cast %add3A_395 : i32 to index
        %get3A_404 = arith.constant 16 : index
        %get3A_405 = tpu.vector_load %arg9[%get3A_403, %get3A_404] {strides = array<i32>} : memref<256x64xf32, #tpu.memory_space<vmem>>, vector<16xf32>,
        %add3A_406 = arith.addf %get3A_405, %get3A_185 : vector<16xf32>
        %swap3A_407 = arith.index_cast %add3A_395 : i32 to index
        %swap3A_408 = arith.constant 16 : index
        %swap3A_409 = tpu.vector_load %arg9[%swap3A_407, %swap3A_408] {strides = array<i32>} : memref<256x64xf32, #tpu.memory_space<vmem>>, vector<16xf32>,
        tpu.vector_store %arg9[%swap3A_407, %swap3A_408], %add3A_406 {strides = array<i32>} : memref<256x64xf32, #tpu.memory_space<vmem>>, vector<16xf32>,
        %get3A_410 = arith.index_cast %add3A_395 : i32 to index
        %get3A_411 = arith.constant 32 : index
        %get3A_412 = tpu.vector_load %arg9[%get3A_410, %get3A_411] {strides = array<i32>} : memref<256x64xf32, #tpu.memory_space<vmem>>, vector<16xf32>,
        %add3A_413 = arith.addf %get3A_412, %get3A_188 : vector<16xf32>
        %swap3A_414 = arith.index_cast %add3A_395 : i32 to index
        %swap3A_415 = arith.constant 32 : index
        %swap3A_416 = tpu.vector_load %arg9[%swap3A_414, %swap3A_415] {strides = array<i32>} : memref<256x64xf32, #tpu.memory_space<vmem>>, vector<16xf32>,
        tpu.vector_store %arg9[%swap3A_414, %swap3A_415], %add3A_413 {strides = array<i32>} : memref<256x64xf32, #tpu.memory_space<vmem>>, vector<16xf32>,
        %get3A_417 = arith.index_cast %add3A_395 : i32 to index
        %get3A_418 = arith.constant 48 : index
        %get3A_419 = tpu.vector_load %arg9[%get3A_417, %get3A_418] {strides = array<i32>} : memref<256x64xf32, #tpu.memory_space<vmem>>, vector<16xf32>,
        %add3A_420 = arith.addf %get3A_419, %get3A_191 : vector<16xf32>
        %swap3A_421 = arith.index_cast %add3A_395 : i32 to index
        %swap3A_422 = arith.constant 48 : index
        %swap3A_423 = tpu.vector_load %arg9[%swap3A_421, %swap3A_422] {strides = array<i32>} : memref<256x64xf32, #tpu.memory_space<vmem>>, vector<16xf32>,
        tpu.vector_store %arg9[%swap3A_421, %swap3A_422], %add3A_420 {strides = array<i32>} : memref<256x64xf32, #tpu.memory_space<vmem>>, vector<16xf32>,
        %add3A_424 = arith.constant 7 : i32
        %add3A_425 = arith.addi %mul3A_214, %add3A_424 : i32
        %get3A_426 = arith.index_cast %add3A_425 : i32 to index
        %get3A_427 = arith.constant 0 : index
        %get3A_428 = tpu.vector_load %arg9[%get3A_426, %get3A_427] {strides = array<i32>} : memref<256x64xf32, #tpu.memory_space<vmem>>, vector<16xf32>,
        %add3A_429 = arith.addf %get3A_428, %get3A_182 : vector<16xf32>
        %swap3A_430 = arith.index_cast %add3A_425 : i32 to index
        %swap3A_431 = arith.constant 0 : index
        %swap3A_432 = tpu.vector_load %arg9[%swap3A_430, %swap3A_431] {strides = array<i32>} : memref<256x64xf32, #tpu.memory_space<vmem>>, vector<16xf32>,
        tpu.vector_store %arg9[%swap3A_430, %swap3A_431], %add3A_429 {strides = array<i32>} : memref<256x64xf32, #tpu.memory_space<vmem>>, vector<16xf32>,
        %get3A_433 = arith.index_cast %add3A_425 : i32 to index
        %get3A_434 = arith.constant 16 : index
        %get3A_435 = tpu.vector_load %arg9[%get3A_433, %get3A_434] {strides = array<i32>} : memref<256x64xf32, #tpu.memory_space<vmem>>, vector<16xf32>,
        %add3A_436 = arith.addf %get3A_435, %get3A_185 : vector<16xf32>
        %swap3A_437 = arith.index_cast %add3A_425 : i32 to index
        %swap3A_438 = arith.constant 16 : index
        %swap3A_439 = tpu.vector_load %arg9[%swap3A_437, %swap3A_438] {strides = array<i32>} : memref<256x64xf32, #tpu.memory_space<vmem>>, vector<16xf32>,
        tpu.vector_store %arg9[%swap3A_437, %swap3A_438], %add3A_436 {strides = array<i32>} : memref<256x64xf32, #tpu.memory_space<vmem>>, vector<16xf32>,
        %get3A_440 = arith.index_cast %add3A_425 : i32 to index
        %get3A_441 = arith.constant 32 : index
        %get3A_442 = tpu.vector_load %arg9[%get3A_440, %get3A_441] {strides = array<i32>} : memref<256x64xf32, #tpu.memory_space<vmem>>, vector<16xf32>,
        %add3A_443 = arith.addf %get3A_442, %get3A_188 : vector<16xf32>
        %swap3A_444 = arith.index_cast %add3A_425 : i32 to index
        %swap3A_445 = arith.constant 32 : index
        %swap3A_446 = tpu.vector_load %arg9[%swap3A_444, %swap3A_445] {strides = array<i32>} : memref<256x64xf32, #tpu.memory_space<vmem>>, vector<16xf32>,
        tpu.vector_store %arg9[%swap3A_444, %swap3A_445], %add3A_443 {strides = array<i32>} : memref<256x64xf32, #tpu.memory_space<vmem>>, vector<16xf32>,
        %get3A_447 = arith.index_cast %add3A_425 : i32 to index
        %get3A_448 = arith.constant 48 : index
        %get3A_449 = tpu.vector_load %arg9[%get3A_447, %get3A_448] {strides = array<i32>} : memref<256x64xf32, #tpu.memory_space<vmem>>, vector<16xf32>,
        %add3A_450 = arith.addf %get3A_449, %get3A_191 : vector<16xf32>
        %swap3A_451 = arith.index_cast %add3A_425 : i32 to index
        %swap3A_452 = arith.constant 48 : index
        %swap3A_453 = tpu.vector_load %arg9[%swap3A_451, %swap3A_452] {strides = array<i32>} : memref<256x64xf32, #tpu.memory_space<vmem>>, vector<16xf32>,
        tpu.vector_store %arg9[%swap3A_451, %swap3A_452], %add3A_450 {strides = array<i32>} : memref<256x64xf32, #tpu.memory_space<vmem>>, vector<16xf32>,
        %add3A_454 = arith.constant 8 : i32
        %add3A_455 = arith.addi %mul3A_214, %add3A_454 : i32
        %get3A_456 = arith.index_cast %add3A_455 : i32 to index
        %get3A_457 = arith.constant 0 : index
        %get3A_458 = tpu.vector_load %arg9[%get3A_456, %get3A_457] {strides = array<i32>} : memref<256x64xf32, #tpu.memory_space<vmem>>, vector<16xf32>,
        %add3A_459 = arith.addf %get3A_458, %get3A_182 : vector<16xf32>
        %swap3A_460 = arith.index_cast %add3A_455 : i32 to index
        %swap3A_461 = arith.constant 0 : index
        %swap3A_462 = tpu.vector_load %arg9[%swap3A_460, %swap3A_461] {strides = array<i32>} : memref<256x64xf32, #tpu.memory_space<vmem>>, vector<16xf32>,
        tpu.vector_store %arg9[%swap3A_460, %swap3A_461], %add3A_459 {strides = array<i32>} : memref<256x64xf32, #tpu.memory_space<vmem>>, vector<16xf32>,
        %get3A_463 = arith.index_cast %add3A_455 : i32 to index
        %get3A_464 = arith.constant 16 : index
        %get3A_465 = tpu.vector_load %arg9[%get3A_463, %get3A_464] {strides = array<i32>} : memref<256x64xf32, #tpu.memory_space<vmem>>, vector<16xf32>,
        %add3A_466 = arith.addf %get3A_465, %get3A_185 : vector<16xf32>
        %swap3A_467 = arith.index_cast %add3A_455 : i32 to index
        %swap3A_468 = arith.constant 16 : index
        %swap3A_469 = tpu.vector_load %arg9[%swap3A_467, %swap3A_468] {strides = array<i32>} : memref<256x64xf32, #tpu.memory_space<vmem>>, vector<16xf32>,
        tpu.vector_store %arg9[%swap3A_467, %swap3A_468], %add3A_466 {strides = array<i32>} : memref<256x64xf32, #tpu.memory_space<vmem>>, vector<16xf32>,
        %get3A_470 = arith.index_cast %add3A_455 : i32 to index
        %get3A_471 = arith.constant 32 : index
        %get3A_472 = tpu.vector_load %arg9[%get3A_470, %get3A_471] {strides = array<i32>} : memref<256x64xf32, #tpu.memory_space<vmem>>, vector<16xf32>,
        %add3A_473 = arith.addf %get3A_472, %get3A_188 : vector<16xf32>
        %swap3A_474 = arith.index_cast %add3A_455 : i32 to index
        %swap3A_475 = arith.constant 32 : index
        %swap3A_476 = tpu.vector_load %arg9[%swap3A_474, %swap3A_475] {strides = array<i32>} : memref<256x64xf32, #tpu.memory_space<vmem>>, vector<16xf32>,
        tpu.vector_store %arg9[%swap3A_474, %swap3A_475], %add3A_473 {strides = array<i32>} : memref<256x64xf32, #tpu.memory_space<vmem>>, vector<16xf32>,
        %get3A_477 = arith.index_cast %add3A_455 : i32 to index
        %get3A_478 = arith.constant 48 : index
        %get3A_479 = tpu.vector_load %arg9[%get3A_477, %get3A_478] {strides = array<i32>} : memref<256x64xf32, #tpu.memory_space<vmem>>, vector<16xf32>,
        %add3A_480 = arith.addf %get3A_479, %get3A_191 : vector<16xf32>
        %swap3A_481 = arith.index_cast %add3A_455 : i32 to index
        %swap3A_482 = arith.constant 48 : index
        %swap3A_483 = tpu.vector_load %arg9[%swap3A_481, %swap3A_482] {strides = array<i32>} : memref<256x64xf32, #tpu.memory_space<vmem>>, vector<16xf32>,
        tpu.vector_store %arg9[%swap3A_481, %swap3A_482], %add3A_480 {strides = array<i32>} : memref<256x64xf32, #tpu.memory_space<vmem>>, vector<16xf32>,
        %add3A_484 = arith.constant 9 : i32
        %add3A_485 = arith.addi %mul3A_214, %add3A_484 : i32
        %get3A_486 = arith.index_cast %add3A_485 : i32 to index
        %get3A_487 = arith.constant 0 : index
        %get3A_488 = tpu.vector_load %arg9[%get3A_486, %get3A_487] {strides = array<i32>} : memref<256x64xf32, #tpu.memory_space<vmem>>, vector<16xf32>,
        %add3A_489 = arith.addf %get3A_488, %get3A_182 : vector<16xf32>
        %swap3A_490 = arith.index_cast %add3A_485 : i32 to index
        %swap3A_491 = arith.constant 0 : index
        %swap3A_492 = tpu.vector_load %arg9[%swap3A_490, %swap3A_491] {strides = array<i32>} : memref<256x64xf32, #tpu.memory_space<vmem>>, vector<16xf32>,
        tpu.vector_store %arg9[%swap3A_490, %swap3A_491], %add3A_489 {strides = array<i32>} : memref<256x64xf32, #tpu.memory_space<vmem>>, vector<16xf32>,
        %get3A_493 = arith.index_cast %add3A_485 : i32 to index
        %get3A_494 = arith.constant 16 : index
        %get3A_495 = tpu.vector_load %arg9[%get3A_493, %get3A_494] {strides = array<i32>} : memref<256x64xf32, #tpu.memory_space<vmem>>, vector<16xf32>,
        %add3A_496 = arith.addf %get3A_495, %get3A_185 : vector<16xf32>
        %swap3A_497 = arith.index_cast %add3A_485 : i32 to index
        %swap3A_498 = arith.constant 16 : index
        %swap3A_499 = tpu.vector_load %arg9[%swap3A_497, %swap3A_498] {strides = array<i32>} : memref<256x64xf32, #tpu.memory_space<vmem>>, vector<16xf32>,
        tpu.vector_store %arg9[%swap3A_497, %swap3A_498], %add3A_496 {strides = array<i32>} : memref<256x64xf32, #tpu.memory_space<vmem>>, vector<16xf32>,
        %get3A_500 = arith.index_cast %add3A_485 : i32 to index
        %get3A_501 = arith.constant 32 : index
        %get3A_502 = tpu.vector_load %arg9[%get3A_500, %get3A_501] {strides = array<i32>} : memref<256x64xf32, #tpu.memory_space<vmem>>, vector<16xf32>,
        %add3A_503 = arith.addf %get3A_502, %get3A_188 : vector<16xf32>
        %swap3A_504 = arith.index_cast %add3A_485 : i32 to index
        %swap3A_505 = arith.constant 32 : index
        %swap3A_506 = tpu.vector_load %arg9[%swap3A_504, %swap3A_505] {strides = array<i32>} : memref<256x64xf32, #tpu.memory_space<vmem>>, vector<16xf32>,
        tpu.vector_store %arg9[%swap3A_504, %swap3A_505], %add3A_503 {strides = array<i32>} : memref<256x64xf32, #tpu.memory_space<vmem>>, vector<16xf32>,
        %get3A_507 = arith.index_cast %add3A_485 : i32 to index
        %get3A_508 = arith.constant 48 : index
        %get3A_509 = tpu.vector_load %arg9[%get3A_507, %get3A_508] {strides = array<i32>} : memref<256x64xf32, #tpu.memory_space<vmem>>, vector<16xf32>,
        %add3A_510 = arith.addf %get3A_509, %get3A_191 : vector<16xf32>
        %swap3A_511 = arith.index_cast %add3A_485 : i32 to index
        %swap3A_512 = arith.constant 48 : index
        %swap3A_513 = tpu.vector_load %arg9[%swap3A_511, %swap3A_512] {strides = array<i32>} : memref<256x64xf32, #tpu.memory_space<vmem>>, vector<16xf32>,
        tpu.vector_store %arg9[%swap3A_511, %swap3A_512], %add3A_510 {strides = array<i32>} : memref<256x64xf32, #tpu.memory_space<vmem>>, vector<16xf32>,
        %add3A_514 = arith.constant 10 : i32
        %add3A_515 = arith.addi %mul3A_214, %add3A_514 : i32
        %get3A_516 = arith.index_cast %add3A_515 : i32 to index
        %get3A_517 = arith.constant 0 : index
        %get3A_518 = tpu.vector_load %arg9[%get3A_516, %get3A_517] {strides = array<i32>} : memref<256x64xf32, #tpu.memory_space<vmem>>, vector<16xf32>,
        %add3A_519 = arith.addf %get3A_518, %get3A_182 : vector<16xf32>
        %swap3A_520 = arith.index_cast %add3A_515 : i32 to index
        %swap3A_521 = arith.constant 0 : index
        %swap3A_522 = tpu.vector_load %arg9[%swap3A_520, %swap3A_521] {strides = array<i32>} : memref<256x64xf32, #tpu.memory_space<vmem>>, vector<16xf32>,
        tpu.vector_store %arg9[%swap3A_520, %swap3A_521], %add3A_519 {strides = array<i32>} : memref<256x64xf32, #tpu.memory_space<vmem>>, vector<16xf32>,
        %get3A_523 = arith.index_cast %add3A_515 : i32 to index
        %get3A_524 = arith.constant 16 : index
        %get3A_525 = tpu.vector_load %arg9[%get3A_523, %get3A_524] {strides = array<i32>} : memref<256x64xf32, #tpu.memory_space<vmem>>, vector<16xf32>,
        %add3A_526 = arith.addf %get3A_525, %get3A_185 : vector<16xf32>
        %swap3A_527 = arith.index_cast %add3A_515 : i32 to index
        %swap3A_528 = arith.constant 16 : index
        %swap3A_529 = tpu.vector_load %arg9[%swap3A_527, %swap3A_528] {strides = array<i32>} : memref<256x64xf32, #tpu.memory_space<vmem>>, vector<16xf32>,
        tpu.vector_store %arg9[%swap3A_527, %swap3A_528], %add3A_526 {strides = array<i32>} : memref<256x64xf32, #tpu.memory_space<vmem>>, vector<16xf32>,
        %get3A_530 = arith.index_cast %add3A_515 : i32 to index
        %get3A_531 = arith.constant 32 : index
        %get3A_532 = tpu.vector_load %arg9[%get3A_530, %get3A_531] {strides = array<i32>} : memref<256x64xf32, #tpu.memory_space<vmem>>, vector<16xf32>,
        %add3A_533 = arith.addf %get3A_532, %get3A_188 : vector<16xf32>
        %swap3A_534 = arith.index_cast %add3A_515 : i32 to index
        %swap3A_535 = arith.constant 32 : index
        %swap3A_536 = tpu.vector_load %arg9[%swap3A_534, %swap3A_535] {strides = array<i32>} : memref<256x64xf32, #tpu.memory_space<vmem>>, vector<16xf32>,
        tpu.vector_store %arg9[%swap3A_534, %swap3A_535], %add3A_533 {strides = array<i32>} : memref<256x64xf32, #tpu.memory_space<vmem>>, vector<16xf32>,
        %get3A_537 = arith.index_cast %add3A_515 : i32 to index
        %get3A_538 = arith.constant 48 : index
        %get3A_539 = tpu.vector_load %arg9[%get3A_537, %get3A_538] {strides = array<i32>} : memref<256x64xf32, #tpu.memory_space<vmem>>, vector<16xf32>,
        %add3A_540 = arith.addf %get3A_539, %get3A_191 : vector<16xf32>
        %swap3A_541 = arith.index_cast %add3A_515 : i32 to index
        %swap3A_542 = arith.constant 48 : index
        %swap3A_543 = tpu.vector_load %arg9[%swap3A_541, %swap3A_542] {strides = array<i32>} : memref<256x64xf32, #tpu.memory_space<vmem>>, vector<16xf32>,
        tpu.vector_store %arg9[%swap3A_541, %swap3A_542], %add3A_540 {strides = array<i32>} : memref<256x64xf32, #tpu.memory_space<vmem>>, vector<16xf32>,
        %add3A_544 = arith.constant 11 : i32
        %add3A_545 = arith.addi %mul3A_214, %add3A_544 : i32
        %get3A_546 = arith.index_cast %add3A_545 : i32 to index
        %get3A_547 = arith.constant 0 : index
        %get3A_548 = tpu.vector_load %arg9[%get3A_546, %get3A_547] {strides = array<i32>} : memref<256x64xf32, #tpu.memory_space<vmem>>, vector<16xf32>,
        %add3A_549 = arith.addf %get3A_548, %get3A_182 : vector<16xf32>
        %swap3A_550 = arith.index_cast %add3A_545 : i32 to index
        %swap3A_551 = arith.constant 0 : index
        %swap3A_552 = tpu.vector_load %arg9[%swap3A_550, %swap3A_551] {strides = array<i32>} : memref<256x64xf32, #tpu.memory_space<vmem>>, vector<16xf32>,
        tpu.vector_store %arg9[%swap3A_550, %swap3A_551], %add3A_549 {strides = array<i32>} : memref<256x64xf32, #tpu.memory_space<vmem>>, vector<16xf32>,
        %get3A_553 = arith.index_cast %add3A_545 : i32 to index
        %get3A_554 = arith.constant 16 : index
        %get3A_555 = tpu.vector_load %arg9[%get3A_553, %get3A_554] {strides = array<i32>} : memref<256x64xf32, #tpu.memory_space<vmem>>, vector<16xf32>,
        %add3A_556 = arith.addf %get3A_555, %get3A_185 : vector<16xf32>
        %swap3A_557 = arith.index_cast %add3A_545 : i32 to index
        %swap3A_558 = arith.constant 16 : index
        %swap3A_559 = tpu.vector_load %arg9[%swap3A_557, %swap3A_558] {strides = array<i32>} : memref<256x64xf32, #tpu.memory_space<vmem>>, vector<16xf32>,
        tpu.vector_store %arg9[%swap3A_557, %swap3A_558], %add3A_556 {strides = array<i32>} : memref<256x64xf32, #tpu.memory_space<vmem>>, vector<16xf32>,
        %get3A_560 = arith.index_cast %add3A_545 : i32 to index
        %get3A_561 = arith.constant 32 : index
        %get3A_562 = tpu.vector_load %arg9[%get3A_560, %get3A_561] {strides = array<i32>} : memref<256x64xf32, #tpu.memory_space<vmem>>, vector<16xf32>,
        %add3A_563 = arith.addf %get3A_562, %get3A_188 : vector<16xf32>
        %swap3A_564 = arith.index_cast %add3A_545 : i32 to index
        %swap3A_565 = arith.constant 32 : index
        %swap3A_566 = tpu.vector_load %arg9[%swap3A_564, %swap3A_565] {strides = array<i32>} : memref<256x64xf32, #tpu.memory_space<vmem>>, vector<16xf32>,
        tpu.vector_store %arg9[%swap3A_564, %swap3A_565], %add3A_563 {strides = array<i32>} : memref<256x64xf32, #tpu.memory_space<vmem>>, vector<16xf32>,
        %get3A_567 = arith.index_cast %add3A_545 : i32 to index
        %get3A_568 = arith.constant 48 : index
        %get3A_569 = tpu.vector_load %arg9[%get3A_567, %get3A_568] {strides = array<i32>} : memref<256x64xf32, #tpu.memory_space<vmem>>, vector<16xf32>,
        %add3A_570 = arith.addf %get3A_569, %get3A_191 : vector<16xf32>
        %swap3A_571 = arith.index_cast %add3A_545 : i32 to index
        %swap3A_572 = arith.constant 48 : index
        %swap3A_573 = tpu.vector_load %arg9[%swap3A_571, %swap3A_572] {strides = array<i32>} : memref<256x64xf32, #tpu.memory_space<vmem>>, vector<16xf32>,
        tpu.vector_store %arg9[%swap3A_571, %swap3A_572], %add3A_570 {strides = array<i32>} : memref<256x64xf32, #tpu.memory_space<vmem>>, vector<16xf32>,
        %add3A_574 = arith.constant 12 : i32
        %add3A_575 = arith.addi %mul3A_214, %add3A_574 : i32
        %get3A_576 = arith.index_cast %add3A_575 : i32 to index
        %get3A_577 = arith.constant 0 : index
        %get3A_578 = tpu.vector_load %arg9[%get3A_576, %get3A_577] {strides = array<i32>} : memref<256x64xf32, #tpu.memory_space<vmem>>, vector<16xf32>,
        %add3A_579 = arith.addf %get3A_578, %get3A_182 : vector<16xf32>
        %swap3A_580 = arith.index_cast %add3A_575 : i32 to index
        %swap3A_581 = arith.constant 0 : index
        %swap3A_582 = tpu.vector_load %arg9[%swap3A_580, %swap3A_581] {strides = array<i32>} : memref<256x64xf32, #tpu.memory_space<vmem>>, vector<16xf32>,
        tpu.vector_store %arg9[%swap3A_580, %swap3A_581], %add3A_579 {strides = array<i32>} : memref<256x64xf32, #tpu.memory_space<vmem>>, vector<16xf32>,
        %get3A_583 = arith.index_cast %add3A_575 : i32 to index
        %get3A_584 = arith.constant 16 : index
        %get3A_585 = tpu.vector_load %arg9[%get3A_583, %get3A_584] {strides = array<i32>} : memref<256x64xf32, #tpu.memory_space<vmem>>, vector<16xf32>,
        %add3A_586 = arith.addf %get3A_585, %get3A_185 : vector<16xf32>
        %swap3A_587 = arith.index_cast %add3A_575 : i32 to index
        %swap3A_588 = arith.constant 16 : index
        %swap3A_589 = tpu.vector_load %arg9[%swap3A_587, %swap3A_588] {strides = array<i32>} : memref<256x64xf32, #tpu.memory_space<vmem>>, vector<16xf32>,
        tpu.vector_store %arg9[%swap3A_587, %swap3A_588], %add3A_586 {strides = array<i32>} : memref<256x64xf32, #tpu.memory_space<vmem>>, vector<16xf32>,
        %get3A_590 = arith.index_cast %add3A_575 : i32 to index
        %get3A_591 = arith.constant 32 : index
        %get3A_592 = tpu.vector_load %arg9[%get3A_590, %get3A_591] {strides = array<i32>} : memref<256x64xf32, #tpu.memory_space<vmem>>, vector<16xf32>,
        %add3A_593 = arith.addf %get3A_592, %get3A_188 : vector<16xf32>
        %swap3A_594 = arith.index_cast %add3A_575 : i32 to index
        %swap3A_595 = arith.constant 32 : index
        %swap3A_596 = tpu.vector_load %arg9[%swap3A_594, %swap3A_595] {strides = array<i32>} : memref<256x64xf32, #tpu.memory_space<vmem>>, vector<16xf32>,
        tpu.vector_store %arg9[%swap3A_594, %swap3A_595], %add3A_593 {strides = array<i32>} : memref<256x64xf32, #tpu.memory_space<vmem>>, vector<16xf32>,
        %get3A_597 = arith.index_cast %add3A_575 : i32 to index
        %get3A_598 = arith.constant 48 : index
        %get3A_599 = tpu.vector_load %arg9[%get3A_597, %get3A_598] {strides = array<i32>} : memref<256x64xf32, #tpu.memory_space<vmem>>, vector<16xf32>,
        %add3A_600 = arith.addf %get3A_599, %get3A_191 : vector<16xf32>
        %swap3A_601 = arith.index_cast %add3A_575 : i32 to index
        %swap3A_602 = arith.constant 48 : index
        %swap3A_603 = tpu.vector_load %arg9[%swap3A_601, %swap3A_602] {strides = array<i32>} : memref<256x64xf32, #tpu.memory_space<vmem>>, vector<16xf32>,
        tpu.vector_store %arg9[%swap3A_601, %swap3A_602], %add3A_600 {strides = array<i32>} : memref<256x64xf32, #tpu.memory_space<vmem>>, vector<16xf32>,
        %add3A_604 = arith.constant 13 : i32
        %add3A_605 = arith.addi %mul3A_214, %add3A_604 : i32
        %get3A_606 = arith.index_cast %add3A_605 : i32 to index
        %get3A_607 = arith.constant 0 : index
        %get3A_608 = tpu.vector_load %arg9[%get3A_606, %get3A_607] {strides = array<i32>} : memref<256x64xf32, #tpu.memory_space<vmem>>, vector<16xf32>,
        %add3A_609 = arith.addf %get3A_608, %get3A_182 : vector<16xf32>
        %swap3A_610 = arith.index_cast %add3A_605 : i32 to index
        %swap3A_611 = arith.constant 0 : index
        %swap3A_612 = tpu.vector_load %arg9[%swap3A_610, %swap3A_611] {strides = array<i32>} : memref<256x64xf32, #tpu.memory_space<vmem>>, vector<16xf32>,
        tpu.vector_store %arg9[%swap3A_610, %swap3A_611], %add3A_609 {strides = array<i32>} : memref<256x64xf32, #tpu.memory_space<vmem>>, vector<16xf32>,
        %get3A_613 = arith.index_cast %add3A_605 : i32 to index
        %get3A_614 = arith.constant 16 : index
        %get3A_615 = tpu.vector_load %arg9[%get3A_613, %get3A_614] {strides = array<i32>} : memref<256x64xf32, #tpu.memory_space<vmem>>, vector<16xf32>,
        %add3A_616 = arith.addf %get3A_615, %get3A_185 : vector<16xf32>
        %swap3A_617 = arith.index_cast %add3A_605 : i32 to index
        %swap3A_618 = arith.constant 16 : index
        %swap3A_619 = tpu.vector_load %arg9[%swap3A_617, %swap3A_618] {strides = array<i32>} : memref<256x64xf32, #tpu.memory_space<vmem>>, vector<16xf32>,
        tpu.vector_store %arg9[%swap3A_617, %swap3A_618], %add3A_616 {strides = array<i32>} : memref<256x64xf32, #tpu.memory_space<vmem>>, vector<16xf32>,
        %get3A_620 = arith.index_cast %add3A_605 : i32 to index
        %get3A_621 = arith.constant 32 : index
        %get3A_622 = tpu.vector_load %arg9[%get3A_620, %get3A_621] {strides = array<i32>} : memref<256x64xf32, #tpu.memory_space<vmem>>, vector<16xf32>,
        %add3A_623 = arith.addf %get3A_622, %get3A_188 : vector<16xf32>
        %swap3A_624 = arith.index_cast %add3A_605 : i32 to index
        %swap3A_625 = arith.constant 32 : index
        %swap3A_626 = tpu.vector_load %arg9[%swap3A_624, %swap3A_625] {strides = array<i32>} : memref<256x64xf32, #tpu.memory_space<vmem>>, vector<16xf32>,
        tpu.vector_store %arg9[%swap3A_624, %swap3A_625], %add3A_623 {strides = array<i32>} : memref<256x64xf32, #tpu.memory_space<vmem>>, vector<16xf32>,
        %get3A_627 = arith.index_cast %add3A_605 : i32 to index
        %get3A_628 = arith.constant 48 : index
        %get3A_629 = tpu.vector_load %arg9[%get3A_627, %get3A_628] {strides = array<i32>} : memref<256x64xf32, #tpu.memory_space<vmem>>, vector<16xf32>,
        %add3A_630 = arith.addf %get3A_629, %get3A_191 : vector<16xf32>
        %swap3A_631 = arith.index_cast %add3A_605 : i32 to index
        %swap3A_632 = arith.constant 48 : index
        %swap3A_633 = tpu.vector_load %arg9[%swap3A_631, %swap3A_632] {strides = array<i32>} : memref<256x64xf32, #tpu.memory_space<vmem>>, vector<16xf32>,
        tpu.vector_store %arg9[%swap3A_631, %swap3A_632], %add3A_630 {strides = array<i32>} : memref<256x64xf32, #tpu.memory_space<vmem>>, vector<16xf32>,
        %add3A_634 = arith.constant 14 : i32
        %add3A_635 = arith.addi %mul3A_214, %add3A_634 : i32
        %get3A_636 = arith.index_cast %add3A_635 : i32 to index
        %get3A_637 = arith.constant 0 : index
        %get3A_638 = tpu.vector_load %arg9[%get3A_636, %get3A_637] {strides = array<i32>} : memref<256x64xf32, #tpu.memory_space<vmem>>, vector<16xf32>,
        %add3A_639 = arith.addf %get3A_638, %get3A_182 : vector<16xf32>
        %swap3A_640 = arith.index_cast %add3A_635 : i32 to index
        %swap3A_641 = arith.constant 0 : index
        %swap3A_642 = tpu.vector_load %arg9[%swap3A_640, %swap3A_641] {strides = array<i32>} : memref<256x64xf32, #tpu.memory_space<vmem>>, vector<16xf32>,
        tpu.vector_store %arg9[%swap3A_640, %swap3A_641], %add3A_639 {strides = array<i32>} : memref<256x64xf32, #tpu.memory_space<vmem>>, vector<16xf32>,
        %get3A_643 = arith.index_cast %add3A_635 : i32 to index
        %get3A_644 = arith.constant 16 : index
        %get3A_645 = tpu.vector_load %arg9[%get3A_643, %get3A_644] {strides = array<i32>} : memref<256x64xf32, #tpu.memory_space<vmem>>, vector<16xf32>,
        %add3A_646 = arith.addf %get3A_645, %get3A_185 : vector<16xf32>
        %swap3A_647 = arith.index_cast %add3A_635 : i32 to index
        %swap3A_648 = arith.constant 16 : index
        %swap3A_649 = tpu.vector_load %arg9[%swap3A_647, %swap3A_648] {strides = array<i32>} : memref<256x64xf32, #tpu.memory_space<vmem>>, vector<16xf32>,
        tpu.vector_store %arg9[%swap3A_647, %swap3A_648], %add3A_646 {strides = array<i32>} : memref<256x64xf32, #tpu.memory_space<vmem>>, vector<16xf32>,
        %get3A_650 = arith.index_cast %add3A_635 : i32 to index
        %get3A_651 = arith.constant 32 : index
        %get3A_652 = tpu.vector_load %arg9[%get3A_650, %get3A_651] {strides = array<i32>} : memref<256x64xf32, #tpu.memory_space<vmem>>, vector<16xf32>,
        %add3A_653 = arith.addf %get3A_652, %get3A_188 : vector<16xf32>
        %swap3A_654 = arith.index_cast %add3A_635 : i32 to index
        %swap3A_655 = arith.constant 32 : index
        %swap3A_656 = tpu.vector_load %arg9[%swap3A_654, %swap3A_655] {strides = array<i32>} : memref<256x64xf32, #tpu.memory_space<vmem>>, vector<16xf32>,
        tpu.vector_store %arg9[%swap3A_654, %swap3A_655], %add3A_653 {strides = array<i32>} : memref<256x64xf32, #tpu.memory_space<vmem>>, vector<16xf32>,
        %get3A_657 = arith.index_cast %add3A_635 : i32 to index
        %get3A_658 = arith.constant 48 : index
        %get3A_659 = tpu.vector_load %arg9[%get3A_657, %get3A_658] {strides = array<i32>} : memref<256x64xf32, #tpu.memory_space<vmem>>, vector<16xf32>,
        %add3A_660 = arith.addf %get3A_659, %get3A_191 : vector<16xf32>
        %swap3A_661 = arith.index_cast %add3A_635 : i32 to index
        %swap3A_662 = arith.constant 48 : index
        %swap3A_663 = tpu.vector_load %arg9[%swap3A_661, %swap3A_662] {strides = array<i32>} : memref<256x64xf32, #tpu.memory_space<vmem>>, vector<16xf32>,
        tpu.vector_store %arg9[%swap3A_661, %swap3A_662], %add3A_660 {strides = array<i32>} : memref<256x64xf32, #tpu.memory_space<vmem>>, vector<16xf32>,
        %add3A_664 = arith.constant 15 : i32
        %add3A_665 = arith.addi %mul3A_214, %add3A_664 : i32
        %get3A_666 = arith.index_cast %add3A_665 : i32 to index
        %get3A_667 = arith.constant 0 : index
        %get3A_668 = tpu.vector_load %arg9[%get3A_666, %get3A_667] {strides = array<i32>} : memref<256x64xf32, #tpu.memory_space<vmem>>, vector<16xf32>,
        %add3A_669 = arith.addf %get3A_668, %get3A_182 : vector<16xf32>
        %swap3A_670 = arith.index_cast %add3A_665 : i32 to index
        %swap3A_671 = arith.constant 0 : index
        %swap3A_672 = tpu.vector_load %arg9[%swap3A_670, %swap3A_671] {strides = array<i32>} : memref<256x64xf32, #tpu.memory_space<vmem>>, vector<16xf32>,
        tpu.vector_store %arg9[%swap3A_670, %swap3A_671], %add3A_669 {strides = array<i32>} : memref<256x64xf32, #tpu.memory_space<vmem>>, vector<16xf32>,
        %get3A_673 = arith.index_cast %add3A_665 : i32 to index
        %get3A_674 = arith.constant 16 : index
        %get3A_675 = tpu.vector_load %arg9[%get3A_673, %get3A_674] {strides = array<i32>} : memref<256x64xf32, #tpu.memory_space<vmem>>, vector<16xf32>,
        %add3A_676 = arith.addf %get3A_675, %get3A_185 : vector<16xf32>
        %swap3A_677 = arith.index_cast %add3A_665 : i32 to index
        %swap3A_678 = arith.constant 16 : index
        %swap3A_679 = tpu.vector_load %arg9[%swap3A_677, %swap3A_678] {strides = array<i32>} : memref<256x64xf32, #tpu.memory_space<vmem>>, vector<16xf32>,
        tpu.vector_store %arg9[%swap3A_677, %swap3A_678], %add3A_676 {strides = array<i32>} : memref<256x64xf32, #tpu.memory_space<vmem>>, vector<16xf32>,
        %get3A_680 = arith.index_cast %add3A_665 : i32 to index
        %get3A_681 = arith.constant 32 : index
        %get3A_682 = tpu.vector_load %arg9[%get3A_680, %get3A_681] {strides = array<i32>} : memref<256x64xf32, #tpu.memory_space<vmem>>, vector<16xf32>,
        %add3A_683 = arith.addf %get3A_682, %get3A_188 : vector<16xf32>
        %swap3A_684 = arith.index_cast %add3A_665 : i32 to index
        %swap3A_685 = arith.constant 32 : index
        %swap3A_686 = tpu.vector_load %arg9[%swap3A_684, %swap3A_685] {strides = array<i32>} : memref<256x64xf32, #tpu.memory_space<vmem>>, vector<16xf32>,
        tpu.vector_store %arg9[%swap3A_684, %swap3A_685], %add3A_683 {strides = array<i32>} : memref<256x64xf32, #tpu.memory_space<vmem>>, vector<16xf32>,
        %get3A_687 = arith.index_cast %add3A_665 : i32 to index
        %get3A_688 = arith.constant 48 : index
        %get3A_689 = tpu.vector_load %arg9[%get3A_687, %get3A_688] {strides = array<i32>} : memref<256x64xf32, #tpu.memory_space<vmem>>, vector<16xf32>,
        %add3A_690 = arith.addf %get3A_689, %get3A_191 : vector<16xf32>
        %swap3A_691 = arith.index_cast %add3A_665 : i32 to index
        %swap3A_692 = arith.constant 48 : index
        %swap3A_693 = tpu.vector_load %arg9[%swap3A_691, %swap3A_692] {strides = array<i32>} : memref<256x64xf32, #tpu.memory_space<vmem>>, vector<16xf32>,
        tpu.vector_store %arg9[%swap3A_691, %swap3A_692], %add3A_690 {strides = array<i32>} : memref<256x64xf32, #tpu.memory_space<vmem>>, vector<16xf32>,
      }
      %scan3A_197 = arith.constant 16 : i32
      %add3A_198 = arith.constant 1 : i32
      %add3A_199 = arith.addi %add3A_56, %add3A_198 : i32
      %shift_right_logical3A_200 = arith.constant 4 : i32
      %shift_right_logical3A_201 = arith.shrui %add3A_199, %shift_right_logical3A_200 : i32
      %and3A_202 = arith.constant 15 : i32
      %and3A_203 = arith.andi %add3A_199, %and3A_202 : i32
      %mul3A_204 = arith.constant 256 : i32
      %mul3A_205 = arith.muli %and3A_203, %mul3A_204 : i32
      %dma_start3A_206 = arith.constant 0 : i32
      %dma_start3A_207 = tpu.memref_slice %arg5[%shift_right_logical3A_201, %mul3A_205, %dma_start3A_206] : memref<200x4096x64xf32, #tpu.memory_space<hbm>> -> memref<1x256x64xf32, #tpu.memory_space<hbm>>
      %dma_start3A_208 = tpu.memref_squeeze %dma_start3A_207 : memref<1x256x64xf32, #tpu.memory_space<hbm>> -> memref<256x64xf32, #tpu.memory_space<hbm>>
      %dma_start3A_209 = arith.constant 0 : i32
      %dma_start3A_210 = tpu.memref_slice %arg5[%shift_right_logical3A_201, %mul3A_205, %dma_start3A_209] : memref<200x4096x64xf32, #tpu.memory_space<hbm>> -> memref<1x256x64xf32, #tpu.memory_space<hbm>>
      %dma_start3A_211 = tpu.memref_squeeze %dma_start3A_210 : memref<1x256x64xf32, #tpu.memory_space<hbm>> -> memref<256x64xf32, #tpu.memory_space<hbm>>
      tpu.enqueue_dma source(%arg9 : memref<256x64xf32, #tpu.memory_space<vmem>>) target(%dma_start3A_211 : memref<256x64xf32, #tpu.memory_space<hbm>>) target_semaphore(%arg14 : memref<!tpu.dma_semaphore, #tpu.memory_space<semaphore_mem>>)
    }
    %scan3A_35 = arith.constant 50 : i32
    %dma_wait3A = arith.constant 0 : i32
    %dma_wait3A_36 = arith.constant 0 : i32
    %dma_wait3A_37 = arith.constant 0 : i32
    %dma_wait3A_38 = tpu.memref_slice %arg5[%dma_wait3A, %dma_wait3A_36, %dma_wait3A_37] : memref<200x4096x64xf32, #tpu.memory_space<hbm>> -> memref<1x256x64xf32, #tpu.memory_space<hbm>>
    %dma_wait3A_39 = tpu.memref_squeeze %dma_wait3A_38 : memref<1x256x64xf32, #tpu.memory_space<hbm>> -> memref<256x64xf32, #tpu.memory_space<hbm>>
    %dma_wait3A_40 = arith.constant 0 : i32
    %dma_wait3A_41 = arith.constant 0 : i32
    %dma_wait3A_42 = tpu.memref_slice %arg5[%dma_wait3A, %dma_wait3A_40, %dma_wait3A_41] : memref<200x4096x64xf32, #tpu.memory_space<hbm>> -> memref<1x256x64xf32, #tpu.memory_space<hbm>>
    %dma_wait3A_43 = tpu.memref_squeeze %dma_wait3A_42 : memref<1x256x64xf32, #tpu.memory_space<hbm>> -> memref<256x64xf32, #tpu.memory_space<hbm>>
    tpu.wait_dma2 semaphore(%arg13 : memref<!tpu.dma_semaphore, #tpu.memory_space<semaphore_mem>>) src(%arg8 : memref<256x64xf32, #tpu.memory_space<vmem>>) dst(%dma_wait3A_43 : memref<256x64xf32, #tpu.memory_space<hbm>>)
    %dma_wait3A_44 = arith.constant 0 : i32
    %dma_wait3A_45 = arith.constant 0 : i32
    %dma_wait3A_46 = arith.constant 0 : i32
    %dma_wait3A_47 = tpu.memref_slice %arg5[%dma_wait3A_44, %dma_wait3A_45, %dma_wait3A_46] : memref<200x4096x64xf32, #tpu.memory_space<hbm>> -> memref<1x256x64xf32, #tpu.memory_space<hbm>>
    %dma_wait3A_48 = tpu.memref_squeeze %dma_wait3A_47 : memref<1x256x64xf32, #tpu.memory_space<hbm>> -> memref<256x64xf32, #tpu.memory_space<hbm>>
    %dma_wait3A_49 = arith.constant 0 : i32
    %dma_wait3A_50 = arith.constant 0 : i32
    %dma_wait3A_51 = tpu.memref_slice %arg5[%dma_wait3A_44, %dma_wait3A_49, %dma_wait3A_50] : memref<200x4096x64xf32, #tpu.memory_space<hbm>> -> memref<1x256x64xf32, #tpu.memory_space<hbm>>
    %dma_wait3A_52 = tpu.memref_squeeze %dma_wait3A_51 : memref<1x256x64xf32, #tpu.memory_space<hbm>> -> memref<256x64xf32, #tpu.memory_space<hbm>>
    tpu.wait_dma2 semaphore(%arg14 : memref<!tpu.dma_semaphore, #tpu.memory_space<semaphore_mem>>) src(%arg9 : memref<256x64xf32, #tpu.memory_space<vmem>>) dst(%dma_wait3A_52 : memref<256x64xf32, #tpu.memory_space<hbm>>)
    return
  }
}

module attributes {stable_mosaic.version = 14 : i64} {
  func.func @_prep_body(%arg0: i32, %arg1: memref<64x2048xf32, #tpu.memory_space<vmem>>, %arg2: memref<64x2048xf32, #tpu.memory_space<vmem>>, %arg3: memref<2048x128xf32, #tpu.memory_space<vmem>>) attributes {dimension_semantics = [#tpu.dimension_semantics<arbitrary>], iteration_bounds = array<i64: 245>, scalar_prefetch = 0 : i64, scratch_operands = 0 : i64, tpu.core_type = #tpu.core_type<tc>, window_params = [{transform_indices = @transform_0, window_bounds = array<i64: 64, 2048>}, {transform_indices = @transform_1, window_bounds = array<i64: 64, 2048>}, {transform_indices = @transform_2, window_bounds = array<i64: 2048, 128>}]} {
    %iota3A = tpu.iota {dimensions = array<i32: 0>} : vector<64x64xi32>
    %iota3A_0 = tpu.iota {dimensions = array<i32: 1>} : vector<64x64xi32>
    %eq3A = arith.cmpi eq, %iota3A, %iota3A_0 : vector<64x64xi32>
    %convert_element_type3A = arith.extui %eq3A : vector<64x64xi1> to vector<64x64xi32>
    %convert_element_type3A_1 = arith.sitofp %convert_element_type3A : vector<64x64xi32> to vector<64x64xf32>
    %get3A = arith.constant 0 : index
    %get3A_2 = arith.constant 0 : index
    %get3A_3 = vector.load %arg1[%get3A, %get3A_2] : memref<64x2048xf32, #tpu.memory_space<vmem>>, vector<64x2048xf32>
    %dot_general3A = arith.constant dense<0.000000e+00> : vector<2048x64xf32>
    %dot_general3A_4 = tpu.matmul %get3A_3, %convert_element_type3A_1, %dot_general3A {dimension_numbers = #tpu.dot_dimension_numbers<[0], [0], [1], [1], [0, 1, 1, 1], [], []>, transpose_lhs_hint = false} : vector<64x2048xf32>, vector<64x64xf32>, vector<2048x64xf32> -> vector<2048x64xf32>
    %get3A_5 = arith.constant 0 : index
    %get3A_6 = arith.constant 0 : index
    %get3A_7 = vector.load %arg2[%get3A_5, %get3A_6] : memref<64x2048xf32, #tpu.memory_space<vmem>>, vector<64x2048xf32>
    %dot_general3A_8 = arith.constant dense<0.000000e+00> : vector<2048x64xf32>
    %dot_general3A_9 = tpu.matmul %get3A_7, %convert_element_type3A_1, %dot_general3A_8 {dimension_numbers = #tpu.dot_dimension_numbers<[0], [0], [1], [1], [0, 1, 1, 1], [], []>, transpose_lhs_hint = false} : vector<64x2048xf32>, vector<64x64xf32>, vector<2048x64xf32> -> vector<2048x64xf32>
    %concatenate3A = tpu.concatenate %dot_general3A_4, %dot_general3A_9 in 1 : vector<2048x64xf32>, vector<2048x64xf32> -> vector<2048x128xf32>
    %swap3A = arith.constant 0 : index
    %swap3A_10 = arith.constant 0 : index
    %swap3A_11 = vector.load %arg3[%swap3A, %swap3A_10] : memref<2048x128xf32, #tpu.memory_space<vmem>>, vector<2048x128xf32>
    tpu.vector_store %arg3[%swap3A, %swap3A_10], %concatenate3A {strides = array<i32>} : memref<2048x128xf32, #tpu.memory_space<vmem>>, vector<2048x128xf32>,
    return
  }
  func.func @transform_0(%arg0: i32) -> (i32, i32) {
    %c0_i32 = arith.constant 0 : i32
    %c0_i32_0 = arith.constant 0 : i32
    return %c0_i32, %arg0 : i32, i32
  }
  func.func @transform_1(%arg0: i32) -> (i32, i32) {
    %add3A = arith.constant 245 : i32
    %add3A_0 = arith.addi %arg0, %add3A : i32
    %min3A = arith.constant 488 : i32
    %min3A_1 = arith.minsi %add3A_0, %min3A : i32
    %c0_i32 = arith.constant 0 : i32
    %c0_i32_2 = arith.constant 0 : i32
    return %c0_i32, %min3A_1 : i32, i32
  }
  func.func @transform_2(%arg0: i32) -> (i32, i32) {
    %c0_i32 = arith.constant 0 : i32
    %c0_i32_0 = arith.constant 0 : i32
    return %arg0, %c0_i32 : i32, i32
  }
}

</mosaic_0001>

<sc_bundles>
// kernel: kernel.4.cloned.1.call-start
scs
__scs_entry_jumppad:
0x0: {  	(pc) =	sbr.rel $0x88, $3  }
0x1: {  	(tag) =	ssettag $0x0;
	lr =	simm.s32 $0x1  }
0x2: {  	[smem:$0x3F9F] =	sst lr;
	_ =	strace $0xD0000000  }
0x3: {  	_ = 	snop  }
0x4: {  	_ = 	snop  }
0x5: {  	_ = 	snop  }
0x6: {  	_ = 	snop  }
0x7: {  	_ = 	snop  }
__scs_overlays_trampoline_lowered:
0x8: {  	[smem:$0x3FAE] =	sst s0  }
0x9: {  	[smem:$0x3FAF] =	sst s1  }
0xa: {  	[smem:$0x3FB0] =	sst s2  }
0xb: {  	[smem:$0x3FB1] =	sst s3  }
0xc: {  	[smem:$0x3FB2] =	sst s4  }
0xd: {  	[smem:$0x3FB3] =	sst s5  }
0xe: {  	[smem:$0x3FB4] =	sst s6  }
0xf: {  	[smem:$0x3FB5] =	sst s7  }
0x10: {  	[smem:$0x3FB6] =	sst s8  }
0x11: {  	[smem:$0x3FB7] =	sst s9;
	s0 =	simm.s32 @!p0 $0x0  }
0x12: {  	s1 =	sld [smem:$0x3F9D];
	s0 =	simm.s32 @p0 $0x1  }
0x13: {  	[smem:$0x3FB8] =	sst s0;
	s0 =	simm.s32 @!p1 $0x0  }
0x14: {  	s2 =	sld [smem:$0x3F9C];
	s0 =	simm.s32 @p1 $0x1  }
0x15: {  	[smem:$0x3FB9] =	sst s0;
	s0 =	simm.s32 @!p2 $0x0  }
0x16: {  	s3 =	sld [smem:$0x3FDB];
	s0 =	simm.s32 @p2 $0x1  }
0x17: {  	s4 =	simm.s32 $0x1BF5;
	[smem:$0x3FBB] =	sst s0  }
0x18: {  	s0 =	sld [smem:$0x3F9E];
	_ =	swait.ge [sflag:s4], $0x0  }
0x19: {  	s7 =	sld [smem:$0x3F9F]  }
0x1a: {  	s8 =	sadd.s32 $0xFFFFE003, lr  }
0x1b: {  	s9 =	sadd.s32 $0xFFFFFEF7, lr;
	s5 =	simm.s32 $0xFFFFFFFF;
	p2 =	slt.u32 s8, $0xFFFFF086  }
0x1c: {  	p1 =	slt.u32 s9, $0xF7A;
	s5 =	simm.s32 @!p2 $0x0  }
0x1d: {  	s5 =	simm.s32 @p1 $0x1;
	p0 =	seq.s32 s7, s2  }
0x1e: {  	s7 =	smul.u32 @!p0 $0xF7A, s2;
	p2 =	seq.s32 @!p0 s5, $0x0  }
0x1f: {  	s9 =	smul.u32 $0xF7A, s1;
	s8 =	simm.s32 @!p0 $0x1BF5;
	p2 =	por !p2, p0  }
0x20: {  	[sflag:s8] =	ssyncset.s32 @!p0 $0xFFFFF086;
	s6 =	sadd.s32 @!p0 s3, s7;
	s7 =	simm.s32 @!p0 $0x108  }
0x21: {  	s3 =	sadd.s32 s3, s9;
	s6 =	sadd.s32 @!p0 $0x88, s6;
	s7 =	simm.s32 @p2 $0x1082  }
0x22: {  	[simem:s7], [sflag:s8] =	dma.local @!p0 [hbm:s6], $0xF7A  }
0x23: {  	s9 =	sor.u32 $0xD0000000, s2;
	s6 =	simm.s32 $0x108;
	_ =	swait.ge @!p0 [sflag:s8], $0x0  }
0x24: {  	s3 =	sadd.s32 $0x88, s3;
	s6 =	simm.s32 @!p1 $0x1082;
	[sflag:s4] =	ssyncset.s32 $0xFFFFF086  }
0x25: {  	[simem:s6], [sflag:s4] =	dma.local [hbm:s3], $0xF7A  }
0x26: {  	[smem:$0x3F9F] =	sst s1;
	(tag) =	ssettag s2;
	_ =	strace s9  }
0x27: {  	s1 =	sld [smem:$0x3FAF]  }
0x28: {  	s2 =	sld [smem:$0x3FB0]  }
0x29: {  	s4 =	sld [smem:$0x3FB2]  }
0x2a: {  	p0 =	seq.s32 s5, $0x0;
	s5 =	sld [smem:$0x3FB3]  }
0x2b: {  	s6 =	sld [smem:$0x3FB4]  }
0x2c: {  	s7 =	sld [smem:$0x3FB5]  }
0x2d: {  	s3 =	simm.s32 $0x108;
	s8 =	sld [smem:$0x3FB6]  }
0x2e: {  	s3 =	simm.s32 @!p0 $0x1082;
	s9 =	sld [smem:$0x3FB7]  }
0x2f: {  	lr =	sadd.s32 s0, s3;
	s0 =	sld [smem:$0x3FAE]  }
0x30: {  	s3 =	sld [smem:$0x3FB1]  }
0x31: {  	[smem:$0x3FBA] =	sst s10  }
0x32: {  	s10 =	sld [smem:$0x3FB8];
	_ =	sdelay $0x3  }
0x33: {  	p0 =	seq.s32 s10, $0x1;
	s10 =	sld [smem:$0x3FBA];
	_ =	sdelay $0x3  }
0x34: {  	[smem:$0x3FBA] =	sst s10  }
0x35: {  	s10 =	sld [smem:$0x3FB9];
	_ =	sdelay $0x3  }
0x36: {  	p1 =	seq.s32 s10, $0x1;
	s10 =	sld [smem:$0x3FBA];
	_ =	sdelay $0x3  }
0x37: {  	[smem:$0x3FBA] =	sst s10  }
0x38: {  	s10 =	sld [smem:$0x3FBB]  }
0x39: {  	_ = 	snop;
	(pc) =	sbr.ind lr, $3  }
0x3a: {  	_ = 	snop  }
0x3b: {  	_ = 	snop  }
0x3c: {  	p2 =	seq.s32 s10, $0x1;
	s10 =	sld [smem:$0x3FBA]  }
0x3d: {  	_ =	shalt  }
0x3e: {  	_ =	shalt  }
0x3f: {  	_ =	shalt  }
0x40: {  	_ =	shalt  }
0x41: {  	_ =	shalt  }
0x42: {  	_ =	shalt  }
0x43: {  	_ =	shalt  }
0x44: {  	_ =	shalt  }
0x45: {  	_ =	shalt  }
0x46: {  	_ =	shalt  }
0x47: {  	_ =	shalt  }
0x48: {  	_ =	shalt  }
0x49: {  	_ =	shalt  }
0x4a: {  	_ =	shalt  }
0x4b: {  	_ =	shalt  }
0x4c: {  	_ =	shalt  }
0x4d: {  	_ =	shalt  }
0x4e: {  	_ =	shalt  }
0x4f: {  	_ =	shalt  }
0x50: {  	_ =	shalt  }
0x51: {  	_ =	shalt  }
0x52: {  	_ =	shalt  }
0x53: {  	_ =	shalt  }
0x54: {  	_ =	shalt  }
0x55: {  	_ =	shalt  }
0x56: {  	_ =	shalt  }
0x57: {  	_ =	shalt  }
0x58: {  	_ =	shalt  }
0x59: {  	_ =	shalt  }
0x5a: {  	_ =	shalt  }
0x5b: {  	_ =	shalt  }
0x5c: {  	_ =	shalt  }
0x5d: {  	_ =	shalt  }
0x5e: {  	_ =	shalt  }
0x5f: {  	_ =	shalt  }
0x60: {  	_ =	shalt  }
0x61: {  	_ =	shalt  }
0x62: {  	_ =	shalt  }
0x63: {  	_ =	shalt  }
0x64: {  	_ =	shalt  }
0x65: {  	_ =	shalt  }
0x66: {  	_ =	shalt  }
0x67: {  	_ =	shalt  }
0x68: {  	_ =	shalt  }
0x69: {  	_ =	shalt  }
0x6a: {  	_ =	shalt  }
0x6b: {  	_ =	shalt  }
0x6c: {  	_ =	shalt  }
0x6d: {  	_ =	shalt  }
0x6e: {  	_ =	shalt  }
0x6f: {  	_ =	shalt  }
0x70: {  	_ =	shalt  }
0x71: {  	_ =	shalt  }
0x72: {  	_ =	shalt  }
0x73: {  	_ =	shalt  }
0x74: {  	_ =	shalt  }
0x75: {  	_ =	shalt  }
0x76: {  	_ =	shalt  }
0x77: {  	_ =	shalt  }
0x78: {  	_ =	shalt  }
0x79: {  	_ =	shalt  }
0x7a: {  	_ =	shalt  }
0x7b: {  	_ =	shalt  }
0x7c: {  	_ =	shalt  }
0x7d: {  	_ =	shalt  }
0x7e: {  	_ =	shalt  }
0x7f: {  	_ =	shalt  }
0x80: {  	_ =	shalt  }
0x81: {  	_ =	shalt  }
0x82: {  	_ =	shalt  }
0x83: {  	_ =	shalt  }
0x84: {  	_ =	shalt  }
0x85: {  	_ =	shalt  }
0x86: {  	_ =	shalt  }
0x87: {  	_ =	shalt  }
.Lfunc_end0:
.L_simem_size_0:
called_computation.1_lowered:
.L_overlay_start_0:
0x88: {  	s2 =	sld [smem:$0x3FD9]  }
0x89: {  	s3 =	sld [smem:$0x3FFE];
	_ =	sdelay $0x1  }
0x8a: {  	s1 =	srdreg.scid  }
0x8b: {  	s0 =	sand.u32 $0x1, s1  }
0x8c: {  	s17 =	sshll.u32 s0, $0xA;
	s2 =	sadd.s32 s3, s2  }
0x8d: {  	s2 =	sadd.s32 s2, s17  }
0x8e: {  	[smem:$0x3FC6] =	sst s2  }
0x8f: {  	_ = 	snop  }
0x90: {  	s2 =	sld [smem:$0x3FD0];
	(tm) =	ssettm $0x1  }
0x91: {  	s18 =	sld [smem:$0x3FFB];
	_ =	sdelay $0x3  }
0x92: {  	_ =	strace s18  }
0x93: {  	s3 =	sld [smem:$0x3FFC];
	_ =	sdelay $0x3  }
0x94: {  	_ =	strace s3  }
0x95: {  	s3 =	sld [smem:$0x3FFD];
	_ =	sdelay $0x3  }
0x96: {  	_ =	strace s3  }
0x97: {  	_ =	strace $0x8FFFFFFF  }
0x98: {  	s19 =	sld [smem:$0x3FDB];
	_ =	sdelay $0x1  }
0x99: {  	s4 =	simm.s32 $_scs_section_size  }
0x9a: {  	s5 =	simm.s32 $_size__tile_overlayer_lowered;
	s6 =	simm.s32 $_tile_overlayer_lowered  }
0x9b: {  	s22 =	simm.s32 $0x1BFF;
	s21 =	sshll.u32 s6, $0x1;
	s3 =	sadd.s32 s4, s19  }
0x9c: {  	s7 =	simm.s32 $0x0;
	s20 =	sshll.u32 s5, $0x1;
	s5 =	sadd.s32 s21, s3  }
0x9d: {  	[timem:s7], [sflag:s22] =	dma.local [hbm:s5], s20  }
0x9e: {  	_ =	swait.ge [sflag:s22], s20  }
0x9f: {  	s4 =	ssub.s32 $0x0, s20;
	[sflag:s22] =	ssyncset.done $0x0  }
0xa0: {  	[sflag:s22] =	ssyncadd.s32 s4;
	_ =	sdelay $0x1  }
0xa1: {  	s23 =	simm.s32 $0x1B8B  }
0xa2: {  	_ =	swait.ge [sflag:s23], $0x1  }
0xa3: {  	[sflag:s23] =	ssyncset.done $0x0  }
0xa4: {  	s25 =	simm.s32 $0x1B8E;
	s24 =	sld [smem:$0x3FFE];
	[sflag:s23] =	ssyncadd.s32 $0xFFFFFFFF  }
0xa5: {  	s26 =	simm.s32 $execute0_lowered;
	[smem:$0x3FD2] =	sst s25  }
0xa6: {  	s5 =	sshll.u32 s26, $0x1;
	_ =	strace $0x80000046;
	[dreg:$0x1] =	wrdreg $0xFFFFFFFF  }
0xa7: {  	s28 =	simm.s32 $_size_execute0_lowered;
	s3 =	sadd.s32 s3, s5;
	[dreg:$0x0] =	wrdreg $0x0  }
0xa8: {  	s5 =	sshll.u32 s28, $0x1;
	[dreg:$0x2] =	wrdreg s3  }
0xa9: {  	[dreg:$0x3] =	wrdreg s5  }
0xaa: {  	[dreg:$0x4] =	wrdreg $0xC0  }
0xab: {  	_ =	task [dreg:s7], $0x5FFFF  }
0xac: {  	[dreg:$0x1] =	wrdreg $0xFFFFFFFF  }
0xad: {  	[dreg:$0x0] =	wrdreg $0x60  }
0xae: {  	[dreg:$0x2] =	wrdreg s24  }
0xaf: {  	[dreg:$0x3] =	wrdreg s2  }
0xb0: {  	[dreg:$0x4] =	wrdreg $0x9  }
0xb1: {  	_ =	task.clear_ibuf [dreg:s7], $0x5FFFF;
	_ =	strace $0x90000046  }
0xb2: {  	s29 =	simm.s32 $0x9;
	_ =	strace $0x80000048  }
0xb3: {  	_ =	swait.ge [sflag:s29], $0x1  }
0xb4: {  	[sflag:s29] =	ssyncadd.s32 $0xFFFFFFFF  }
0xb5: {  	_ =	strace $0x90000048  }
0xb6: {  	_ =	sfence  }
0xb7: {  	s30 =	sld [smem:$0x0];
	_ =	sdelay $0x2  }
0xb8: {  	s31 =	sshll.u32 s1, $0xD;
	s1 =	sshrl.u32 s1, $0x2  }
0xb9: {  	s3 =	sand.u32 $0x4000, s31;
	s1 =	sadd.s32 s1, s30  }
0xba: {  	s0 =	sor.u32 s3, s0;
	s1 =	sshll.u32 s1, $0x11  }
0xbb: {  	s0 =	sor.u32 s1, s0  }
0xbc: {  	s0 =	sadd.s32 $0x8F2B, s0  }
0xbd: {  	[sflag:s0] =	ssyncadd.remote.s32 $0x1  }
0xbe: {  	_ =	sfence.sel $0xFFFF  }
0xbf: {  	[dreg:$0x0] =	wrdreg $0xFFFFFFFF;
	(pc) =	sbr.abs _section_cstart, $3  }
0xc0: {  	[dreg:$0x1] =	wrdreg $0xFFFFFFFF  }
0xc1: {  	_ =	task.clear_ibuf [dreg:s7], $0x2FFFF;
	_ =	strace $0x9FFFFFFF  }
0xc2: {  	(tm) =	ssettm $0x7FFFFFFF  }
0xc3: {  	_ =	shalt  }
tec
execute0_lowered:
.L_overlay_start_1:
0x0: {  	(tag) =	ssettag $0x1  }
0x1: {  	s0 =	srdreg.scid  }
0x2: {  	s2 =	stileid.u32;
	s1 =	rddreg [dreg:$0x0]  }
0x3: {  	s13 =	simm.s32 $0x5;
	s14 =	simm.s32 $0x80;
	s15 =	simm.s32 $0x200  }
0x4: {  	s17 =	simm.s32 $0x100;
	s18 =	simm.s32 $0x180;
	s19 =	simm.s32 $0x4200  }
0x5: {  	s20 =	simm.s32 $0x6200;
	s21 =	simm.s32 $0x1;
	s22 =	simm.s32 $0x2  }
0x6: {  	s23 =	simm.s32 $0x3;
	s0 =	sand.u32 $0x1, s0;
	s3 =	sshll.u32 s2, $0x1  }
0x7: {  	s24 =	simm.s32 $0x4;
	s25 =	simm.s32 $0x0;
	s8 =	sor.u32 s0, s3  }
0x8: {  	s2 =	rddreg [dreg:$0x1];
	s10 =	sadd.s32 $0x1210, s1;
	s4 =	smul.u32 $0x6400, s8  }
0x9: {  	s3 =	simm.s32 $0x0;
	s0 =	ssub.s32 $0x2, s0;
	s5 =	sshll.u32 s8, $0xA  }
0xa: {  	[smem:$0x7FF] =	sst s3;
	s5 =	sand.u32 $0xC00, s5;
	s6 =	sand.u32 $0xFF000, s4  }
0xb: {  	s7 =	sshrl.u32 s0, $0x1;
	s8 =	smul.u32 $0x64, s8;
	s6 =	sor.u32 s5, s6  }
0xc: {  	s0 =	ssub.s32 s0, s7;
	s4 =	sadd.s32 $0x1200, s1;
	s9 =	sshrl.u32 s6, $0x3  }
0xd: {  	_ =	strace $0x80000047;
	s11 =	smax.u32 s0, $0x1;
	s7 =	sadd.s32 s4, s9  }
0xe: {  	s5 =	sadd.s32 $0x1A200, s1;
	s6 =	sadd.s32 $0xA00, s1;
	s9 =	sadd.s32 $0x10, s7  }
.LBB2_1:
0xf: {  	s0 =	simm.s32 $0x8200  }
0x10: {  	[tilespmem:s0], [sflag:$0x5] =	stream.linear.gather [hbm4b:s6+s3], $0x3200, $0x38;
	[tilespmem:$0xB400] =	vst v63  }
0x11: {  	_ =	swait.ge [sflag:s13], $0x3200  }
0x12: {  	[sflag:s13] =	ssyncset.done $0x0  }
0x13: {  	[sflag:s13] =	ssyncadd.s32 $0xFFFFCE00  }
0x14: {  	[tilespmem:s3], [sflag:$0x5] =	stream.linear.gather [hbm4b:s7+s3], $0x80, $0x38;
	[tilespmem:$0xB400] =	vst v63  }
0x15: {  	_ =	swait.ge [sflag:s13], $0x80  }
0x16: {  	[sflag:s13] =	ssyncset.done $0x0  }
0x17: {  	[sflag:s13] =	ssyncadd.s32 $0xFFFFFF80  }
0x18: {  	[tilespmem:s14], [sflag:$0x5] =	stream.linear.gather [hbm4b:s9+s3], $0x80, $0x38;
	[tilespmem:$0xB400] =	vst v63  }
0x19: {  	_ =	swait.ge [sflag:s13], $0x80  }
0x1a: {  	[sflag:s13] =	ssyncset.done $0x0  }
0x1b: {  	[sflag:s13] =	ssyncadd.s32 $0xFFFFFF80  }
0x1c: {  	[tilespmem:s15], [sflag:$0x1] =	stream.indirect.gather [hbm4b:s5+s14], $0x40, s3, s14, $0xb8;
	[tilespmem:$0xB400] =	vst v63  }
0x1d: {  	s31 =	simm.s32 $0x2200;
	s26 =	simm.s32 $0x0  }
0x1e: {  	[tilespmem:s31], [sflag:$0x1] =	stream.indirect.gather [hbm4b:s5+s14], $0x40, s14, s14, $0xb8;
	[tilespmem:$0xB400] =	vst v63  }
.LBB2_2:
0x1f: {  	s0 =	sshll.u32 s26, $0x1  }
0x20: {  	s1 =	sadd.s32 s8, s0  }
0x21: {  	s29 =	sshll.u32 s1, $0x8  }
0x22: {  	s31 =	sshrl.u32 s1, $0x4;
	s16 =	sand.u32 $0xE00, s29  }
0x23: {  	s12 =	sshll.u32 s31, $0xC;
	s28 =	sor.u32 $0x100, s16  }
0x24: {  	s30 =	sor.u32 s12, s28  }
0x25: {  	s30 =	sshrl.u32 s30, $0x3  }
0x26: {  	s0 =	sor.u32 s12, s16;
	s30 =	sadd.s32 s4, s30  }
0x27: {  	[tilespmem:s17], [sflag:$0x5] =	stream.linear.gather [hbm4b:s30+s3], $0x80, $0x38;
	[tilespmem:$0xB400] =	vst v63  }
0x28: {  	s0 =	sshrl.u32 s0, $0x3;
	_ =	swait.ge [sflag:s13], $0x80  }
0x29: {  	s0 =	sadd.s32 s0, s4;
	[sflag:s13] =	ssyncset.done $0x0  }
0x2a: {  	s0 =	sadd.s32 $0x30, s0;
	[sflag:s13] =	ssyncadd.s32 $0xFFFFFF80  }
0x2b: {  	[tilespmem:s18], [sflag:$0x5] =	stream.linear.gather [hbm4b:s0+s3], $0x80, $0x38;
	[tilespmem:$0xB400] =	vst v63  }
0x2c: {  	_ =	swait.ge [sflag:s13], $0x80  }
0x2d: {  	p0 =	seq.s32 s26, $0x0;
	[sflag:s13] =	ssyncset.done $0x0  }
0x2e: {  	s0 =	simm.s32 @!p0 $0x4;
	[sflag:s13] =	ssyncadd.s32 $0xFFFFFF80  }
0x2f: {  	_ =	swait.ge @!p0 [sflag:s0], $0x4000  }
0x30: {  	[sflag:s0] =	ssyncset.done @!p0 $0x0  }
0x31: {  	[sflag:s0] =	ssyncadd.s32 @!p0 $0xFFFFC000  }
0x32: {  	[tilespmem:s19], [sflag:$0x2] =	stream.indirect.gather [hbm4b:s5+s14], $0x40, s17, s14, $0xb8;
	[tilespmem:$0xB400] =	vst v63  }
0x33: {  	_ = 	snop  }
0x34: {  	[tilespmem:s20], [sflag:$0x2] =	stream.indirect.gather [hbm4b:s5+s14], $0x40, s18, s14, $0xb8;
	[tilespmem:$0xB400] =	vst v63  }
0x35: {  	_ =	swait.ge [sflag:s21], $0x2000  }
0x36: {  	[sflag:s21] =	ssyncset.done $0x0  }
0x37: {  	[sflag:s21] =	ssyncadd.s32 $0xFFFFE000  }
0x38: {  	_ =	swait.ge [sflag:s21], $0x2000  }
0x39: {  	s16 =	sshll.u32 s31, $0x6;
	[sflag:s21] =	ssyncset.done $0x0  }
0x3a: {  	s30 =	sand.u32 $0x3FFFFFC0, s16;
	[sflag:s21] =	ssyncadd.s32 $0xFFFFE000  }
0x3b: {  	v3 =	vld [tilespmem:s30+$0x8200]  }
0x3c: {  	v2 =	vld [tilespmem:s30+$0x8210]  }
0x3d: {  	v1 =	vld [tilespmem:s30+$0x8220]  }
0x3e: {  	s0 =	simm.s32 $0x0;
	v0 =	vld [tilespmem:s30+$0x8230]  }
0x3f: {  	v4 =	vld [tilespmem:s0+$0x200]  }
0x40: {  	v5 =	vld [tilespmem:s0+$0x210]  }
0x41: {  	v6 =	vld [tilespmem:s0+$0x220]  }
0x42: {  	v7 =	vld [tilespmem:s0+$0x230]  }
0x43: {  	v8 =	vld [tilespmem:s0+$0x240]  }
0x44: {  	v9 =	vld [tilespmem:s0+$0x250];
	v4 =	vadd.f32 v4, v3  }
0x45: {  	v10 =	vld [tilespmem:s0+$0x260];
	v5 =	vadd.f32 v5, v2  }
0x46: {  	v6 =	vadd.f32 v6, v1;
	[tilespmem:s0+$0x200] =	vst v4;
	v4 =	vld [tilespmem:s0+$0x270]  }
0x47: {  	v7 =	vadd.f32 v7, v0;
	[tilespmem:s0+$0x210] =	vst v5;
	v5 =	vld [tilespmem:s0+$0x280]  }
0x48: {  	v8 =	vadd.f32 v8, v3;
	[tilespmem:s0+$0x220] =	vst v6;
	v6 =	vld [tilespmem:s0+$0x290]  }
0x49: {  	v9 =	vadd.f32 v9, v2;
	[tilespmem:s0+$0x230] =	vst v7;
	v7 =	vld [tilespmem:s0+$0x2A0]  }
0x4a: {  	v10 =	vadd.f32 v10, v1;
	[tilespmem:s0+$0x240] =	vst v8;
	v8 =	vld [tilespmem:s0+$0x2B0]  }
0x4b: {  	[tilespmem:s0+$0x250] =	vst v9;
	v9 =	vld [tilespmem:s0+$0x2C0];
	v4 =	vadd.f32 v4, v0  }
0x4c: {  	[tilespmem:s0+$0x260] =	vst v10;
	v10 =	vld [tilespmem:s0+$0x2D0];
	v5 =	vadd.f32 v5, v3  }
0x4d: {  	v6 =	vadd.f32 v6, v2;
	[tilespmem:s0+$0x270] =	vst v4;
	v4 =	vld [tilespmem:s0+$0x2E0]  }
0x4e: {  	v7 =	vadd.f32 v7, v1;
	[tilespmem:s0+$0x280] =	vst v5;
	v5 =	vld [tilespmem:s0+$0x2F0]  }
0x4f: {  	v8 =	vadd.f32 v8, v0;
	[tilespmem:s0+$0x290] =	vst v6;
	v6 =	vld [tilespmem:s0+$0x300]  }
0x50: {  	v9 =	vadd.f32 v9, v3;
	[tilespmem:s0+$0x2A0] =	vst v7;
	v7 =	vld [tilespmem:s0+$0x310]  }
0x51: {  	v10 =	vadd.f32 v10, v2;
	[tilespmem:s0+$0x2B0] =	vst v8;
	v8 =	vld [tilespmem:s0+$0x320]  }
0x52: {  	[tilespmem:s0+$0x2C0] =	vst v9;
	v9 =	vld [tilespmem:s0+$0x330];
	v4 =	vadd.f32 v4, v1  }
0x53: {  	[tilespmem:s0+$0x2D0] =	vst v10;
	v10 =	vld [tilespmem:s0+$0x340];
	v5 =	vadd.f32 v5, v0  }
0x54: {  	v6 =	vadd.f32 v6, v3;
	[tilespmem:s0+$0x2E0] =	vst v4;
	v4 =	vld [tilespmem:s0+$0x350]  }
0x55: {  	v7 =	vadd.f32 v7, v2;
	[tilespmem:s0+$0x2F0] =	vst v5;
	v5 =	vld [tilespmem:s0+$0x360]  }
0x56: {  	v8 =	vadd.f32 v8, v1;
	[tilespmem:s0+$0x300] =	vst v6;
	v6 =	vld [tilespmem:s0+$0x370]  }
0x57: {  	v9 =	vadd.f32 v9, v0;
	[tilespmem:s0+$0x310] =	vst v7;
	v7 =	vld [tilespmem:s0+$0x380]  }
0x58: {  	v10 =	vadd.f32 v10, v3;
	[tilespmem:s0+$0x320] =	vst v8;
	v8 =	vld [tilespmem:s0+$0x390]  }
0x59: {  	[tilespmem:s0+$0x330] =	vst v9;
	v9 =	vld [tilespmem:s0+$0x3A0];
	v4 =	vadd.f32 v4, v2  }
0x5a: {  	[tilespmem:s0+$0x340] =	vst v10;
	v10 =	vld [tilespmem:s0+$0x3B0];
	v5 =	vadd.f32 v5, v1  }
0x5b: {  	v6 =	vadd.f32 v6, v0;
	[tilespmem:s0+$0x350] =	vst v4;
	v4 =	vld [tilespmem:s0+$0x3C0]  }
0x5c: {  	v7 =	vadd.f32 v7, v3;
	[tilespmem:s0+$0x360] =	vst v5;
	v5 =	vld [tilespmem:s0+$0x3D0]  }
0x5d: {  	v8 =	vadd.f32 v8, v2;
	[tilespmem:s0+$0x370] =	vst v6;
	v6 =	vld [tilespmem:s0+$0x3E0]  }
0x5e: {  	v9 =	vadd.f32 v9, v1;
	[tilespmem:s0+$0x380] =	vst v7;
	v7 =	vld [tilespmem:s0+$0x3F0]  }
0x5f: {  	v10 =	vadd.f32 v10, v0;
	[tilespmem:s0+$0x390] =	vst v8;
	v8 =	vld [tilespmem:s0+$0x400]  }
0x60: {  	[tilespmem:s0+$0x3A0] =	vst v9;
	v9 =	vld [tilespmem:s0+$0x410];
	v4 =	vadd.f32 v4, v3  }
0x61: {  	[tilespmem:s0+$0x3B0] =	vst v10;
	v10 =	vld [tilespmem:s0+$0x420];
	v5 =	vadd.f32 v5, v2  }
0x62: {  	v6 =	vadd.f32 v6, v1;
	[tilespmem:s0+$0x3C0] =	vst v4;
	v4 =	vld [tilespmem:s0+$0x430]  }
0x63: {  	v7 =	vadd.f32 v7, v0;
	[tilespmem:s0+$0x3D0] =	vst v5;
	v5 =	vld [tilespmem:s0+$0x440]  }
0x64: {  	v8 =	vadd.f32 v8, v3;
	[tilespmem:s0+$0x3E0] =	vst v6;
	v6 =	vld [tilespmem:s0+$0x450]  }
0x65: {  	v9 =	vadd.f32 v9, v2;
	[tilespmem:s0+$0x3F0] =	vst v7;
	v7 =	vld [tilespmem:s0+$0x460]  }
0x66: {  	v10 =	vadd.f32 v10, v1;
	[tilespmem:s0+$0x400] =	vst v8;
	v8 =	vld [tilespmem:s0+$0x470]  }
0x67: {  	[tilespmem:s0+$0x410] =	vst v9;
	v9 =	vld [tilespmem:s0+$0x480];
	v4 =	vadd.f32 v4, v0  }
0x68: {  	[tilespmem:s0+$0x420] =	vst v10;
	v10 =	vld [tilespmem:s0+$0x490];
	v5 =	vadd.f32 v5, v3  }
0x69: {  	v6 =	vadd.f32 v6, v2;
	[tilespmem:s0+$0x430] =	vst v4;
	v4 =	vld [tilespmem:s0+$0x4A0]  }
0x6a: {  	v7 =	vadd.f32 v7, v1;
	[tilespmem:s0+$0x440] =	vst v5;
	v5 =	vld [tilespmem:s0+$0x4B0]  }
0x6b: {  	v8 =	vadd.f32 v8, v0;
	[tilespmem:s0+$0x450] =	vst v6;
	v6 =	vld [tilespmem:s0+$0x4C0]  }
0x6c: {  	v9 =	vadd.f32 v9, v3;
	[tilespmem:s0+$0x460] =	vst v7;
	v7 =	vld [tilespmem:s0+$0x4D0]  }
0x6d: {  	v10 =	vadd.f32 v10, v2;
	[tilespmem:s0+$0x470] =	vst v8;
	v8 =	vld [tilespmem:s0+$0x4E0]  }
0x6e: {  	[tilespmem:s0+$0x480] =	vst v9;
	v9 =	vld [tilespmem:s0+$0x4F0];
	v4 =	vadd.f32 v4, v1  }
0x6f: {  	[tilespmem:s0+$0x490] =	vst v10;
	v10 =	vld [tilespmem:s0+$0x500];
	v5 =	vadd.f32 v5, v0  }
0x70: {  	v6 =	vadd.f32 v6, v3;
	[tilespmem:s0+$0x4A0] =	vst v4;
	v4 =	vld [tilespmem:s0+$0x510]  }
0x71: {  	v7 =	vadd.f32 v7, v2;
	[tilespmem:s0+$0x4B0] =	vst v5;
	v5 =	vld [tilespmem:s0+$0x520]  }
0x72: {  	v8 =	vadd.f32 v8, v1;
	[tilespmem:s0+$0x4C0] =	vst v6;
	v6 =	vld [tilespmem:s0+$0x530]  }
0x73: {  	v9 =	vadd.f32 v9, v0;
	[tilespmem:s0+$0x4D0] =	vst v7;
	v7 =	vld [tilespmem:s0+$0x540]  }
0x74: {  	v10 =	vadd.f32 v10, v3;
	[tilespmem:s0+$0x4E0] =	vst v8;
	v8 =	vld [tilespmem:s0+$0x550]  }
0x75: {  	[tilespmem:s0+$0x4F0] =	vst v9;
	v9 =	vld [tilespmem:s0+$0x560];
	v4 =	vadd.f32 v4, v2  }
0x76: {  	[tilespmem:s0+$0x500] =	vst v10;
	v10 =	vld [tilespmem:s0+$0x570];
	v5 =	vadd.f32 v5, v1  }
0x77: {  	v11 =	vld [tilespmem:s0+$0x580];
	[tilespmem:s0+$0x510] =	vst v4;
	v4 =	vadd.f32 v6, v0  }
0x78: {  	v12 =	vld [tilespmem:s0+$0x590];
	[tilespmem:s0+$0x520] =	vst v5;
	v6 =	vadd.f32 v7, v3  }
0x79: {  	v5 =	vld [tilespmem:s0+$0x5A0];
	v7 =	vadd.f32 v8, v2;
	[tilespmem:s0+$0x530] =	vst v4  }
0x7a: {  	v8 =	vadd.f32 v9, v1;
	[tilespmem:s0+$0x540] =	vst v6;
	v4 =	vld [tilespmem:s0+$0x5B0]  }
0x7b: {  	v9 =	vadd.f32 v10, v0;
	[tilespmem:s0+$0x550] =	vst v7;
	v6 =	vld [tilespmem:s0+$0x5C0]  }
0x7c: {  	v10 =	vadd.f32 v11, v3;
	[tilespmem:s0+$0x560] =	vst v8;
	v7 =	vld [tilespmem:s0+$0x5D0]  }
0x7d: {  	s12 =	simm.s32 $0x1000;
	[tilespmem:s0+$0x570] =	vst v9;
	v9 =	vadd.f32 v12, v2;
	v8 =	vld [tilespmem:s0+$0x5E0]  }
.LBB2_3:
0x7e: {  	s16 =	sshra.s32 s12, $0x2;
	p0 =	sne.s32 s12, $0xF000;
	[tilespmem:s0+$0x580] =	vst v10;
	v5 =	vadd.f32 v5, v1;
	v10 =	vld [tilespmem:s0+$0x5F0]  }
0x7f: {  	v11 =	vld [tilespmem:s16+$0x200];
	[tilespmem:s0+$0x590] =	vst v9;
	v4 =	vadd.f32 v4, v0  }
0x80: {  	v9 =	vld [tilespmem:s16+$0x210];
	[tilespmem:s0+$0x5A0] =	vst v5;
	v5 =	vadd.f32 v6, v3  }
0x81: {  	v6 =	vld [tilespmem:s16+$0x220];
	[tilespmem:s0+$0x5B0] =	vst v4;
	v4 =	vadd.f32 v7, v2  }
0x82: {  	v7 =	vld [tilespmem:s16+$0x230];
	[tilespmem:s0+$0x5C0] =	vst v5;
	v5 =	vadd.f32 v8, v1  }
0x83: {  	v8 =	vld [tilespmem:s16+$0x240];
	[tilespmem:s0+$0x5D0] =	vst v4;
	v4 =	vadd.f32 v10, v0  }
0x84: {  	v10 =	vadd.f32 v11, v3;
	v11 =	vld [tilespmem:s16+$0x250];
	[tilespmem:s0+$0x5E0] =	vst v5  }
0x85: {  	v5 =	vadd.f32 v9, v2;
	v9 =	vld [tilespmem:s16+$0x260];
	[tilespmem:s0+$0x5F0] =	vst v4;
	s0 =	smov.u32 s16  }
0x86: {  	[tilespmem:s0+$0x200] =	vst v10;
	v4 =	vadd.f32 v6, v1;
	v6 =	vld [tilespmem:s0+$0x270]  }
0x87: {  	[tilespmem:s0+$0x210] =	vst v5;
	v5 =	vadd.f32 v7, v0;
	v7 =	vld [tilespmem:s0+$0x280]  }
0x88: {  	[tilespmem:s0+$0x220] =	vst v4;
	v4 =	vadd.f32 v8, v3;
	v8 =	vld [tilespmem:s0+$0x290]  }
0x89: {  	[tilespmem:s0+$0x230] =	vst v5;
	v5 =	vadd.f32 v11, v2;
	v10 =	vld [tilespmem:s0+$0x2A0]  }
0x8a: {  	[tilespmem:s0+$0x240] =	vst v4;
	v4 =	vadd.f32 v9, v1;
	v9 =	vld [tilespmem:s0+$0x2B0]  }
0x8b: {  	[tilespmem:s0+$0x250] =	vst v5;
	v5 =	vadd.f32 v6, v0;
	v6 =	vld [tilespmem:s0+$0x2C0]  }
0x8c: {  	[tilespmem:s0+$0x260] =	vst v4;
	v4 =	vadd.f32 v7, v3;
	v7 =	vld [tilespmem:s0+$0x2D0]  }
0x8d: {  	[tilespmem:s0+$0x270] =	vst v5;
	v5 =	vadd.f32 v8, v2;
	v8 =	vld [tilespmem:s0+$0x2E0]  }
0x8e: {  	[tilespmem:s0+$0x280] =	vst v4;
	v4 =	vadd.f32 v10, v1;
	v10 =	vld [tilespmem:s0+$0x2F0]  }
0x8f: {  	[tilespmem:s0+$0x290] =	vst v5;
	v5 =	vadd.f32 v9, v0;
	v9 =	vld [tilespmem:s0+$0x300]  }
0x90: {  	[tilespmem:s0+$0x2A0] =	vst v4;
	v4 =	vadd.f32 v6, v3;
	v6 =	vld [tilespmem:s0+$0x310]  }
0x91: {  	[tilespmem:s0+$0x2B0] =	vst v5;
	v5 =	vadd.f32 v7, v2;
	v7 =	vld [tilespmem:s0+$0x320]  }
0x92: {  	[tilespmem:s0+$0x2C0] =	vst v4;
	v4 =	vadd.f32 v8, v1;
	v8 =	vld [tilespmem:s0+$0x330]  }
0x93: {  	[tilespmem:s0+$0x2D0] =	vst v5;
	v5 =	vadd.f32 v10, v0;
	v10 =	vld [tilespmem:s0+$0x340]  }
0x94: {  	[tilespmem:s0+$0x2E0] =	vst v4;
	v4 =	vadd.f32 v9, v3;
	v9 =	vld [tilespmem:s0+$0x350]  }
0x95: {  	[tilespmem:s0+$0x2F0] =	vst v5;
	v5 =	vadd.f32 v6, v2;
	v6 =	vld [tilespmem:s0+$0x360]  }
0x96: {  	[tilespmem:s0+$0x300] =	vst v4;
	v4 =	vadd.f32 v7, v1;
	v7 =	vld [tilespmem:s0+$0x370]  }
0x97: {  	[tilespmem:s0+$0x310] =	vst v5;
	v5 =	vadd.f32 v8, v0;
	v8 =	vld [tilespmem:s0+$0x380]  }
0x98: {  	[tilespmem:s0+$0x320] =	vst v4;
	v4 =	vadd.f32 v10, v3;
	v10 =	vld [tilespmem:s0+$0x390]  }
0x99: {  	[tilespmem:s0+$0x330] =	vst v5;
	v5 =	vadd.f32 v9, v2;
	v9 =	vld [tilespmem:s0+$0x3A0]  }
0x9a: {  	[tilespmem:s0+$0x340] =	vst v4;
	v4 =	vadd.f32 v6, v1;
	v6 =	vld [tilespmem:s0+$0x3B0]  }
0x9b: {  	[tilespmem:s0+$0x350] =	vst v5;
	v5 =	vadd.f32 v7, v0;
	v7 =	vld [tilespmem:s0+$0x3C0]  }
0x9c: {  	[tilespmem:s0+$0x360] =	vst v4;
	v4 =	vadd.f32 v8, v3;
	v8 =	vld [tilespmem:s0+$0x3D0]  }
0x9d: {  	[tilespmem:s0+$0x370] =	vst v5;
	v5 =	vadd.f32 v10, v2;
	v10 =	vld [tilespmem:s0+$0x3E0]  }
0x9e: {  	[tilespmem:s0+$0x380] =	vst v4;
	v4 =	vadd.f32 v9, v1;
	v9 =	vld [tilespmem:s0+$0x3F0]  }
0x9f: {  	[tilespmem:s0+$0x390] =	vst v5;
	v5 =	vadd.f32 v6, v0;
	v6 =	vld [tilespmem:s0+$0x400]  }
0xa0: {  	[tilespmem:s0+$0x3A0] =	vst v4;
	v4 =	vadd.f32 v7, v3;
	v7 =	vld [tilespmem:s0+$0x410]  }
0xa1: {  	[tilespmem:s0+$0x3B0] =	vst v5;
	v5 =	vadd.f32 v8, v2;
	v8 =	vld [tilespmem:s0+$0x420]  }
0xa2: {  	[tilespmem:s0+$0x3C0] =	vst v4;
	v4 =	vadd.f32 v10, v1;
	v10 =	vld [tilespmem:s0+$0x430]  }
0xa3: {  	[tilespmem:s0+$0x3D0] =	vst v5;
	v5 =	vadd.f32 v9, v0;
	v9 =	vld [tilespmem:s0+$0x440]  }
0xa4: {  	[tilespmem:s0+$0x3E0] =	vst v4;
	v4 =	vadd.f32 v6, v3;
	v6 =	vld [tilespmem:s0+$0x450]  }
0xa5: {  	[tilespmem:s0+$0x3F0] =	vst v5;
	v5 =	vadd.f32 v7, v2;
	v7 =	vld [tilespmem:s0+$0x460]  }
0xa6: {  	[tilespmem:s0+$0x400] =	vst v4;
	v4 =	vadd.f32 v8, v1;
	v8 =	vld [tilespmem:s0+$0x470]  }
0xa7: {  	[tilespmem:s0+$0x410] =	vst v5;
	v5 =	vadd.f32 v10, v0;
	v10 =	vld [tilespmem:s0+$0x480]  }
0xa8: {  	[tilespmem:s0+$0x420] =	vst v4;
	v4 =	vadd.f32 v9, v3;
	v9 =	vld [tilespmem:s0+$0x490]  }
0xa9: {  	[tilespmem:s0+$0x430] =	vst v5;
	v5 =	vadd.f32 v6, v2;
	v6 =	vld [tilespmem:s0+$0x4A0]  }
0xaa: {  	[tilespmem:s0+$0x440] =	vst v4;
	v4 =	vadd.f32 v7, v1;
	v7 =	vld [tilespmem:s0+$0x4B0]  }
0xab: {  	[tilespmem:s0+$0x450] =	vst v5;
	v5 =	vadd.f32 v8, v0;
	v8 =	vld [tilespmem:s0+$0x4C0]  }
0xac: {  	[tilespmem:s0+$0x460] =	vst v4;
	v4 =	vadd.f32 v10, v3;
	v10 =	vld [tilespmem:s0+$0x4D0]  }
0xad: {  	[tilespmem:s0+$0x470] =	vst v5;
	v5 =	vadd.f32 v9, v2;
	v9 =	vld [tilespmem:s0+$0x4E0]  }
0xae: {  	[tilespmem:s0+$0x480] =	vst v4;
	v4 =	vadd.f32 v6, v1;
	v6 =	vld [tilespmem:s0+$0x4F0]  }
0xaf: {  	[tilespmem:s0+$0x490] =	vst v5;
	v5 =	vadd.f32 v7, v0;
	v7 =	vld [tilespmem:s0+$0x500]  }
0xb0: {  	[tilespmem:s0+$0x4A0] =	vst v4;
	v4 =	vadd.f32 v8, v3;
	v8 =	vld [tilespmem:s0+$0x510]  }
0xb1: {  	[tilespmem:s0+$0x4B0] =	vst v5;
	v5 =	vadd.f32 v10, v2;
	v10 =	vld [tilespmem:s0+$0x520]  }
0xb2: {  	[tilespmem:s0+$0x4C0] =	vst v4;
	v4 =	vadd.f32 v9, v1;
	v9 =	vld [tilespmem:s0+$0x530]  }
0xb3: {  	[tilespmem:s0+$0x4D0] =	vst v5;
	v5 =	vadd.f32 v6, v0;
	v6 =	vld [tilespmem:s0+$0x540]  }
0xb4: {  	[tilespmem:s0+$0x4E0] =	vst v4;
	v4 =	vadd.f32 v7, v3;
	v7 =	vld [tilespmem:s0+$0x550]  }
0xb5: {  	[tilespmem:s0+$0x4F0] =	vst v5;
	v5 =	vadd.f32 v8, v2;
	v8 =	vld [tilespmem:s0+$0x560]  }
0xb6: {  	[tilespmem:s0+$0x500] =	vst v4;
	v4 =	vadd.f32 v10, v1;
	v10 =	vld [tilespmem:s0+$0x570]  }
0xb7: {  	[tilespmem:s0+$0x510] =	vst v5;
	v5 =	vadd.f32 v9, v0;
	v9 =	vld [tilespmem:s0+$0x580]  }
0xb8: {  	[tilespmem:s0+$0x520] =	vst v4;
	v4 =	vadd.f32 v6, v3;
	v11 =	vld [tilespmem:s0+$0x590]  }
.Ltmp0:
0xb9: {  	[tilespmem:s0+$0x530] =	vst v5;
	v6 =	vadd.f32 v7, v2;
	v5 =	vld [tilespmem:s0+$0x5A0];
	(pc) =	sbr.rel @p0 .LBB2_3-.Ltmp0, $4  }
0xba: {  	[tilespmem:s0+$0x540] =	vst v4;
	v7 =	vadd.f32 v8, v1;
	v4 =	vld [tilespmem:s0+$0x5B0]  }
0xbb: {  	[tilespmem:s0+$0x550] =	vst v6;
	v8 =	vadd.f32 v10, v0;
	v6 =	vld [tilespmem:s0+$0x5C0]  }
0xbc: {  	[tilespmem:s0+$0x560] =	vst v7;
	v10 =	vadd.f32 v9, v3;
	v7 =	vld [tilespmem:s0+$0x5D0]  }
0xbd: {  	s12 =	sadd.s32 $0x1000, s12;
	[tilespmem:s0+$0x570] =	vst v8;
	v9 =	vadd.f32 v11, v2;
	v8 =	vld [tilespmem:s0+$0x5E0]  }
0xbe: {  	[tilespmem:s0+$0x580] =	vst v10;
	v5 =	vadd.f32 v5, v1;
	v10 =	vld [tilespmem:s0+$0x5F0]  }
0xbf: {  	[tilespmem:s0+$0x590] =	vst v9;
	v4 =	vadd.f32 v4, v0  }
0xc0: {  	[tilespmem:s0+$0x5A0] =	vst v5;
	v3 =	vadd.f32 v6, v3  }
0xc1: {  	[tilespmem:s0+$0x5B0] =	vst v4;
	v2 =	vadd.f32 v7, v2  }
0xc2: {  	s1 =	sshll.u32 s1, $0xB;
	[tilespmem:s0+$0x5C0] =	vst v3;
	v1 =	vadd.f32 v8, v1  }
0xc3: {  	s1 =	sand.u32 $0x7000, s1;
	[tilespmem:s0+$0x5D0] =	vst v2;
	v0 =	vadd.f32 v10, v0  }
0xc4: {  	s31 =	sshll.u32 s31, $0xF;
	p0 =	seq.s32 s26, $0x31;
	s1 =	sadd.s32 s2, s1;
	[tilespmem:s0+$0x5E0] =	vst v1  }
0xc5: {  	s16 =	sadd.s32 s31, s1;
	[tilespmem:s0+$0x5F0] =	vst v0;
	s0 =	sshrl.u32 @!p0 s29, $0x3  }
0xc6: {  	[hbm4b:s16+s3] =	stream.linear.scatter [tilespmem:s15], [sflag:$0x3], $0x4000, $0x38;
	[tilespmem:$0xB400] =	vst v63  }
0xc7: {  	s0 =	sadd.s32 @!p0 $0x40, s0  }
0xc8: {  	s12 =	simm.s32 @!p0 $0x0;
	s1 =	sadd.s32 @!p0 s4, s0  }
0xc9: {  	[tilespmem:s12], [sflag:$0x5] =	stream.linear.gather @!p0 [hbm4b:s1+s12], $0x80, $0x38;
	[tilespmem:$0xB400] =	vst v63  }
0xca: {  	s1 =	simm.s32 @!p0 $0x5  }
0xcb: {  	_ =	swait.ge @!p0 [sflag:s1], $0x80  }
0xcc: {  	[sflag:s1] =	ssyncset.done @!p0 $0x0  }
0xcd: {  	s16 =	simm.s32 @!p0 $0x80;
	s0 =	sadd.s32 @!p0 s0, s10;
	[sflag:s1] =	ssyncadd.s32 @!p0 $0xFFFFFF80  }
0xce: {  	[tilespmem:s16], [sflag:$0x5] =	stream.linear.gather @!p0 [hbm4b:s0+s12], $0x80, $0x38;
	[tilespmem:$0xB400] =	vst v63  }
0xcf: {  	_ =	swait.ge @!p0 [sflag:s1], $0x80  }
0xd0: {  	[sflag:s1] =	ssyncset.done @!p0 $0x0  }
0xd1: {  	s0 =	simm.s32 @!p0 $0x3;
	[sflag:s1] =	ssyncadd.s32 @!p0 $0xFFFFFF80  }
0xd2: {  	_ =	swait.ge @!p0 [sflag:s0], $0x4000  }
0xd3: {  	[sflag:s0] =	ssyncset.done @!p0 $0x0  }
0xd4: {  	[sflag:s0] =	ssyncadd.s32 @!p0 $0xFFFFC000;
	s0 =	simm.s32 @!p0 $0x200  }
0xd5: {  	[tilespmem:s0], [sflag:$0x1] =	stream.indirect.gather @!p0 [hbm4b:s5+s16], $0x40, s12, s16, $0xb8;
	[tilespmem:$0xB400] =	vst v63  }
0xd6: {  	s0 =	simm.s32 @!p0 $0x2200  }
0xd7: {  	[tilespmem:s0], [sflag:$0x1] =	stream.indirect.gather @!p0 [hbm4b:s5+s16], $0x40, s16, s16, $0xb8;
	[tilespmem:$0xB400] =	vst v63  }
0xd8: {  	_ =	swait.ge [sflag:s22], $0x2000  }
0xd9: {  	[sflag:s22] =	ssyncset.done $0x0  }
0xda: {  	[sflag:s22] =	ssyncadd.s32 $0xFFFFE000  }
0xdb: {  	_ =	swait.ge [sflag:s22], $0x2000  }
0xdc: {  	[sflag:s22] =	ssyncset.done $0x0  }
0xdd: {  	[sflag:s22] =	ssyncadd.s32 $0xFFFFE000  }
0xde: {  	v3 =	vld [tilespmem:s30+$0x8200]  }
0xdf: {  	v2 =	vld [tilespmem:s30+$0x8210]  }
0xe0: {  	v1 =	vld [tilespmem:s30+$0x8220]  }
0xe1: {  	s0 =	simm.s32 $0x0;
	v0 =	vld [tilespmem:s30+$0x8230]  }
0xe2: {  	v4 =	vld [tilespmem:s0+$0x4200]  }
0xe3: {  	v5 =	vld [tilespmem:s0+$0x4210]  }
0xe4: {  	v6 =	vld [tilespmem:s0+$0x4220]  }
0xe5: {  	v7 =	vld [tilespmem:s0+$0x4230]  }
0xe6: {  	v8 =	vld [tilespmem:s0+$0x4240]  }
0xe7: {  	v9 =	vld [tilespmem:s0+$0x4250];
	v4 =	vadd.f32 v4, v3  }
0xe8: {  	v10 =	vld [tilespmem:s0+$0x4260];
	v5 =	vadd.f32 v5, v2  }
0xe9: {  	v6 =	vadd.f32 v6, v1;
	[tilespmem:s0+$0x4200] =	vst v4;
	v4 =	vld [tilespmem:s0+$0x4270]  }
0xea: {  	v7 =	vadd.f32 v7, v0;
	[tilespmem:s0+$0x4210] =	vst v5;
	v5 =	vld [tilespmem:s0+$0x4280]  }
0xeb: {  	v8 =	vadd.f32 v8, v3;
	[tilespmem:s0+$0x4220] =	vst v6;
	v6 =	vld [tilespmem:s0+$0x4290]  }
0xec: {  	v9 =	vadd.f32 v9, v2;
	[tilespmem:s0+$0x4230] =	vst v7;
	v7 =	vld [tilespmem:s0+$0x42A0]  }
0xed: {  	v10 =	vadd.f32 v10, v1;
	[tilespmem:s0+$0x4240] =	vst v8;
	v8 =	vld [tilespmem:s0+$0x42B0]  }
0xee: {  	[tilespmem:s0+$0x4250] =	vst v9;
	v9 =	vld [tilespmem:s0+$0x42C0];
	v4 =	vadd.f32 v4, v0  }
0xef: {  	[tilespmem:s0+$0x4260] =	vst v10;
	v10 =	vld [tilespmem:s0+$0x42D0];
	v5 =	vadd.f32 v5, v3  }
0xf0: {  	v6 =	vadd.f32 v6, v2;
	[tilespmem:s0+$0x4270] =	vst v4;
	v4 =	vld [tilespmem:s0+$0x42E0]  }
0xf1: {  	v7 =	vadd.f32 v7, v1;
	[tilespmem:s0+$0x4280] =	vst v5;
	v5 =	vld [tilespmem:s0+$0x42F0]  }
0xf2: {  	v8 =	vadd.f32 v8, v0;
	[tilespmem:s0+$0x4290] =	vst v6;
	v6 =	vld [tilespmem:s0+$0x4300]  }
0xf3: {  	v9 =	vadd.f32 v9, v3;
	[tilespmem:s0+$0x42A0] =	vst v7;
	v7 =	vld [tilespmem:s0+$0x4310]  }
0xf4: {  	v10 =	vadd.f32 v10, v2;
	[tilespmem:s0+$0x42B0] =	vst v8;
	v8 =	vld [tilespmem:s0+$0x4320]  }
0xf5: {  	[tilespmem:s0+$0x42C0] =	vst v9;
	v9 =	vld [tilespmem:s0+$0x4330];
	v4 =	vadd.f32 v4, v1  }
0xf6: {  	[tilespmem:s0+$0x42D0] =	vst v10;
	v10 =	vld [tilespmem:s0+$0x4340];
	v5 =	vadd.f32 v5, v0  }
0xf7: {  	v6 =	vadd.f32 v6, v3;
	[tilespmem:s0+$0x42E0] =	vst v4;
	v4 =	vld [tilespmem:s0+$0x4350]  }
0xf8: {  	v7 =	vadd.f32 v7, v2;
	[tilespmem:s0+$0x42F0] =	vst v5;
	v5 =	vld [tilespmem:s0+$0x4360]  }
0xf9: {  	v8 =	vadd.f32 v8, v1;
	[tilespmem:s0+$0x4300] =	vst v6;
	v6 =	vld [tilespmem:s0+$0x4370]  }
0xfa: {  	v9 =	vadd.f32 v9, v0;
	[tilespmem:s0+$0x4310] =	vst v7;
	v7 =	vld [tilespmem:s0+$0x4380]  }
0xfb: {  	v10 =	vadd.f32 v10, v3;
	[tilespmem:s0+$0x4320] =	vst v8;
	v8 =	vld [tilespmem:s0+$0x4390]  }
0xfc: {  	[tilespmem:s0+$0x4330] =	vst v9;
	v9 =	vld [tilespmem:s0+$0x43A0];
	v4 =	vadd.f32 v4, v2  }
0xfd: {  	[tilespmem:s0+$0x4340] =	vst v10;
	v10 =	vld [tilespmem:s0+$0x43B0];
	v5 =	vadd.f32 v5, v1  }
0xfe: {  	v6 =	vadd.f32 v6, v0;
	[tilespmem:s0+$0x4350] =	vst v4;
	v4 =	vld [tilespmem:s0+$0x43C0]  }
0xff: {  	v7 =	vadd.f32 v7, v3;
	[tilespmem:s0+$0x4360] =	vst v5;
	v5 =	vld [tilespmem:s0+$0x43D0]  }
0x100: {  	v8 =	vadd.f32 v8, v2;
	[tilespmem:s0+$0x4370] =	vst v6;
	v6 =	vld [tilespmem:s0+$0x43E0]  }
0x101: {  	v9 =	vadd.f32 v9, v1;
	[tilespmem:s0+$0x4380] =	vst v7;
	v7 =	vld [tilespmem:s0+$0x43F0]  }
0x102: {  	v10 =	vadd.f32 v10, v0;
	[tilespmem:s0+$0x4390] =	vst v8;
	v8 =	vld [tilespmem:s0+$0x4400]  }
0x103: {  	[tilespmem:s0+$0x43A0] =	vst v9;
	v9 =	vld [tilespmem:s0+$0x4410];
	v4 =	vadd.f32 v4, v3  }
0x104: {  	[tilespmem:s0+$0x43B0] =	vst v10;
	v10 =	vld [tilespmem:s0+$0x4420];
	v5 =	vadd.f32 v5, v2  }
0x105: {  	v6 =	vadd.f32 v6, v1;
	[tilespmem:s0+$0x43C0] =	vst v4;
	v4 =	vld [tilespmem:s0+$0x4430]  }
0x106: {  	v7 =	vadd.f32 v7, v0;
	[tilespmem:s0+$0x43D0] =	vst v5;
	v5 =	vld [tilespmem:s0+$0x4440]  }
0x107: {  	v8 =	vadd.f32 v8, v3;
	[tilespmem:s0+$0x43E0] =	vst v6;
	v6 =	vld [tilespmem:s0+$0x4450]  }
0x108: {  	v9 =	vadd.f32 v9, v2;
	[tilespmem:s0+$0x43F0] =	vst v7;
	v7 =	vld [tilespmem:s0+$0x4460]  }
0x109: {  	v10 =	vadd.f32 v10, v1;
	[tilespmem:s0+$0x4400] =	vst v8;
	v8 =	vld [tilespmem:s0+$0x4470]  }
0x10a: {  	[tilespmem:s0+$0x4410] =	vst v9;
	v9 =	vld [tilespmem:s0+$0x4480];
	v4 =	vadd.f32 v4, v0  }
0x10b: {  	[tilespmem:s0+$0x4420] =	vst v10;
	v10 =	vld [tilespmem:s0+$0x4490];
	v5 =	vadd.f32 v5, v3  }
0x10c: {  	v6 =	vadd.f32 v6, v2;
	[tilespmem:s0+$0x4430] =	vst v4;
	v4 =	vld [tilespmem:s0+$0x44A0]  }
0x10d: {  	v7 =	vadd.f32 v7, v1;
	[tilespmem:s0+$0x4440] =	vst v5;
	v5 =	vld [tilespmem:s0+$0x44B0]  }
0x10e: {  	v8 =	vadd.f32 v8, v0;
	[tilespmem:s0+$0x4450] =	vst v6;
	v6 =	vld [tilespmem:s0+$0x44C0]  }
0x10f: {  	v9 =	vadd.f32 v9, v3;
	[tilespmem:s0+$0x4460] =	vst v7;
	v7 =	vld [tilespmem:s0+$0x44D0]  }
0x110: {  	v10 =	vadd.f32 v10, v2;
	[tilespmem:s0+$0x4470] =	vst v8;
	v8 =	vld [tilespmem:s0+$0x44E0]  }
0x111: {  	[tilespmem:s0+$0x4480] =	vst v9;
	v9 =	vld [tilespmem:s0+$0x44F0];
	v4 =	vadd.f32 v4, v1  }
0x112: {  	[tilespmem:s0+$0x4490] =	vst v10;
	v10 =	vld [tilespmem:s0+$0x4500];
	v5 =	vadd.f32 v5, v0  }
0x113: {  	v6 =	vadd.f32 v6, v3;
	[tilespmem:s0+$0x44A0] =	vst v4;
	v4 =	vld [tilespmem:s0+$0x4510]  }
0x114: {  	v7 =	vadd.f32 v7, v2;
	[tilespmem:s0+$0x44B0] =	vst v5;
	v5 =	vld [tilespmem:s0+$0x4520]  }
0x115: {  	v8 =	vadd.f32 v8, v1;
	[tilespmem:s0+$0x44C0] =	vst v6;
	v6 =	vld [tilespmem:s0+$0x4530]  }
0x116: {  	v9 =	vadd.f32 v9, v0;
	[tilespmem:s0+$0x44D0] =	vst v7;
	v7 =	vld [tilespmem:s0+$0x4540]  }
0x117: {  	v10 =	vadd.f32 v10, v3;
	[tilespmem:s0+$0x44E0] =	vst v8;
	v8 =	vld [tilespmem:s0+$0x4550]  }
0x118: {  	[tilespmem:s0+$0x44F0] =	vst v9;
	v9 =	vld [tilespmem:s0+$0x4560];
	v4 =	vadd.f32 v4, v2  }
0x119: {  	[tilespmem:s0+$0x4500] =	vst v10;
	v10 =	vld [tilespmem:s0+$0x4570];
	v5 =	vadd.f32 v5, v1  }
0x11a: {  	v11 =	vld [tilespmem:s0+$0x4580];
	[tilespmem:s0+$0x4510] =	vst v4;
	v4 =	vadd.f32 v6, v0  }
0x11b: {  	v12 =	vld [tilespmem:s0+$0x4590];
	[tilespmem:s0+$0x4520] =	vst v5;
	v6 =	vadd.f32 v7, v3  }
0x11c: {  	v5 =	vld [tilespmem:s0+$0x45A0];
	v7 =	vadd.f32 v8, v2;
	[tilespmem:s0+$0x4530] =	vst v4  }
0x11d: {  	v8 =	vadd.f32 v9, v1;
	[tilespmem:s0+$0x4540] =	vst v6;
	v4 =	vld [tilespmem:s0+$0x45B0]  }
0x11e: {  	v9 =	vadd.f32 v10, v0;
	[tilespmem:s0+$0x4550] =	vst v7;
	v6 =	vld [tilespmem:s0+$0x45C0]  }
0x11f: {  	v10 =	vadd.f32 v11, v3;
	[tilespmem:s0+$0x4560] =	vst v8;
	v7 =	vld [tilespmem:s0+$0x45D0]  }
0x120: {  	s1 =	simm.s32 $0x1000;
	[tilespmem:s0+$0x4570] =	vst v9;
	v9 =	vadd.f32 v12, v2;
	v8 =	vld [tilespmem:s0+$0x45E0]  }
.LBB2_5:
0x121: {  	s12 =	sshra.s32 s1, $0x2;
	p0 =	sne.s32 s1, $0xF000;
	[tilespmem:s0+$0x4580] =	vst v10;
	v5 =	vadd.f32 v5, v1;
	v10 =	vld [tilespmem:s0+$0x45F0]  }
0x122: {  	v11 =	vld [tilespmem:s12+$0x4200];
	[tilespmem:s0+$0x4590] =	vst v9;
	v4 =	vadd.f32 v4, v0  }
0x123: {  	v9 =	vld [tilespmem:s12+$0x4210];
	[tilespmem:s0+$0x45A0] =	vst v5;
	v5 =	vadd.f32 v6, v3  }
0x124: {  	v6 =	vld [tilespmem:s12+$0x4220];
	[tilespmem:s0+$0x45B0] =	vst v4;
	v4 =	vadd.f32 v7, v2  }
0x125: {  	v7 =	vld [tilespmem:s12+$0x4230];
	[tilespmem:s0+$0x45C0] =	vst v5;
	v5 =	vadd.f32 v8, v1  }
0x126: {  	v8 =	vld [tilespmem:s12+$0x4240];
	[tilespmem:s0+$0x45D0] =	vst v4;
	v4 =	vadd.f32 v10, v0  }
0x127: {  	v10 =	vadd.f32 v11, v3;
	v11 =	vld [tilespmem:s12+$0x4250];
	[tilespmem:s0+$0x45E0] =	vst v5  }
0x128: {  	v5 =	vadd.f32 v9, v2;
	v9 =	vld [tilespmem:s12+$0x4260];
	[tilespmem:s0+$0x45F0] =	vst v4;
	s0 =	smov.u32 s12  }
0x129: {  	[tilespmem:s0+$0x4200] =	vst v10;
	v4 =	vadd.f32 v6, v1;
	v6 =	vld [tilespmem:s0+$0x4270]  }
0x12a: {  	[tilespmem:s0+$0x4210] =	vst v5;
	v5 =	vadd.f32 v7, v0;
	v7 =	vld [tilespmem:s0+$0x4280]  }
0x12b: {  	[tilespmem:s0+$0x4220] =	vst v4;
	v4 =	vadd.f32 v8, v3;
	v8 =	vld [tilespmem:s0+$0x4290]  }
0x12c: {  	[tilespmem:s0+$0x4230] =	vst v5;
	v5 =	vadd.f32 v11, v2;
	v10 =	vld [tilespmem:s0+$0x42A0]  }
0x12d: {  	[tilespmem:s0+$0x4240] =	vst v4;
	v4 =	vadd.f32 v9, v1;
	v9 =	vld [tilespmem:s0+$0x42B0]  }
0x12e: {  	[tilespmem:s0+$0x4250] =	vst v5;
	v5 =	vadd.f32 v6, v0;
	v6 =	vld [tilespmem:s0+$0x42C0]  }
0x12f: {  	[tilespmem:s0+$0x4260] =	vst v4;
	v4 =	vadd.f32 v7, v3;
	v7 =	vld [tilespmem:s0+$0x42D0]  }
0x130: {  	[tilespmem:s0+$0x4270] =	vst v5;
	v5 =	vadd.f32 v8, v2;
	v8 =	vld [tilespmem:s0+$0x42E0]  }
0x131: {  	[tilespmem:s0+$0x4280] =	vst v4;
	v4 =	vadd.f32 v10, v1;
	v10 =	vld [tilespmem:s0+$0x42F0]  }
0x132: {  	[tilespmem:s0+$0x4290] =	vst v5;
	v5 =	vadd.f32 v9, v0;
	v9 =	vld [tilespmem:s0+$0x4300]  }
0x133: {  	[tilespmem:s0+$0x42A0] =	vst v4;
	v4 =	vadd.f32 v6, v3;
	v6 =	vld [tilespmem:s0+$0x4310]  }
0x134: {  	[tilespmem:s0+$0x42B0] =	vst v5;
	v5 =	vadd.f32 v7, v2;
	v7 =	vld [tilespmem:s0+$0x4320]  }
0x135: {  	[tilespmem:s0+$0x42C0] =	vst v4;
	v4 =	vadd.f32 v8, v1;
	v8 =	vld [tilespmem:s0+$0x4330]  }
0x136: {  	[tilespmem:s0+$0x42D0] =	vst v5;
	v5 =	vadd.f32 v10, v0;
	v10 =	vld [tilespmem:s0+$0x4340]  }
0x137: {  	[tilespmem:s0+$0x42E0] =	vst v4;
	v4 =	vadd.f32 v9, v3;
	v9 =	vld [tilespmem:s0+$0x4350]  }
0x138: {  	[tilespmem:s0+$0x42F0] =	vst v5;
	v5 =	vadd.f32 v6, v2;
	v6 =	vld [tilespmem:s0+$0x4360]  }
0x139: {  	[tilespmem:s0+$0x4300] =	vst v4;
	v4 =	vadd.f32 v7, v1;
	v7 =	vld [tilespmem:s0+$0x4370]  }
0x13a: {  	[tilespmem:s0+$0x4310] =	vst v5;
	v5 =	vadd.f32 v8, v0;
	v8 =	vld [tilespmem:s0+$0x4380]  }
0x13b: {  	[tilespmem:s0+$0x4320] =	vst v4;
	v4 =	vadd.f32 v10, v3;
	v10 =	vld [tilespmem:s0+$0x4390]  }
0x13c: {  	[tilespmem:s0+$0x4330] =	vst v5;
	v5 =	vadd.f32 v9, v2;
	v9 =	vld [tilespmem:s0+$0x43A0]  }
0x13d: {  	[tilespmem:s0+$0x4340] =	vst v4;
	v4 =	vadd.f32 v6, v1;
	v6 =	vld [tilespmem:s0+$0x43B0]  }
0x13e: {  	[tilespmem:s0+$0x4350] =	vst v5;
	v5 =	vadd.f32 v7, v0;
	v7 =	vld [tilespmem:s0+$0x43C0]  }
0x13f: {  	[tilespmem:s0+$0x4360] =	vst v4;
	v4 =	vadd.f32 v8, v3;
	v8 =	vld [tilespmem:s0+$0x43D0]  }
0x140: {  	[tilespmem:s0+$0x4370] =	vst v5;
	v5 =	vadd.f32 v10, v2;
	v10 =	vld [tilespmem:s0+$0x43E0]  }
0x141: {  	[tilespmem:s0+$0x4380] =	vst v4;
	v4 =	vadd.f32 v9, v1;
	v9 =	vld [tilespmem:s0+$0x43F0]  }
0x142: {  	[tilespmem:s0+$0x4390] =	vst v5;
	v5 =	vadd.f32 v6, v0;
	v6 =	vld [tilespmem:s0+$0x4400]  }
0x143: {  	[tilespmem:s0+$0x43A0] =	vst v4;
	v4 =	vadd.f32 v7, v3;
	v7 =	vld [tilespmem:s0+$0x4410]  }
0x144: {  	[tilespmem:s0+$0x43B0] =	vst v5;
	v5 =	vadd.f32 v8, v2;
	v8 =	vld [tilespmem:s0+$0x4420]  }
0x145: {  	[tilespmem:s0+$0x43C0] =	vst v4;
	v4 =	vadd.f32 v10, v1;
	v10 =	vld [tilespmem:s0+$0x4430]  }
0x146: {  	[tilespmem:s0+$0x43D0] =	vst v5;
	v5 =	vadd.f32 v9, v0;
	v9 =	vld [tilespmem:s0+$0x4440]  }
0x147: {  	[tilespmem:s0+$0x43E0] =	vst v4;
	v4 =	vadd.f32 v6, v3;
	v6 =	vld [tilespmem:s0+$0x4450]  }
0x148: {  	[tilespmem:s0+$0x43F0] =	vst v5;
	v5 =	vadd.f32 v7, v2;
	v7 =	vld [tilespmem:s0+$0x4460]  }
0x149: {  	[tilespmem:s0+$0x4400] =	vst v4;
	v4 =	vadd.f32 v8, v1;
	v8 =	vld [tilespmem:s0+$0x4470]  }
0x14a: {  	[tilespmem:s0+$0x4410] =	vst v5;
	v5 =	vadd.f32 v10, v0;
	v10 =	vld [tilespmem:s0+$0x4480]  }
0x14b: {  	[tilespmem:s0+$0x4420] =	vst v4;
	v4 =	vadd.f32 v9, v3;
	v9 =	vld [tilespmem:s0+$0x4490]  }
0x14c: {  	[tilespmem:s0+$0x4430] =	vst v5;
	v5 =	vadd.f32 v6, v2;
	v6 =	vld [tilespmem:s0+$0x44A0]  }
0x14d: {  	[tilespmem:s0+$0x4440] =	vst v4;
	v4 =	vadd.f32 v7, v1;
	v7 =	vld [tilespmem:s0+$0x44B0]  }
0x14e: {  	[tilespmem:s0+$0x4450] =	vst v5;
	v5 =	vadd.f32 v8, v0;
	v8 =	vld [tilespmem:s0+$0x44C0]  }
0x14f: {  	[tilespmem:s0+$0x4460] =	vst v4;
	v4 =	vadd.f32 v10, v3;
	v10 =	vld [tilespmem:s0+$0x44D0]  }
0x150: {  	[tilespmem:s0+$0x4470] =	vst v5;
	v5 =	vadd.f32 v9, v2;
	v9 =	vld [tilespmem:s0+$0x44E0]  }
0x151: {  	[tilespmem:s0+$0x4480] =	vst v4;
	v4 =	vadd.f32 v6, v1;
	v6 =	vld [tilespmem:s0+$0x44F0]  }
0x152: {  	[tilespmem:s0+$0x4490] =	vst v5;
	v5 =	vadd.f32 v7, v0;
	v7 =	vld [tilespmem:s0+$0x4500]  }
0x153: {  	[tilespmem:s0+$0x44A0] =	vst v4;
	v4 =	vadd.f32 v8, v3;
	v8 =	vld [tilespmem:s0+$0x4510]  }
0x154: {  	[tilespmem:s0+$0x44B0] =	vst v5;
	v5 =	vadd.f32 v10, v2;
	v10 =	vld [tilespmem:s0+$0x4520]  }
0x155: {  	[tilespmem:s0+$0x44C0] =	vst v4;
	v4 =	vadd.f32 v9, v1;
	v9 =	vld [tilespmem:s0+$0x4530]  }
0x156: {  	[tilespmem:s0+$0x44D0] =	vst v5;
	v5 =	vadd.f32 v6, v0;
	v6 =	vld [tilespmem:s0+$0x4540]  }
0x157: {  	[tilespmem:s0+$0x44E0] =	vst v4;
	v4 =	vadd.f32 v7, v3;
	v7 =	vld [tilespmem:s0+$0x4550]  }
0x158: {  	[tilespmem:s0+$0x44F0] =	vst v5;
	v5 =	vadd.f32 v8, v2;
	v8 =	vld [tilespmem:s0+$0x4560]  }
0x159: {  	[tilespmem:s0+$0x4500] =	vst v4;
	v4 =	vadd.f32 v10, v1;
	v10 =	vld [tilespmem:s0+$0x4570]  }
0x15a: {  	[tilespmem:s0+$0x4510] =	vst v5;
	v5 =	vadd.f32 v9, v0;
	v9 =	vld [tilespmem:s0+$0x4580]  }
0x15b: {  	[tilespmem:s0+$0x4520] =	vst v4;
	v4 =	vadd.f32 v6, v3;
	v11 =	vld [tilespmem:s0+$0x4590]  }
.Ltmp1:
0x15c: {  	[tilespmem:s0+$0x4530] =	vst v5;
	v6 =	vadd.f32 v7, v2;
	v5 =	vld [tilespmem:s0+$0x45A0];
	(pc) =	sbr.rel @p0 .LBB2_5-.Ltmp1, $4  }
0x15d: {  	[tilespmem:s0+$0x4540] =	vst v4;
	v7 =	vadd.f32 v8, v1;
	v4 =	vld [tilespmem:s0+$0x45B0]  }
0x15e: {  	[tilespmem:s0+$0x4550] =	vst v6;
	v8 =	vadd.f32 v10, v0;
	v6 =	vld [tilespmem:s0+$0x45C0]  }
0x15f: {  	[tilespmem:s0+$0x4560] =	vst v7;
	v10 =	vadd.f32 v9, v3;
	v7 =	vld [tilespmem:s0+$0x45D0]  }
0x160: {  	s1 =	sadd.s32 $0x1000, s1;
	[tilespmem:s0+$0x4570] =	vst v8;
	v9 =	vadd.f32 v11, v2;
	v8 =	vld [tilespmem:s0+$0x45E0]  }
0x161: {  	[tilespmem:s0+$0x4580] =	vst v10;
	v5 =	vadd.f32 v5, v1;
	v61 =	vld [tilespmem:s0+$0x45F0]  }
0x162: {  	[tilespmem:s0+$0x4590] =	vst v9;
	v4 =	vadd.f32 v4, v0  }
0x163: {  	s26 =	sadd.s32 $0x1, s26;
	[tilespmem:s0+$0x45A0] =	vst v5;
	v3 =	vadd.f32 v6, v3  }
0x164: {  	p0 =	sne.s32 s26, $0x32;
	[tilespmem:s0+$0x45B0] =	vst v4;
	v2 =	vadd.f32 v7, v2  }
.Ltmp2:
0x165: {  	[tilespmem:s0+$0x45C0] =	vst v3;
	v62 =	vadd.f32 v8, v1;
	(pc) =	sbr.rel @p0 .LBB2_2-.Ltmp2, $4  }
0x166: {  	[tilespmem:s0+$0x45D0] =	vst v2;
	v63 =	vadd.f32 v61, v0  }
0x167: {  	s1 =	sshll.u32 s28, $0x3;
	s12 =	sadd.s32 s2, s31;
	[tilespmem:s0+$0x45E0] =	vst v62  }
0x168: {  	s31 =	sadd.s32 s1, s12;
	[tilespmem:s0+$0x45F0] =	vst v63  }
0x169: {  	[hbm4b:s31+s3] =	stream.linear.scatter [tilespmem:s19], [sflag:$0x4], $0x4000, $0x38;
	[tilespmem:$0xB400] =	vst v63  }
0x16a: {  	s25 =	sadd.s32 $0x1, s25  }
0x16b: {  	_ =	swait.ge [sflag:s23], $0x4000;
	p0 =	sne.s32 s25, s11  }
.Ltmp3:
0x16c: {  	[sflag:s23] =	ssyncset.done $0x0;
	(pc) =	sbr.rel @p0 .LBB2_1-.Ltmp3, $4  }
0x16d: {  	[sflag:s23] =	ssyncadd.s32 $0xFFFFC000  }
0x16e: {  	_ =	swait.ge [sflag:s24], $0x4000  }
0x16f: {  	[sflag:s24] =	ssyncset.done $0x0  }
0x170: {  	[sflag:s24] =	ssyncadd.s32 $0xFFFFC000  }
0x171: {  	_ =	sfence.sel $0x180000  }
0x172: {  	[bflag:$0x0] =	sbarrier.arrive $0xFFFF  }
0x173: {  	_ =	strace $0x90000047  }
0x174: {  	s0 =	stileid.u32;
	[bflag:$0x2] =	sbarrier.arrive $0xFFFF  }
0x175: {  	p0 =	sne.s32 s0, $0x0;
	s0 =	rddreg [dreg:$0x2]  }
0x176: {  	s0 =	sadd.s32 @!p0 $0x100000, s0  }
0x177: {  	[sflag:s0] =	ssyncadd.tile.s32 @!p0 $0x1;
	_ =	shalt  }
.Lfunc_end2:
_tile_overlayer_lowered:
.L_overlay_start_2:
0x178: {  	(tag) =	ssettag $0x2  }
0x179: {  	s0 =	rddreg [dreg:$0x0];
	s2 =	stileid.u32  }
0x17a: {  	s1 =	rddreg [dreg:$0x1];
	p0 =	sne.s32 s2, $0x0  }
0x17b: {  	s3 =	rddreg [dreg:$0x2];
	[bflag:$0x3] =	sbarrier.arrive $0xFFFF;
	s2 =	simm.s32 @!p0 $0x1C05  }
0x17c: {  	[timem:s3], [sflag:s2] =	dma.local @!p0 [hbm:s0], s1  }
0x17d: {  	s0 =	simm.s32 @!p0 $0x5  }
0x17e: {  	_ =	swait.ge @!p0 [sflag:s0], s1  }
0x17f: {  	s1 =	ssub.s32 @!p0 $0x0, s1;
	[sflag:s0] =	ssyncset.done @!p0 $0x0  }
0x180: {  	[sflag:s0] =	ssyncadd.s32 @!p0 s1  }
0x181: {  	[bflag:$0x3] =	sbarrier.arrive $0xFFFF  }
0x182: {  	_ =	shalt  }

// kernel: sparse-core-data-format-call.cloned.1.call-start
scs
called_computation_lowered:
.L_overlay_start_0:
0x0: {  	s2 =	sld [smem:$0x3FD9]  }
0x1: {  	s3 =	sld [smem:$0x3FFE];
	_ =	sdelay $0x1  }
0x2: {  	s1 =	srdreg.scid  }
0x3: {  	s0 =	sand.u32 $0x1, s1  }
0x4: {  	s18 =	sshll.u32 s0, $0xA;
	s2 =	sadd.s32 s3, s2  }
0x5: {  	s2 =	sadd.s32 s2, s18  }
0x6: {  	[smem:$0x3FC6] =	sst s2  }
0x7: {  	_ = 	snop  }
0x8: {  	s2 =	sld [smem:$0x3FD0];
	(tm) =	ssettm $0x1  }
0x9: {  	s19 =	sld [smem:$0x3FFB];
	_ =	sdelay $0x3  }
0xa: {  	_ =	strace s19  }
0xb: {  	s3 =	sld [smem:$0x3FFC];
	_ =	sdelay $0x3  }
0xc: {  	_ =	strace s3  }
0xd: {  	s3 =	sld [smem:$0x3FFD];
	_ =	sdelay $0x3  }
0xe: {  	_ =	strace s3  }
0xf: {  	_ =	strace $0x8FFFFFFF  }
0x10: {  	s20 =	sld [smem:$0x3FDB];
	_ =	sdelay $0x1  }
0x11: {  	s4 =	simm.s32 $_scs_section_size  }
0x12: {  	s5 =	simm.s32 $_size__tile_overlayer_lowered;
	s6 =	simm.s32 $_tile_overlayer_lowered  }
0x13: {  	s23 =	simm.s32 $0x1BFF;
	s22 =	sshll.u32 s6, $0x1;
	s3 =	sadd.s32 s4, s20  }
0x14: {  	s7 =	simm.s32 $0x0;
	s21 =	sshll.u32 s5, $0x1;
	s5 =	sadd.s32 s22, s3  }
0x15: {  	[timem:s7], [sflag:s23] =	dma.local [hbm:s5], s21  }
0x16: {  	_ =	swait.ge [sflag:s23], s21  }
0x17: {  	s4 =	ssub.s32 $0x0, s21;
	[sflag:s23] =	ssyncset.done $0x0  }
0x18: {  	[sflag:s23] =	ssyncadd.s32 s4;
	_ =	sdelay $0x1  }
0x19: {  	s24 =	simm.s32 $0x1B8B  }
0x1a: {  	_ =	swait.ge [sflag:s24], $0x1  }
0x1b: {  	[sflag:s24] =	ssyncset.done $0x0  }
0x1c: {  	s26 =	simm.s32 $0x1B8E;
	s25 =	sld [smem:$0x3FFE];
	[sflag:s24] =	ssyncadd.s32 $0xFFFFFFFF  }
0x1d: {  	s27 =	simm.s32 $execute0_lowered;
	[smem:$0x3FD2] =	sst s26  }
0x1e: {  	s5 =	sshll.u32 s27, $0x1;
	_ =	strace $0x80000049;
	[dreg:$0x1] =	wrdreg $0xFFFFFFFF  }
0x1f: {  	s28 =	simm.s32 $_size_execute0_lowered;
	s3 =	sadd.s32 s3, s5;
	[dreg:$0x0] =	wrdreg $0x0  }
0x20: {  	s5 =	sshll.u32 s28, $0x1;
	[dreg:$0x2] =	wrdreg s3  }
0x21: {  	[dreg:$0x3] =	wrdreg s5  }
0x22: {  	[dreg:$0x4] =	wrdreg $0xC0  }
0x23: {  	_ =	task [dreg:s7], $0x5FFFF  }
0x24: {  	[dreg:$0x1] =	wrdreg $0xFFFFFFFF  }
0x25: {  	[dreg:$0x0] =	wrdreg $0x60  }
0x26: {  	[dreg:$0x2] =	wrdreg s25  }
0x27: {  	[dreg:$0x3] =	wrdreg s2  }
0x28: {  	[dreg:$0x4] =	wrdreg $0x9  }
0x29: {  	_ =	task.clear_ibuf [dreg:s7], $0x5FFFF;
	_ =	strace $0x90000049  }
0x2a: {  	s29 =	simm.s32 $0x9;
	_ =	strace $0x8000004B  }
0x2b: {  	_ =	swait.ge [sflag:s29], $0x1  }
0x2c: {  	[sflag:s29] =	ssyncadd.s32 $0xFFFFFFFF  }
0x2d: {  	_ =	strace $0x9000004B  }
0x2e: {  	_ =	sfence  }
0x2f: {  	s30 =	sld [smem:$0x0];
	_ =	sdelay $0x2  }
0x30: {  	s31 =	sshll.u32 s1, $0xD;
	s1 =	sshrl.u32 s1, $0x2  }
0x31: {  	s3 =	sand.u32 $0x4000, s31;
	s1 =	sadd.s32 s1, s30  }
0x32: {  	s0 =	sor.u32 s3, s0;
	s1 =	sshll.u32 s1, $0x11  }
0x33: {  	s0 =	sor.u32 s1, s0  }
0x34: {  	s0 =	sadd.s32 $0x8F2B, s0  }
0x35: {  	[sflag:s0] =	ssyncadd.remote.s32 $0x1  }
0x36: {  	_ =	sfence.sel $0xFFFF  }
0x37: {  	[dreg:$0x0] =	wrdreg $0xFFFFFFFF;
	(pc) =	sbr.abs _section_cstart, $3  }
0x38: {  	[dreg:$0x1] =	wrdreg $0xFFFFFFFF  }
0x39: {  	_ =	task.clear_ibuf [dreg:s7], $0x2FFFF;
	_ =	strace $0x9FFFFFFF  }
0x3a: {  	(tm) =	ssettm $0x7FFFFFFF  }
0x3b: {  	_ =	shalt  }
tec
execute0_lowered:
.L_overlay_start_1:
0x0: {  	(tag) =	ssettag $0x1  }
0x1: {  	s0 =	srdreg.scid  }
0x2: {  	s1 =	sshll.u32 s0, $0x4  }
0x3: {  	s5 =	rddreg [dreg:$0x0];
	s0 =	stileid.u32;
	s1 =	sand.u32 $0x10, s1  }
0x4: {  	s3 =	rddreg [dreg:$0x1];
	s31 =	simm.s32 $0x2;
	s4 =	sor.u32 s0, s1  }
0x5: {  	s13 =	simm.s32 $0x0;
	s9 =	simm.s32 $0x400;
	s2 =	sshll.u32 s4, $0x7  }
0x6: {  	s10 =	simm.s32 $0x8000;
	s14 =	simm.s32 $0x0;
	s6 =	ssub.s32 $0x1000, s2  }
0x7: {  	s1 =	rddreg [dreg:$0x2];
	_ =	strace $0x8000004A;
	s7 =	sand.u32 $0xF80, s6  }
0x8: {  	s4 =	sshll.u32 s4, $0xB;
	p0 =	sne.s32 s7, $0x0;
	s7 =	simm.s32 $0x1  }
.Ltmp0:
0x9: {  	s6 =	sshrl.u32 s6, $0xC;
	s7 =	simm.s32 @!p0 $0x0;
	(pc) =	sbr.rel .LBB1_1-.Ltmp0, $4  }
0xa: {  	s8 =	sadd.s32 s4, s5;
	s4 =	simm.s32 $0x1;
	s30 =	sadd.s32 s7, s6  }
0xb: {  	s11 =	simm.s32 $0x0;
	[sflag:s4] =	ssyncpa.u1 $0x0;
	s5 =	smul.u32 $0x64, s30  }
0xc: {  	s12 =	simm.s32 $0x0;
	[sflag:s31] =	ssyncpa.u1 $0x0;
	p0 =	por $0x0, $0x0  }
0xd: {  	s6 =	sadd.s32 $0xA00, s8;
	s7 =	sadd.s32 $0x10A00, s8;
	s8 =	sor.u32 $0x1, s5  }
.LBB1_7:
0xe: {  	s15 =	sadd.s32 $0x2, s11  }
0xf: {  	p2 =	sgt.s32 s15, $0xC7  }
0x10: {  	s15 =	simm.s32 @p2 $0x0;
	p2 =	sne.s32 s12, s8  }
.Ltmp1:
0x11: {  	p1 =	slt.u32 s12, $0x2;
	(pc) =	sbr.rel @!p2 .LBB1_8-.Ltmp1, $4  }
0x12: {  	s13 =	simm.s32 @!p1 $0x2  }
0x13: {  	s16 =	sadd.s32 $0x1, s12;
	s14 =	smov.u32 s11;
	_ =	swait.ge @!p1 [sflag:s13], $0x4000  }
0x14: {  	p0 =	por !p0, !p0;
	s12 =	smov.u32 s16;
	[sflag:s13] =	ssyncset.done @!p1 $0x0  }
0x15: {  	s11 =	smov.u32 s15;
	[sflag:s13] =	ssyncadd.s32 @!p1 $0xFFFFC000;
	s13 =	smov.u32 s2  }
.LBB1_1:
0x16: {  	p1 =	sge.u32 s12, s5  }
0x17: {  	s15 =	sxor.u32 @!p1 $0xFFFFFFFF, s12  }
0x18: {  	s16 =	sshll.u32 @!p1 s11, $0x10;
	s18 =	simm.s32 @!p1 $0x40;
	s15 =	sshll.u32 @!p1 s15, $0xE  }
0x19: {  	s19 =	simm.s32 @!p1 $0x80;
	s17 =	sadd.s32 @!p1 s16, s6;
	s15 =	sand.u32 @!p1 $0x4000, s15  }
0x1a: {  	[tilespmem:s15], [sflag:$0x1] =	stream.strided.gather @!p1 [hbm4b:s17+s18], $0x2000, s19, s18, $0x38;
	[tilespmem:$0x10100] =	vst v63  }
0x1b: {  	s31 =	sadd.s32 $0xFFFFFFFF, s12;
	s16 =	sadd.s32 @!p1 s16, s7;
	s15 =	sor.u32 @!p1 $0x2000, s15  }
0x1c: {  	[tilespmem:s15], [sflag:$0x1] =	stream.strided.gather @!p1 [hbm4b:s16+s18], $0x2000, s19, s18, $0x38;
	[tilespmem:$0x10100] =	vst v63  }
0x1d: {  	p1 =	sge.u32 s31, s5  }
.Ltmp2:
0x1e: {  	_ = 	snop;
	(pc) =	sbr.rel @p1 .LBB1_7-.Ltmp2, $1  }
0x1f: {  	_ =	sdelay $0x3  }
0x20: {  	s15 =	simm.s32 $0x1;
	s17 =	sand.u32 $0x1, s12  }
0x21: {  	_ =	swait.ge [sflag:s4], $0x4000;
	s15 =	simm.s32 @!p0 $0x0;
	s17 =	smul.u32 $0x10200, s17  }
0x22: {  	p2 =	por $0x1, $0x1;
	[sflag:s4] =	ssyncset.done $0x0;
	s16 =	smul.u32 $0x10200, s15  }
0x23: {  	s18 =	sshll.u32 s15, $0x10;
	[sflag:s4] =	ssyncadd.s32 $0xFFFFC000;
	s30 =	sshrl.u32 s17, $0x2  }
0x24: {  	s31 =	sshrl.u32 s18, $0x2;
	s18 =	simm.s32 $0x0;
	s16 =	sshrl.u32 s16, $0x2  }
0x25: {  	s15 =	sor.u32 $0x8000, s30;
	s17 =	sadd.s32 $0x20, s31;
	s16 =	sor.u32 $0x8000, s16  }
.LBB1_3:
0x26: {  	s19 =	sshll.u32 s18, $0xD  }
0x27: {  	s19 =	sand.u32 $0x3FFFE000, s19  }
0x28: {  	s21 =	sadd.s32 s19, s17  }
0x29: {  	s31 =	smul.u32 $0x8100, s18;
	v3 =	vld [tilespmem:s21+$0x10]  }
0x2a: {  	v1 =	vld [tilespmem:s21+$0xFFFFFFF0]  }
0x2b: {  	s18 =	sshra.s32 s31, $0x2;
	v0 =	vld [tilespmem:s21+$0x0]  }
0x2c: {  	s18 =	sadd.s32 s18, s16;
	v2 =	vld [tilespmem:s21+$0xFFFFFFE0]  }
0x2d: {  	s19 =	sadd.s32 $0x0, s18  }
0x2e: {  	p1 =	por p2, p2;
	s20 =	simm.s32 $0x4;
	s21 =	sadd.s32 $0x40, s21;
	[tilespmem:s19+$0x1830 ss:$0x81] =	vst.msk $0xffff, v3  }
.LBB1_4:
0x2f: {  	v3 =	vld [tilespmem:s21+$0x10];
	p2 =	sne.s32 s20, $0x1FC;
	[tilespmem:s19+$0x810 ss:$0x81] =	vst.msk $0xffff, v1;
	s22 =	smov.u32 s20;
	s20 =	sadd.s32 $0x4, s20  }
.Ltmp3:
0x30: {  	v1 =	vld [tilespmem:s21+$0xFFFFFFF0];
	[tilespmem:s19+$0x1020 ss:$0x81] =	vst.msk $0xffff, v0;
	(pc) =	sbr.rel @p2 .LBB1_4-.Ltmp3, $4  }
0x31: {  	v0 =	vld [tilespmem:s21+$0x0];
	[tilespmem:s19+$0x0 ss:$0x81] =	vst.msk $0xffff, v2  }
0x32: {  	s19 =	sshra.s32 s22, $0x2;
	v2 =	vld [tilespmem:s21+$0xFFFFFFE0]  }
0x33: {  	s19 =	sadd.s32 s19, s18  }
0x34: {  	s21 =	sadd.s32 $0x40, s21;
	[tilespmem:s19+$0x1830 ss:$0x81] =	vst.msk $0xffff, v3  }
.Ltmp4:
0x35: {  	(pc) =	sbr.rel @p1 .LBB1_3-.Ltmp4, $4  }
0x36: {  	_ = 	snop  }
0x37: {  	[tilespmem:s19+$0x810 ss:$0x81] =	vst.msk $0xffff, v1  }
0x38: {  	[tilespmem:s19+$0x1020 ss:$0x81] =	vst.msk $0xffff, v0  }
0x39: {  	s18 =	simm.s32 $0x1;
	p2 =	por $0x0, $0x0;
	[tilespmem:s19+$0x0 ss:$0x81] =	vst.msk $0xffff, v2  }
.Ltmp5:
0x3a: {  	(pc) =	sbr.rel .LBB1_7-.Ltmp5, $4  }
0x3b: {  	s14 =	sshll.u32 s14, $0xF  }
0x3c: {  	s14 =	sadd.s32 s3, s14  }
0x3d: {  	s13 =	sadd.s32 s13, s14  }
0x3e: {  	[hbm4b:s13+s9] =	stream.strided.scatter [tilespmem:s15], [sflag:$0x2], $0x4000, s10, s9, $0x20;
	[tilespmem:$0x10100] =	vst v63  }
.LBB1_8:
0x3f: {  	_ =	sfence.sel $0x180000  }
0x40: {  	s2 =	simm.s32 $0x1;
	[bflag:$0x0] =	sbarrier.arrive $0xFFFF  }
0x41: {  	s31 =	simm.s32 $0x2;
	[sflag:s2] =	ssyncpa.u1 $0x1  }
0x42: {  	[sflag:s31] =	ssyncpa.u1 $0x1  }
0x43: {  	p0 =	sne.s32 s0, $0x0;
	_ =	strace $0x9000004A  }
0x44: {  	s0 =	sadd.s32 @!p0 $0x100000, s1;
	[bflag:$0x2] =	sbarrier.arrive $0xFFFF  }
0x45: {  	[sflag:s0] =	ssyncadd.tile.s32 @!p0 $0x1;
	_ =	shalt  }
.Lfunc_end1:
_tile_overlayer_lowered:
.L_overlay_start_2:
0x46: {  	(tag) =	ssettag $0x2  }
0x47: {  	s0 =	rddreg [dreg:$0x0];
	s2 =	stileid.u32  }
0x48: {  	s1 =	rddreg [dreg:$0x1];
	p0 =	sne.s32 s2, $0x0  }
0x49: {  	s3 =	rddreg [dreg:$0x2];
	[bflag:$0x3] =	sbarrier.arrive $0xFFFF;
	s2 =	simm.s32 @!p0 $0x1C01  }
0x4a: {  	[timem:s3], [sflag:s2] =	dma.local @!p0 [hbm:s0], s1  }
0x4b: {  	s0 =	simm.s32 @!p0 $0x1  }
0x4c: {  	_ =	swait.ge @!p0 [sflag:s0], s1  }
0x4d: {  	s1 =	ssub.s32 @!p0 $0x0, s1;
	[sflag:s0] =	ssyncset.done @!p0 $0x0  }
0x4e: {  	[sflag:s0] =	ssyncadd.s32 @!p0 s1  }
0x4f: {  	[bflag:$0x3] =	sbarrier.arrive $0xFFFF  }
0x50: {  	_ =	shalt  }

</sc_bundles>
